<compile_context>
chip_gen: v7x
topology: tpu7x:2x2x1
jax: 0.10.2.dev20260603
libtpu: 0.0.44.dev20260713+nightly
codegen_flags: <defaults>
</compile_context>

<pallas_src>
import functools

import jax
import jax.numpy as jnp
from jax import lax
from jax.experimental import pallas as pl
from jax.experimental.pallas import tpu as pltpu
from jax.experimental.pallas import tpu_sc as plsc

S, D, H, DK, DFF, E = 2048, 768, 12, 64, 3072, 8
T = 256
NPAD = S + (E - 1) * T
NBLK = NPAD // T
CH = 1024
NCH = DFF // CH
F32 = jnp.float32
BF16 = jnp.bfloat16

_PC = pl.pallas_call



def _fiota(shape, dim):
    return lax.broadcasted_iota(jnp.int32, shape, dim).astype(F32)

def _ln(x, g, b):
    m = jnp.mean(x, axis=-1, keepdims=True)
    v = jnp.mean((x - m) ** 2, axis=-1, keepdims=True)
    return (x - m) * lax.rsqrt(v + 1e-5) * g + b


def _dot_nt(a, b):
    return lax.dot_general(a, b, (((1,), (1,)), ((), ())),
                           preferred_element_type=F32)


def _dot_nn(a, b):
    return lax.dot_general(a, b, (((1,), (0,)), ((), ())),
                           preferred_element_type=F32)


def _silu(x):
    return x * jax.nn.sigmoid(x)


def _attn_body(x_ref, ln1g_ref, ln1b_ref,
               qw1_ref, qb1_ref, qw2_ref, qb2_ref,
               kw1_ref, kb1_ref, kw2_ref, kb2_ref,
               vw1_ref, vb1_ref, vw2_ref, vb2_ref,
               o_ref, pq_s, pk_s, v_s):
    tb = 256
    for ci in range(S // tb):
        sl = slice(ci * tb, (ci + 1) * tb)
        x2 = _ln(x_ref[sl, :], ln1g_ref[...], ln1b_ref[...])
        q = _silu(_dot_nt(x2, qw1_ref[...]) + qb1_ref[...]) * (
            _dot_nt(x2, qw2_ref[...]) + qb2_ref[...])
        k = _silu(_dot_nt(x2, kw1_ref[...]) + kb1_ref[...]) * (
            _dot_nt(x2, kw2_ref[...]) + kb2_ref[...])
        v = _silu(_dot_nt(x2, vw1_ref[...]) + vb1_ref[...]) * (
            _dot_nt(x2, vw2_ref[...]) + vb2_ref[...])
        pq_s[sl, :] = jnp.where(q > 0, q + 1.0, jnp.exp(q))
        pk_s[sl, :] = jnp.where(k > 0, k + 1.0, jnp.exp(k))
        v_s[sl, :] = v
    for h in range(H):
        sl = slice(h * DK, (h + 1) * DK)
        pq = pq_s[:, sl]
        pk = pk_s[:, sl]
        v = v_s[:, sl]
        kv = lax.dot_general(pk, v, (((0,), (0,)), ((), ())),
                             preferred_element_type=F32)
        ksum = jnp.sum(pk, axis=0, keepdims=True)
        qks = jnp.sum(pq * ksum, axis=1, keepdims=True)
        o_ref[:, sl] = _dot_nn(pq, kv) / (qks + 1e-6)


def _attn(x, ln1g, ln1b, qw1, qb1, qw2, qb2, kw1, kb1, kw2, kb2,
          vw1, vb1, vw2, vb2):
    full = lambda shape: pl.BlockSpec(shape, lambda: tuple(0 for _ in shape))
    return _PC(
        _attn_body,
        in_specs=[full((S, D)), full((1, D)), full((1, D)),
                  full((D, D)), full((1, D)), full((D, D)), full((1, D)),
                  full((D, D)), full((1, D)), full((D, D)), full((1, D)),
                  full((D, D)), full((1, D)), full((D, D)), full((1, D))],
        out_specs=full((S, D)),
        out_shape=jax.ShapeDtypeStruct((S, D), F32),
        scratch_shapes=[pltpu.VMEM((S, D), F32)] * 3,
    )(x, ln1g, ln1b, qw1, qb1, qw2, qb2, kw1, kb1, kw2, kb2,
      vw1, vb1, vw2, vb2)


def _route_body(x_ref, attn_ref, ow_ref, ob_ref, ln2g_ref, ln2b_ref,
                gw_ref, gb_ref,
                y_ref, x2b_ref, slot_ref, prob_ref, tos_ref, be_ref,
                ranks_ref):
    y = x_ref[...] + _dot_nt(attn_ref[...], ow_ref[...]) + ob_ref[...]
    y_ref[...] = y
    x2b = _ln(y, ln2g_ref[...], ln2b_ref[...])
    x2b_ref[...] = x2b
    logits = _dot_nt(x2b, gw_ref[...]) + gb_ref[...]
    mx = jnp.max(logits, axis=1, keepdims=True)
    iota_e = _fiota((S, E), 1)
    e_idx = jnp.min(jnp.where(logits >= mx, iota_e, float(E)),
                    axis=1, keepdims=True)
    ssum = jnp.sum(jnp.exp(logits - mx), axis=1, keepdims=True)
    topv = 1.0 / ssum
    prob_ref[...] = topv / (topv + 1e-6)
    onehot = (iota_e == e_idx).astype(F32)

    rchunk = 256
    def rank_step(ci, _):
        r0 = ci * rchunk
        row_i = r0 + _fiota((rchunk, S), 0)
        col_j = _fiota((rchunk, S), 1)
        tri = (col_j < row_i).astype(F32)
        ranks_ref[pl.ds(r0, rchunk), :] = _dot_nn(tri, onehot)
        return 0
    lax.fori_loop(0, S // rchunk, rank_step, 0)
    ranks8 = ranks_ref[...]
    rank = jnp.sum(ranks8 * onehot, axis=1, keepdims=True)

    counts = jnp.sum(onehot, axis=0, keepdims=True)
    pc = jnp.floor((counts + (T - 1.0)) * (1.0 / T)) * T
    lt = (_fiota((E, E), 0) <
          _fiota((E, E), 1)).astype(F32)
    off = _dot_nn(pc, lt)
    off_tok = jnp.sum(onehot * off, axis=1, keepdims=True)
    slot = off_tok + rank
    slot_ref[...] = slot.astype(jnp.int32)

    def tos_step(b, _):
        sl_ids = b * T + _fiota((1, T), 1)
        m = slot == sl_ids
        tok_i = _fiota((S, T), 0)
        tos = jnp.sum(jnp.where(m, tok_i, 0.0), axis=0, keepdims=True)
        has = jnp.sum(m.astype(F32), axis=0, keepdims=True) > 0
        fallback = jnp.where(sl_ids >= float(S), sl_ids - float(S), sl_ids)
        tos = jnp.where(has, tos, fallback)
        tos_ref[pl.ds(b, 1), :] = tos.astype(jnp.int32)
        return 0
    lax.fori_loop(0, NBLK, tos_step, 0)

    bstart = _fiota((NBLK, E), 0) * T
    be = jnp.sum((bstart >= off + pc).astype(F32), axis=1, keepdims=True)
    be_ref[...] = jnp.minimum(be, float(E - 1)).astype(jnp.int32)


def _route(x, attn, ow, ob, ln2g, ln2b, gw, gb):
    full = lambda shape: pl.BlockSpec(shape, lambda: tuple(0 for _ in shape))
    return _PC(
        _route_body,
        in_specs=[full((S, D)), full((S, D)), full((D, D)), full((1, D)),
                  full((1, D)), full((1, D)), full((E, D)), full((1, E))],
        out_specs=[full((S, D)), full((S, D)), full((S, 1)), full((S, 1)),
                   full((NBLK, T)), full((NBLK, 1))],
        out_shape=[jax.ShapeDtypeStruct((S, D), F32),
                   jax.ShapeDtypeStruct((S, D), F32),
                   jax.ShapeDtypeStruct((S, 1), jnp.int32),
                   jax.ShapeDtypeStruct((S, 1), F32),
                   jax.ShapeDtypeStruct((NBLK, T), jnp.int32),
                   jax.ShapeDtypeStruct((NBLK, 1), jnp.int32)],
        scratch_shapes=[pltpu.VMEM((S, E), F32)],
    )(x, attn, ow, ob, ln2g, ln2b, gw, gb)


def _sc_row_gather(table, idx):
    _, d = table.shape
    b = idx.shape[0]
    nw = 32
    bpw = b // nw
    mesh = plsc.VectorSubcoreMesh(core_axis_name="c", subcore_axis_name="s")

    @functools.partial(
        pl.kernel,
        out_type=jax.ShapeDtypeStruct((b, d), table.dtype),
        mesh=mesh,
        scratch_types=[pltpu.VMEM((bpw,), jnp.int32),
                       pltpu.VMEM((bpw, d), table.dtype),
                       pltpu.SemaphoreType.DMA],
    )
    def k(table_hbm, idx_hbm, out_hbm, idx_v, rows_v, sem):
        wid = lax.axis_index("s") * 2 + lax.axis_index("c")
        base = wid * bpw
        pltpu.sync_copy(idx_hbm.at[pl.ds(base, bpw)], idx_v)
        pltpu.async_copy(table_hbm.at[idx_v], rows_v, sem).wait()
        pltpu.sync_copy(rows_v, out_hbm.at[pl.ds(base, bpw)])

    return k(table, idx)


def _moe_body(be_ref, xs_ref, ew1_ref, eb1_ref, ew3_ref, eb3_ref,
              ew2_ref, eb2_ref, out_ref, w1b, w3b, w2b, prev_ref):
    c = pl.program_id(0)
    b = pl.program_id(1)
    rows = pl.ds(b * T, T)
    xb = xs_ref[rows, :].astype(BF16)

    h1 = lax.dot_general(xb, ew1_ref[0].astype(BF16),
                         (((1,), (1,)), ((), ())),
                         preferred_element_type=F32) + eb1_ref[0]
    h3 = lax.dot_general(xb, ew3_ref[0].astype(BF16),
                         (((1,), (1,)), ((), ())),
                         preferred_element_type=F32) + eb3_ref[0]
    h = (_silu(h1) * h3).astype(BF16)
    o = lax.dot_general(h, ew2_ref[0].astype(BF16),
                        (((1,), (1,)), ((), ())),
                        preferred_element_type=F32)

    @pl.when(c == 0)
    def _():
        out_ref[rows, :] = o + eb2_ref[0]

    @pl.when(c != 0)
    def _():
        out_ref[rows, :] = out_ref[rows, :] + o


def _moe(be, xs, ew1, eb1, ew3, eb3, ew2, eb2):
    grid_spec = pltpu.PrefetchScalarGridSpec(
        num_scalar_prefetch=1,
        grid=(NCH, NBLK),
        in_specs=[
            pl.BlockSpec((NPAD, D), lambda c, b, be: (0, 0)),
            pl.BlockSpec((1, CH, D), lambda c, b, be: (be[b], c, 0)),
            pl.BlockSpec((1, 1, CH), lambda c, b, be: (be[b], 0, c)),
            pl.BlockSpec((1, CH, D), lambda c, b, be: (be[b], c, 0)),
            pl.BlockSpec((1, 1, CH), lambda c, b, be: (be[b], 0, c)),
            pl.BlockSpec((1, D, CH), lambda c, b, be: (be[b], 0, c)),
            pl.BlockSpec((1, 1, D), lambda c, b, be: (be[b], 0, 0)),
        ],
        out_specs=pl.BlockSpec((NPAD, D), lambda c, b, be: (0, 0)),
        scratch_shapes=[pltpu.VMEM((CH, D), BF16),
                        pltpu.VMEM((CH, D), BF16),
                        pltpu.VMEM((D, CH), BF16),
                        pltpu.SMEM((1,), jnp.int32)],
    )
    return _PC(
        _moe_body,
        grid_spec=grid_spec,
        out_shape=jax.ShapeDtypeStruct((NPAD, D), F32),
    )(be, xs, ew1, eb1, ew3, eb3, ew2, eb2)


def _combine_body(y_ref, g_ref, p_ref, o_ref):
    o_ref[...] = y_ref[...] + g_ref[...] * p_ref[...]


def _combine(y_att, g, probs):
    tb = 256
    row = pl.BlockSpec((tb, D), lambda i: (i, 0))
    prow = pl.BlockSpec((tb, 1), lambda i: (i, 0))
    return _PC(
        _combine_body,
        grid=(S // tb,),
        in_specs=[row, row, prow],
        out_specs=row,
        out_shape=jax.ShapeDtypeStruct((S, D), F32),
    )(y_att, g, probs)


def kernel(x, qp_w1, qp_b1, qp_w2, qp_b2, kp_w1, kp_b1, kp_w2, kp_b2,
           vp_w1, vp_b1, vp_w2, vp_b2, out_w, out_b, ln1_g, ln1_b,
           ln2_g, ln2_b, gate_w, gate_b, ew1, eb1, ew2, eb2, ew3, eb3):
    x2d = x.reshape(S, D)
    r = lambda a: a.reshape(1, -1)
    attn = _attn(x2d, r(ln1_g), r(ln1_b),
                 qp_w1, r(qp_b1), qp_w2, r(qp_b2),
                 kp_w1, r(kp_b1), kp_w2, r(kp_b2),
                 vp_w1, r(vp_b1), vp_w2, r(vp_b2))
    y_att, x2b, slot, probs, tos, be = _route(
        x2d, attn, out_w, r(out_b), r(ln2_g), r(ln2_b), gate_w, r(gate_b))
    xs = _sc_row_gather(x2b, tos.reshape(NPAD))
    ffn = _moe(be.reshape(NBLK), xs, ew1, eb1.reshape(E, 1, DFF),
               ew3, eb3.reshape(E, 1, DFF), ew2, eb2.reshape(E, 1, D))
    g = _sc_row_gather(ffn, slot.reshape(S))
    y = _combine(y_att, g, probs)
    return y.reshape(1, S, D)

# --- scband reference (transcript-rebuilt; emitter-appended) ---
"""Pipeline reference for scband-encoder-layer-71476845740789 (READ-ONLY COPY).

The authoritative reference and input builder live on the scoring server;
editing this copy changes nothing except your own understanding.
"""

import jax, jax.numpy as jnp
import numpy as np

B, S, D, H, DK, DFF, E, TOPK = 1, 2048, 768, 12, 64, 3072, 8, 1

_ORDER = ["x", "qp_w1", "qp_b1", "qp_w2", "qp_b2", "kp_w1", "kp_b1", "kp_w2", "kp_b2", "vp_w1", "vp_b1", "vp_w2", "vp_b2", "out_w", "out_b", "ln1_g", "ln1_b", "ln2_g", "ln2_b", "gate_w", "gate_b", "ew1", "eb1", "ew2", "eb2", "ew3", "eb3"]


def setup_inputs(seed: int = 0) -> dict:
    key = jax.random.key(seed)
    ks = jax.random.split(key, 16)
    def w(i, shape, scale):
        return jax.random.normal(ks[i], shape, dtype=jnp.float32) * scale
    s_d = 1.0 / np.sqrt(D)
    s_ff = 1.0 / np.sqrt(DFF)
    inp = {
        "x": jax.random.normal(ks[0], (B, S, D), dtype=jnp.float32),
        "qp_w1": w(1, (D, D), s_d), "qp_b1": jnp.zeros((D,), jnp.float32),
        "qp_w2": w(2, (D, D), s_d), "qp_b2": jnp.zeros((D,), jnp.float32),
        "kp_w1": w(3, (D, D), s_d), "kp_b1": jnp.zeros((D,), jnp.float32),
        "kp_w2": w(4, (D, D), s_d), "kp_b2": jnp.zeros((D,), jnp.float32),
        "vp_w1": w(5, (D, D), s_d), "vp_b1": jnp.zeros((D,), jnp.float32),
        "vp_w2": w(6, (D, D), s_d), "vp_b2": jnp.zeros((D,), jnp.float32),
        "out_w": w(7, (D, D), s_d), "out_b": jnp.zeros((D,), jnp.float32),
        "ln1_g": jnp.ones((D,), jnp.float32), "ln1_b": jnp.zeros((D,), jnp.float32),
        "ln2_g": jnp.ones((D,), jnp.float32), "ln2_b": jnp.zeros((D,), jnp.float32),
        "gate_w": w(8, (E, D), s_d), "gate_b": jnp.zeros((E,), jnp.float32),
        "ew1": w(9, (E, DFF, D), s_d), "eb1": jnp.zeros((E, DFF), jnp.float32),
        "ew2": w(10, (E, D, DFF), s_ff), "eb2": jnp.zeros((E, D), jnp.float32),
        "ew3": w(11, (E, DFF, D), s_d), "eb3": jnp.zeros((E, DFF), jnp.float32),
    }
    return inp


def _silu(x):
    return x * jax.nn.sigmoid(x)


def _ln(x, g, b):
    m = x.mean(-1, keepdims=True)
    v = ((x - m) ** 2).mean(-1, keepdims=True)
    return (x - m) / jnp.sqrt(v + 1e-5) * g + b


def _proj(x, w1, b1, w2, b2):
    return _silu(x @ w1.T + b1) * (x @ w2.T + b2)


def _forward(x, qp_w1, qp_b1, qp_w2, qp_b2, kp_w1, kp_b1, kp_w2, kp_b2, vp_w1, vp_b1, vp_w2, vp_b2, out_w, out_b, ln1_g, ln1_b, ln2_g, ln2_b, gate_w, gate_b, ew1, eb1, ew2, eb2, ew3, eb3):
    x2 = _ln(x, ln1_g, ln1_b)
    q = _proj(x2, qp_w1, qp_b1, qp_w2, qp_b2).reshape(B, S, H, DK).transpose(0, 2, 1, 3)
    k = _proj(x2, kp_w1, kp_b1, kp_w2, kp_b2).reshape(B, S, H, DK).transpose(0, 2, 1, 3)
    v = _proj(x2, vp_w1, vp_b1, vp_w2, vp_b2).reshape(B, S, H, DK).transpose(0, 2, 1, 3)
    phi_q = jax.nn.elu(q) + 1.0
    phi_k = jax.nn.elu(k) + 1.0
    kv = jnp.einsum('bhsd,bhse->bhde', phi_k, v)
    ksum = phi_k.sum(axis=2)
    qks = jnp.einsum('bhsd,bhd->bhs', phi_q, ksum)
    attn = jnp.einsum('bhsd,bhde->bhse', phi_q, kv) / (qks[..., None] + 1e-6)
    attn = attn.transpose(0, 2, 1, 3).reshape(B, S, D)
    x = x + (attn @ out_w.T + out_b)
    x2 = _ln(x, ln2_g, ln2_b)
    gl = x2 @ gate_w.T + gate_b
    gp = jax.nn.softmax(gl, axis=-1)
    topv, topi = jax.lax.top_k(gp, TOPK)
    topv = topv / (topv.sum(-1, keepdims=True) + 1e-6)
    out = jnp.zeros_like(x2)
    for kk in range(TOPK):
        eidx = topi[..., kk]
        probs = topv[..., kk][..., None]
        for e in range(E):
            mask = (eidx == e).astype(x2.dtype)[..., None]
            xm = x2 * mask
            h = _silu(xm @ ew1[e].T + eb1[e]) * (xm @ ew3[e].T + eb3[e])
            eo = h @ ew2[e].T + eb2[e]
            out = out + eo * probs * mask
    return x + out


def reference(x, qp_w1, qp_b1, qp_w2, qp_b2, kp_w1, kp_b1, kp_w2, kp_b2, vp_w1, vp_b1, vp_w2, vp_b2, out_w, out_b, ln1_g, ln1_b, ln2_g, ln2_b, gate_w, gate_b, ew1, eb1, ew2, eb2, ew3, eb3):
    kw = {n: v for n, v in zip(_ORDER, (x, qp_w1, qp_b1, qp_w2, qp_b2, kp_w1, kp_b1, kp_w2, kp_b2, vp_w1, vp_b1, vp_w2, vp_b2, out_w, out_b, ln1_g, ln1_b, ln2_g, ln2_b, gate_w, gate_b, ew1, eb1, ew2, eb2, ew3, eb3))}
    return _forward(*[kw[n] for n in _ORDER])

if __name__ == "__main__":
    import jax
    _d = setup_inputs()
    print(jax.jit(kernel)(*tuple(_d.values())))

</pallas_src>

<mosaic_0001>
#map = affine_map<(d0, d1) -> (0, 0)>
#map1 = affine_map<(d0, d1) -> (0)>
module attributes {stable_mosaic.version = 14 : i64} {
  func.func @k(%arg0: i32, %arg1: i32, %arg2: memref<3840x768xf32, #tpu.memory_space<hbm>>, %arg3: memref<2048xi32, #tpu.memory_space<hbm>>, %arg4: memref<2048x768xf32, #tpu.memory_space<hbm>>, %arg5: memref<64xi32, #tpu.memory_space<vmem>>, %arg6: memref<64x768xf32, #tpu.memory_space<vmem>>, %arg7: memref<!tpu.dma_semaphore, #tpu.memory_space<semaphore_mem>>) attributes {dimension_semantics = [#tpu.dimension_semantics<core_parallel>, #tpu.dimension_semantics<subcore_parallel>], iteration_bounds = array<i64: 2, 16>, scalar_prefetch = 0 : i64, scratch_operands = 3 : i64, tpu.core_type = #tpu.core_type<sc_vector_subcore>, window_params = [{transform_indices = #map}, {transform_indices = #map1}, {transform_indices = #map}]} {
    %mul3A = arith.constant 2 : i32
    %mul3A_0 = arith.muli %arg1, %mul3A : i32
    %add3A = arith.addi %mul3A_0, %arg0 : i32
    %mul3A_1 = arith.constant 64 : i32
    %mul3A_2 = arith.muli %add3A, %mul3A_1 : i32
    "tpu.region"() ({
      %run_scoped3A = tpu.sem_alloc : memref<!tpu.dma_semaphore, #tpu.memory_space<semaphore_mem>>
      %dma_start3A_7 = tpu.memref_slice %arg3[%mul3A_2] : memref<2048xi32, #tpu.memory_space<hbm>> -> memref<64xi32, #tpu.memory_space<hbm>>
      %dma_start3A_8 = tpu.memref_slice %arg3[%mul3A_2] : memref<2048xi32, #tpu.memory_space<hbm>> -> memref<64xi32, #tpu.memory_space<hbm>>
      tpu.enqueue_dma source(%dma_start3A_8 : memref<64xi32, #tpu.memory_space<hbm>>) target(%arg5 : memref<64xi32, #tpu.memory_space<vmem>>) target_semaphore(%run_scoped3A : memref<!tpu.dma_semaphore, #tpu.memory_space<semaphore_mem>>)
      %dma_wait3A_9 = tpu.memref_slice %arg3[%mul3A_2] : memref<2048xi32, #tpu.memory_space<hbm>> -> memref<64xi32, #tpu.memory_space<hbm>>
      %dma_wait3A_10 = tpu.memref_slice %arg3[%mul3A_2] : memref<2048xi32, #tpu.memory_space<hbm>> -> memref<64xi32, #tpu.memory_space<hbm>>
      tpu.wait_dma2 semaphore(%run_scoped3A : memref<!tpu.dma_semaphore, #tpu.memory_space<semaphore_mem>>) src(%dma_wait3A_10 : memref<64xi32, #tpu.memory_space<hbm>>) dst(%arg5 : memref<64xi32, #tpu.memory_space<vmem>>)
      tpu.yield
    }) : () -> ()
    %dma_start3A = arith.constant 0 : i32
    %dma_start3A_3 = arith.constant 0 : i32
    %dma_start3A_4 = tpu.memref_slice %arg2[%dma_start3A, %dma_start3A_3] : memref<3840x768xf32, #tpu.memory_space<hbm>> -> memref<3840x768xf32, #tpu.memory_space<hbm>>
    tpu.enqueue_indirect_dma source(%dma_start3A_4 : memref<3840x768xf32, #tpu.memory_space<hbm>>) target(%arg6 : memref<64x768xf32, #tpu.memory_space<vmem>>) offsets(%arg5 : memref<64xi32, #tpu.memory_space<vmem>>) semaphore(%arg7 : memref<!tpu.dma_semaphore, #tpu.memory_space<semaphore_mem>>)
    %dma_wait3A = arith.constant 0 : i32
    %dma_wait3A_5 = arith.constant 0 : i32
    %dma_wait3A_6 = tpu.memref_slice %arg2[%dma_wait3A, %dma_wait3A_5] : memref<3840x768xf32, #tpu.memory_space<hbm>> -> memref<3840x768xf32, #tpu.memory_space<hbm>>
    tpu.wait_indirect_dma semaphore(%arg7 : memref<!tpu.dma_semaphore, #tpu.memory_space<semaphore_mem>>) src(%dma_wait3A_6 : memref<3840x768xf32, #tpu.memory_space<hbm>>) dst(%arg6 : memref<64x768xf32, #tpu.memory_space<vmem>>)
    "tpu.region"() ({
      %run_scoped3A = tpu.sem_alloc : memref<!tpu.dma_semaphore, #tpu.memory_space<semaphore_mem>>
      %dma_start3A_7 = arith.constant 0 : i32
      %dma_start3A_8 = tpu.memref_slice %arg4[%mul3A_2, %dma_start3A_7] : memref<2048x768xf32, #tpu.memory_space<hbm>> -> memref<64x768xf32, #tpu.memory_space<hbm>>
      %dma_start3A_9 = arith.constant 0 : i32
      %dma_start3A_10 = tpu.memref_slice %arg4[%mul3A_2, %dma_start3A_9] : memref<2048x768xf32, #tpu.memory_space<hbm>> -> memref<64x768xf32, #tpu.memory_space<hbm>>
      tpu.enqueue_dma source(%arg6 : memref<64x768xf32, #tpu.memory_space<vmem>>) target(%dma_start3A_10 : memref<64x768xf32, #tpu.memory_space<hbm>>) target_semaphore(%run_scoped3A : memref<!tpu.dma_semaphore, #tpu.memory_space<semaphore_mem>>)
      %dma_wait3A_11 = arith.constant 0 : i32
      %dma_wait3A_12 = tpu.memref_slice %arg4[%mul3A_2, %dma_wait3A_11] : memref<2048x768xf32, #tpu.memory_space<hbm>> -> memref<64x768xf32, #tpu.memory_space<hbm>>
      %dma_wait3A_13 = arith.constant 0 : i32
      %dma_wait3A_14 = tpu.memref_slice %arg4[%mul3A_2, %dma_wait3A_13] : memref<2048x768xf32, #tpu.memory_space<hbm>> -> memref<64x768xf32, #tpu.memory_space<hbm>>
      tpu.wait_dma2 semaphore(%run_scoped3A : memref<!tpu.dma_semaphore, #tpu.memory_space<semaphore_mem>>) src(%arg6 : memref<64x768xf32, #tpu.memory_space<vmem>>) dst(%dma_wait3A_14 : memref<64x768xf32, #tpu.memory_space<hbm>>)
      tpu.yield
    }) : () -> ()
    return
  }
}

#map = affine_map<(d0, d1) -> (0, 0)>
#map1 = affine_map<(d0, d1) -> (0)>
module attributes {stable_mosaic.version = 14 : i64} {
  func.func @k(%arg0: i32, %arg1: i32, %arg2: memref<2048x768xf32, #tpu.memory_space<hbm>>, %arg3: memref<3840xi32, #tpu.memory_space<hbm>>, %arg4: memref<3840x768xf32, #tpu.memory_space<hbm>>, %arg5: memref<120xi32, #tpu.memory_space<vmem>>, %arg6: memref<120x768xf32, #tpu.memory_space<vmem>>, %arg7: memref<!tpu.dma_semaphore, #tpu.memory_space<semaphore_mem>>) attributes {dimension_semantics = [#tpu.dimension_semantics<core_parallel>, #tpu.dimension_semantics<subcore_parallel>], iteration_bounds = array<i64: 2, 16>, scalar_prefetch = 0 : i64, scratch_operands = 3 : i64, tpu.core_type = #tpu.core_type<sc_vector_subcore>, window_params = [{transform_indices = #map}, {transform_indices = #map1}, {transform_indices = #map}]} {
    %mul3A = arith.constant 2 : i32
    %mul3A_0 = arith.muli %arg1, %mul3A : i32
    %add3A = arith.addi %mul3A_0, %arg0 : i32
    %mul3A_1 = arith.constant 120 : i32
    %mul3A_2 = arith.muli %add3A, %mul3A_1 : i32
    "tpu.region"() ({
      %run_scoped3A = tpu.sem_alloc : memref<!tpu.dma_semaphore, #tpu.memory_space<semaphore_mem>>
      %dma_start3A_7 = tpu.memref_slice %arg3[%mul3A_2] : memref<3840xi32, #tpu.memory_space<hbm>> -> memref<120xi32, #tpu.memory_space<hbm>>
      %dma_start3A_8 = tpu.memref_slice %arg3[%mul3A_2] : memref<3840xi32, #tpu.memory_space<hbm>> -> memref<120xi32, #tpu.memory_space<hbm>>
      tpu.enqueue_dma source(%dma_start3A_8 : memref<120xi32, #tpu.memory_space<hbm>>) target(%arg5 : memref<120xi32, #tpu.memory_space<vmem>>) target_semaphore(%run_scoped3A : memref<!tpu.dma_semaphore, #tpu.memory_space<semaphore_mem>>)
      %dma_wait3A_9 = tpu.memref_slice %arg3[%mul3A_2] : memref<3840xi32, #tpu.memory_space<hbm>> -> memref<120xi32, #tpu.memory_space<hbm>>
      %dma_wait3A_10 = tpu.memref_slice %arg3[%mul3A_2] : memref<3840xi32, #tpu.memory_space<hbm>> -> memref<120xi32, #tpu.memory_space<hbm>>
      tpu.wait_dma2 semaphore(%run_scoped3A : memref<!tpu.dma_semaphore, #tpu.memory_space<semaphore_mem>>) src(%dma_wait3A_10 : memref<120xi32, #tpu.memory_space<hbm>>) dst(%arg5 : memref<120xi32, #tpu.memory_space<vmem>>)
      tpu.yield
    }) : () -> ()
    %dma_start3A = arith.constant 0 : i32
    %dma_start3A_3 = arith.constant 0 : i32
    %dma_start3A_4 = tpu.memref_slice %arg2[%dma_start3A, %dma_start3A_3] : memref<2048x768xf32, #tpu.memory_space<hbm>> -> memref<2048x768xf32, #tpu.memory_space<hbm>>
    tpu.enqueue_indirect_dma source(%dma_start3A_4 : memref<2048x768xf32, #tpu.memory_space<hbm>>) target(%arg6 : memref<120x768xf32, #tpu.memory_space<vmem>>) offsets(%arg5 : memref<120xi32, #tpu.memory_space<vmem>>) semaphore(%arg7 : memref<!tpu.dma_semaphore, #tpu.memory_space<semaphore_mem>>)
    %dma_wait3A = arith.constant 0 : i32
    %dma_wait3A_5 = arith.constant 0 : i32
    %dma_wait3A_6 = tpu.memref_slice %arg2[%dma_wait3A, %dma_wait3A_5] : memref<2048x768xf32, #tpu.memory_space<hbm>> -> memref<2048x768xf32, #tpu.memory_space<hbm>>
    tpu.wait_indirect_dma semaphore(%arg7 : memref<!tpu.dma_semaphore, #tpu.memory_space<semaphore_mem>>) src(%dma_wait3A_6 : memref<2048x768xf32, #tpu.memory_space<hbm>>) dst(%arg6 : memref<120x768xf32, #tpu.memory_space<vmem>>)
    "tpu.region"() ({
      %run_scoped3A = tpu.sem_alloc : memref<!tpu.dma_semaphore, #tpu.memory_space<semaphore_mem>>
      %dma_start3A_7 = arith.constant 0 : i32
      %dma_start3A_8 = tpu.memref_slice %arg4[%mul3A_2, %dma_start3A_7] : memref<3840x768xf32, #tpu.memory_space<hbm>> -> memref<120x768xf32, #tpu.memory_space<hbm>>
      %dma_start3A_9 = arith.constant 0 : i32
      %dma_start3A_10 = tpu.memref_slice %arg4[%mul3A_2, %dma_start3A_9] : memref<3840x768xf32, #tpu.memory_space<hbm>> -> memref<120x768xf32, #tpu.memory_space<hbm>>
      tpu.enqueue_dma source(%arg6 : memref<120x768xf32, #tpu.memory_space<vmem>>) target(%dma_start3A_10 : memref<120x768xf32, #tpu.memory_space<hbm>>) target_semaphore(%run_scoped3A : memref<!tpu.dma_semaphore, #tpu.memory_space<semaphore_mem>>)
      %dma_wait3A_11 = arith.constant 0 : i32
      %dma_wait3A_12 = tpu.memref_slice %arg4[%mul3A_2, %dma_wait3A_11] : memref<3840x768xf32, #tpu.memory_space<hbm>> -> memref<120x768xf32, #tpu.memory_space<hbm>>
      %dma_wait3A_13 = arith.constant 0 : i32
      %dma_wait3A_14 = tpu.memref_slice %arg4[%mul3A_2, %dma_wait3A_13] : memref<3840x768xf32, #tpu.memory_space<hbm>> -> memref<120x768xf32, #tpu.memory_space<hbm>>
      tpu.wait_dma2 semaphore(%run_scoped3A : memref<!tpu.dma_semaphore, #tpu.memory_space<semaphore_mem>>) src(%arg6 : memref<120x768xf32, #tpu.memory_space<vmem>>) dst(%dma_wait3A_14 : memref<120x768xf32, #tpu.memory_space<hbm>>)
      tpu.yield
    }) : () -> ()
    return
  }
}

module attributes {stable_mosaic.version = 14 : i64} {
  func.func @_route_body(%arg0: memref<2048x768xf32, #tpu.memory_space<vmem>>, %arg1: memref<2048x768xf32, #tpu.memory_space<vmem>>, %arg2: memref<768x768xf32, #tpu.memory_space<vmem>>, %arg3: memref<1x768xf32, #tpu.memory_space<vmem>>, %arg4: memref<1x768xf32, #tpu.memory_space<vmem>>, %arg5: memref<1x768xf32, #tpu.memory_space<vmem>>, %arg6: memref<8x768xf32, #tpu.memory_space<vmem>>, %arg7: memref<1x8xf32, #tpu.memory_space<vmem>>, %arg8: memref<2048x768xf32, #tpu.memory_space<vmem>>, %arg9: memref<2048x768xf32, #tpu.memory_space<vmem>>, %arg10: memref<2048x1xi32, #tpu.memory_space<vmem>>, %arg11: memref<2048x1xf32, #tpu.memory_space<vmem>>, %arg12: memref<15x256xi32, #tpu.memory_space<vmem>>, %arg13: memref<15x1xi32, #tpu.memory_space<vmem>>, %arg14: memref<2048x8xf32, #tpu.memory_space<vmem>>) attributes {dimension_semantics = [], scalar_prefetch = 0 : i64, scratch_operands = 1 : i64, tpu.core_type = #tpu.core_type<tc>} {
    %get3A = arith.constant 0 : index
    %get3A_0 = arith.constant 0 : index
    %get3A_1 = vector.load %arg0[%get3A, %get3A_0] : memref<2048x768xf32, #tpu.memory_space<vmem>>, vector<2048x768xf32>
    %get3A_2 = arith.constant 0 : index
    %get3A_3 = arith.constant 0 : index
    %get3A_4 = vector.load %arg1[%get3A_2, %get3A_3] : memref<2048x768xf32, #tpu.memory_space<vmem>>, vector<2048x768xf32>
    %get3A_5 = arith.constant 0 : index
    %get3A_6 = arith.constant 0 : index
    %get3A_7 = vector.load %arg2[%get3A_5, %get3A_6] : memref<768x768xf32, #tpu.memory_space<vmem>>, vector<768x768xf32>
    %dot_general3A = arith.constant dense<0.000000e+00> : vector<2048x768xf32>
    %dot_general3A_8 = tpu.matmul %get3A_4, %get3A_7, %dot_general3A {dimension_numbers = #tpu.dot_dimension_numbers<[1], [1], [0], [0], [0, 0, 1, 0], [], []>, transpose_lhs_hint = false} : vector<2048x768xf32>, vector<768x768xf32>, vector<2048x768xf32> -> vector<2048x768xf32>
    %add3A = arith.addf %get3A_1, %dot_general3A_8 : vector<2048x768xf32>
    %get3A_9 = arith.constant 0 : index
    %get3A_10 = arith.constant 0 : index
    %get3A_11 = vector.load %arg3[%get3A_9, %get3A_10] : memref<1x768xf32, #tpu.memory_space<vmem>>, vector<1x768xf32>
    %add3A_12 = vector.broadcast %get3A_11 : vector<1x768xf32> to vector<2048x768xf32>
    %add3A_13 = arith.addf %add3A, %add3A_12 : vector<2048x768xf32>
    %swap3A = arith.constant 0 : index
    %swap3A_14 = arith.constant 0 : index
    %swap3A_15 = vector.load %arg8[%swap3A, %swap3A_14] : memref<2048x768xf32, #tpu.memory_space<vmem>>, vector<2048x768xf32>
    tpu.vector_store %arg8[%swap3A, %swap3A_14], %add3A_13 {strides = array<i32>} : memref<2048x768xf32, #tpu.memory_space<vmem>>, vector<2048x768xf32>,
    %get3A_16 = arith.constant 0 : index
    %get3A_17 = arith.constant 0 : index
    %get3A_18 = vector.load %arg4[%get3A_16, %get3A_17] : memref<1x768xf32, #tpu.memory_space<vmem>>, vector<1x768xf32>
    %get3A_19 = arith.constant 0 : index
    %get3A_20 = arith.constant 0 : index
    %get3A_21 = vector.load %arg5[%get3A_19, %get3A_20] : memref<1x768xf32, #tpu.memory_space<vmem>>, vector<1x768xf32>
    %reduce_sum3A = arith.constant dense<0.000000e+00> : vector<2048xf32>
    %reduce_sum3A_22 = vector.multi_reduction <add>, %add3A_13, %reduce_sum3A [1] : vector<2048x768xf32> to vector<2048xf32>
    %broadcast_in_dim3A = vector.shape_cast %reduce_sum3A_22 : vector<2048xf32> to vector<2048x1xf32>
    %div3A = arith.constant 7.680000e+02 : f32
    %div3A_23 = vector.broadcast %div3A : f32 to vector<2048x1xf32>
    %div3A_24 = arith.divf %broadcast_in_dim3A, %div3A_23 : vector<2048x1xf32>
    %sub3A = vector.broadcast %div3A_24 : vector<2048x1xf32> to vector<2048x768xf32>
    %sub3A_25 = arith.subf %add3A_13, %sub3A : vector<2048x768xf32>
    %integer_pow3A = arith.mulf %sub3A_25, %sub3A_25 : vector<2048x768xf32>
    %reduce_sum3A_26 = arith.constant dense<0.000000e+00> : vector<2048xf32>
    %reduce_sum3A_27 = vector.multi_reduction <add>, %integer_pow3A, %reduce_sum3A_26 [1] : vector<2048x768xf32> to vector<2048xf32>
    %broadcast_in_dim3A_28 = vector.shape_cast %reduce_sum3A_27 : vector<2048xf32> to vector<2048x1xf32>
    %div3A_29 = arith.constant 7.680000e+02 : f32
    %div3A_30 = vector.broadcast %div3A_29 : f32 to vector<2048x1xf32>
    %div3A_31 = arith.divf %broadcast_in_dim3A_28, %div3A_30 : vector<2048x1xf32>
    %sub3A_32 = vector.broadcast %div3A_24 : vector<2048x1xf32> to vector<2048x768xf32>
    %sub3A_33 = arith.subf %add3A_13, %sub3A_32 : vector<2048x768xf32>
    %add3A_34 = arith.constant 9.99999974E-6 : f32
    %add3A_35 = vector.broadcast %add3A_34 : f32 to vector<2048x1xf32>
    %add3A_36 = arith.addf %div3A_31, %add3A_35 : vector<2048x1xf32>
    %sqrt3A = math.sqrt %add3A_36 : vector<2048x1xf32>
    %div3A_37 = vector.broadcast %sqrt3A : vector<2048x1xf32> to vector<2048x768xf32>
    %div3A_38 = arith.divf %sub3A_33, %div3A_37 : vector<2048x768xf32>
    %mul3A = vector.broadcast %get3A_18 : vector<1x768xf32> to vector<2048x768xf32>
    %mul3A_39 = arith.mulf %div3A_38, %mul3A : vector<2048x768xf32>
    %add3A_40 = vector.broadcast %get3A_21 : vector<1x768xf32> to vector<2048x768xf32>
    %add3A_41 = arith.addf %mul3A_39, %add3A_40 : vector<2048x768xf32>
    %swap3A_42 = arith.constant 0 : index
    %swap3A_43 = arith.constant 0 : index
    %swap3A_44 = vector.load %arg9[%swap3A_42, %swap3A_43] : memref<2048x768xf32, #tpu.memory_space<vmem>>, vector<2048x768xf32>
    tpu.vector_store %arg9[%swap3A_42, %swap3A_43], %add3A_41 {strides = array<i32>} : memref<2048x768xf32, #tpu.memory_space<vmem>>, vector<2048x768xf32>,
    %get3A_45 = arith.constant 0 : index
    %get3A_46 = arith.constant 0 : index
    %get3A_47 = vector.load %arg6[%get3A_45, %get3A_46] : memref<8x768xf32, #tpu.memory_space<vmem>>, vector<8x768xf32>
    %dot_general3A_48 = arith.constant dense<0.000000e+00> : vector<2048x8xf32>
    %dot_general3A_49 = tpu.matmul %add3A_41, %get3A_47, %dot_general3A_48 {dimension_numbers = #tpu.dot_dimension_numbers<[1], [1], [0], [0], [0, 0, 1, 0], [], []>, transpose_lhs_hint = false} : vector<2048x768xf32>, vector<8x768xf32>, vector<2048x8xf32> -> vector<2048x8xf32>
    %get3A_50 = arith.constant 0 : index
    %get3A_51 = arith.constant 0 : index
    %get3A_52 = vector.load %arg7[%get3A_50, %get3A_51] : memref<1x8xf32, #tpu.memory_space<vmem>>, vector<1x8xf32>
    %add3A_53 = vector.broadcast %get3A_52 : vector<1x8xf32> to vector<2048x8xf32>
    %add3A_54 = arith.addf %dot_general3A_49, %add3A_53 : vector<2048x8xf32>
    %reduce_max3A = arith.constant dense<0xFF800000> : vector<2048xf32>
    %reduce_max3A_55 = vector.multi_reduction <maximumf>, %add3A_54, %reduce_max3A [1] : vector<2048x8xf32> to vector<2048xf32>
    %broadcast_in_dim3A_56 = vector.shape_cast %reduce_max3A_55 : vector<2048xf32> to vector<2048x1xf32>
    %iota3A = tpu.iota {dimensions = array<i32: 1>} : vector<2048x8xi32>
    %convert_element_type3A = arith.sitofp %iota3A : vector<2048x8xi32> to vector<2048x8xf32>
    %ge3A = vector.broadcast %broadcast_in_dim3A_56 : vector<2048x1xf32> to vector<2048x8xf32>
    %ge3A_57 = arith.cmpf oge, %add3A_54, %ge3A : vector<2048x8xf32>
    %jit3A = arith.constant 8.000000e+00 : f32
    %broadcast_in_dim3A_58 = vector.broadcast %jit3A : f32 to vector<2048x8xf32>
    %select_n3A = arith.select %ge3A_57, %convert_element_type3A, %broadcast_in_dim3A_58 : vector<2048x8xi1>, vector<2048x8xf32>
    %reduce_min3A = arith.constant dense<0x7F800000> : vector<2048xf32>
    %reduce_min3A_59 = vector.multi_reduction <minimumf>, %select_n3A, %reduce_min3A [1] : vector<2048x8xf32> to vector<2048xf32>
    %broadcast_in_dim3A_60 = vector.shape_cast %reduce_min3A_59 : vector<2048xf32> to vector<2048x1xf32>
    %sub3A_61 = vector.broadcast %broadcast_in_dim3A_56 : vector<2048x1xf32> to vector<2048x8xf32>
    %sub3A_62 = arith.subf %add3A_54, %sub3A_61 : vector<2048x8xf32>
    %exp3A = math.exp %sub3A_62 : vector<2048x8xf32>
    %reduce_sum3A_63 = arith.constant dense<0.000000e+00> : vector<2048xf32>
    %reduce_sum3A_64 = vector.multi_reduction <add>, %exp3A, %reduce_sum3A_63 [1] : vector<2048x8xf32> to vector<2048xf32>
    %broadcast_in_dim3A_65 = vector.shape_cast %reduce_sum3A_64 : vector<2048xf32> to vector<2048x1xf32>
    %div3A_66 = arith.constant 1.000000e+00 : f32
    %div3A_67 = vector.broadcast %div3A_66 : f32 to vector<2048x1xf32>
    %div3A_68 = arith.divf %div3A_67, %broadcast_in_dim3A_65 : vector<2048x1xf32>
    %add3A_69 = arith.constant 9.99999997E-7 : f32
    %add3A_70 = vector.broadcast %add3A_69 : f32 to vector<2048x1xf32>
    %add3A_71 = arith.addf %div3A_68, %add3A_70 : vector<2048x1xf32>
    %div3A_72 = arith.divf %div3A_68, %add3A_71 : vector<2048x1xf32>
    %swap3A_73 = arith.constant 0 : index
    %swap3A_74 = arith.constant 0 : index
    %swap3A_75 = vector.load %arg11[%swap3A_73, %swap3A_74] : memref<2048x1xf32, #tpu.memory_space<vmem>>, vector<2048x1xf32>
    tpu.vector_store %arg11[%swap3A_73, %swap3A_74], %div3A_72 {strides = array<i32>} : memref<2048x1xf32, #tpu.memory_space<vmem>>, vector<2048x1xf32>,
    %eq3A = vector.broadcast %broadcast_in_dim3A_60 : vector<2048x1xf32> to vector<2048x8xf32>
    %eq3A_76 = arith.cmpf oeq, %convert_element_type3A, %eq3A : vector<2048x8xf32>
    %convert_element_type3A_77 = arith.extui %eq3A_76 : vector<2048x8xi1> to vector<2048x8xi32>
    %convert_element_type3A_78 = arith.sitofp %convert_element_type3A_77 : vector<2048x8xi32> to vector<2048x8xf32>
    %scan3A = arith.constant 0 : i32
    %scan3A_79 = arith.constant 8 : i32
    %scan3A_80 = arith.addi %scan3A, %scan3A_79 : i32
    %scan3A_81 = arith.constant 1 : i32
    scf.for %scan3A_144 = %scan3A to %scan3A_80 step %scan3A_81  : i32 {
      %mul3A_145 = arith.constant 256 : i32
      %mul3A_146 = arith.muli %scan3A_144, %mul3A_145 : i32
      %iota3A_147 = tpu.iota {dimensions = array<i32: 0>} : vector<256x2048xi32>
      %convert_element_type3A_148 = arith.sitofp %iota3A_147 : vector<256x2048xi32> to vector<256x2048xf32>
      %convert_element_type3A_149 = arith.sitofp %mul3A_146 : i32 to f32
      %add3A_150 = vector.broadcast %convert_element_type3A_149 : f32 to vector<256x2048xf32>
      %add3A_151 = arith.addf %add3A_150, %convert_element_type3A_148 : vector<256x2048xf32>
      %iota3A_152 = tpu.iota {dimensions = array<i32: 1>} : vector<256x2048xi32>
      %convert_element_type3A_153 = arith.sitofp %iota3A_152 : vector<256x2048xi32> to vector<256x2048xf32>
      %lt3A_154 = arith.cmpf olt, %convert_element_type3A_153, %add3A_151 : vector<256x2048xf32>
      %convert_element_type3A_155 = arith.extui %lt3A_154 : vector<256x2048xi1> to vector<256x2048xi32>
      %convert_element_type3A_156 = arith.sitofp %convert_element_type3A_155 : vector<256x2048xi32> to vector<256x2048xf32>
      %dot_general3A_157 = arith.constant dense<0.000000e+00> : vector<256x8xf32>
      %dot_general3A_158 = tpu.matmul %convert_element_type3A_156, %convert_element_type3A_78, %dot_general3A_157 {dimension_numbers = #tpu.dot_dimension_numbers<[1], [0], [0], [1], [0, 0, 1, 1], [], []>, transpose_lhs_hint = false} : vector<256x2048xf32>, vector<2048x8xf32>, vector<256x8xf32> -> vector<256x8xf32>
      %swap3A_159 = arith.index_cast %mul3A_146 : i32 to index
      %swap3A_160 = arith.constant 0 : index
      %swap3A_161 = vector.load %arg14[%swap3A_159, %swap3A_160] : memref<2048x8xf32, #tpu.memory_space<vmem>>, vector<256x8xf32>
      tpu.vector_store %arg14[%swap3A_159, %swap3A_160], %dot_general3A_158 {strides = array<i32>} : memref<2048x8xf32, #tpu.memory_space<vmem>>, vector<256x8xf32>,
    }
    %scan3A_82 = arith.constant 8 : i32
    %get3A_83 = arith.constant 0 : index
    %get3A_84 = arith.constant 0 : index
    %get3A_85 = vector.load %arg14[%get3A_83, %get3A_84] : memref<2048x8xf32, #tpu.memory_space<vmem>>, vector<2048x8xf32>
    %mul3A_86 = arith.mulf %get3A_85, %convert_element_type3A_78 : vector<2048x8xf32>
    %reduce_sum3A_87 = arith.constant dense<0.000000e+00> : vector<2048xf32>
    %reduce_sum3A_88 = vector.multi_reduction <add>, %mul3A_86, %reduce_sum3A_87 [1] : vector<2048x8xf32> to vector<2048xf32>
    %broadcast_in_dim3A_89 = vector.shape_cast %reduce_sum3A_88 : vector<2048xf32> to vector<2048x1xf32>
    %reduce_sum3A_90 = arith.constant dense<0.000000e+00> : vector<8xf32>
    %reduce_sum3A_91 = vector.multi_reduction <add>, %convert_element_type3A_78, %reduce_sum3A_90 [0] : vector<2048x8xf32> to vector<8xf32>
    %broadcast_in_dim3A_92 = vector.shape_cast %reduce_sum3A_91 : vector<8xf32> to vector<1x8xf32>
    %add3A_93 = arith.constant 2.550000e+02 : f32
    %add3A_94 = vector.broadcast %add3A_93 : f32 to vector<1x8xf32>
    %add3A_95 = arith.addf %broadcast_in_dim3A_92, %add3A_94 : vector<1x8xf32>
    %mul3A_96 = arith.constant 3.906250e-03 : f32
    %mul3A_97 = vector.broadcast %mul3A_96 : f32 to vector<1x8xf32>
    %mul3A_98 = arith.mulf %add3A_95, %mul3A_97 : vector<1x8xf32>
    %floor3A = math.floor %mul3A_98 : vector<1x8xf32>
    %mul3A_99 = arith.constant 2.560000e+02 : f32
    %mul3A_100 = vector.broadcast %mul3A_99 : f32 to vector<1x8xf32>
    %mul3A_101 = arith.mulf %floor3A, %mul3A_100 : vector<1x8xf32>
    %iota3A_102 = tpu.iota {dimensions = array<i32: 0>} : vector<8x8xi32>
    %convert_element_type3A_103 = arith.sitofp %iota3A_102 : vector<8x8xi32> to vector<8x8xf32>
    %iota3A_104 = tpu.iota {dimensions = array<i32: 1>} : vector<8x8xi32>
    %convert_element_type3A_105 = arith.sitofp %iota3A_104 : vector<8x8xi32> to vector<8x8xf32>
    %lt3A = arith.cmpf olt, %convert_element_type3A_103, %convert_element_type3A_105 : vector<8x8xf32>
    %convert_element_type3A_106 = arith.extui %lt3A : vector<8x8xi1> to vector<8x8xi32>
    %convert_element_type3A_107 = arith.sitofp %convert_element_type3A_106 : vector<8x8xi32> to vector<8x8xf32>
    %dot_general3A_108 = arith.constant dense<0.000000e+00> : vector<1x8xf32>
    %dot_general3A_109 = tpu.matmul %mul3A_101, %convert_element_type3A_107, %dot_general3A_108 {dimension_numbers = #tpu.dot_dimension_numbers<[1], [0], [0], [1], [0, 0, 1, 1], [], []>, transpose_lhs_hint = false} : vector<1x8xf32>, vector<8x8xf32>, vector<1x8xf32> -> vector<1x8xf32>
    %mul3A_110 = vector.broadcast %dot_general3A_109 : vector<1x8xf32> to vector<2048x8xf32>
    %mul3A_111 = arith.mulf %convert_element_type3A_78, %mul3A_110 : vector<2048x8xf32>
    %reduce_sum3A_112 = arith.constant dense<0.000000e+00> : vector<2048xf32>
    %reduce_sum3A_113 = vector.multi_reduction <add>, %mul3A_111, %reduce_sum3A_112 [1] : vector<2048x8xf32> to vector<2048xf32>
    %broadcast_in_dim3A_114 = vector.shape_cast %reduce_sum3A_113 : vector<2048xf32> to vector<2048x1xf32>
    %add3A_115 = arith.addf %broadcast_in_dim3A_114, %broadcast_in_dim3A_89 : vector<2048x1xf32>
    %convert_element_type3A_116 = arith.fptosi %add3A_115 : vector<2048x1xf32> to vector<2048x1xi32>
    %swap3A_117 = arith.constant 0 : index
    %swap3A_118 = arith.constant 0 : index
    %swap3A_119 = vector.load %arg10[%swap3A_117, %swap3A_118] : memref<2048x1xi32, #tpu.memory_space<vmem>>, vector<2048x1xi32>
    tpu.vector_store %arg10[%swap3A_117, %swap3A_118], %convert_element_type3A_116 {strides = array<i32>} : memref<2048x1xi32, #tpu.memory_space<vmem>>, vector<2048x1xi32>,
    %scan3A_120 = arith.constant 0 : i32
    %scan3A_121 = arith.constant 15 : i32
    %scan3A_122 = arith.addi %scan3A_120, %scan3A_121 : i32
    %scan3A_123 = arith.constant 1 : i32
    scf.for %scan3A_144 = %scan3A_120 to %scan3A_122 step %scan3A_123  : i32 {
      %mul3A_145 = arith.constant 256 : i32
      %mul3A_146 = arith.muli %scan3A_144, %mul3A_145 : i32
      %iota3A_147 = tpu.iota {dimensions = array<i32: 1>} : vector<1x256xi32>
      %convert_element_type3A_148 = arith.sitofp %iota3A_147 : vector<1x256xi32> to vector<1x256xf32>
      %convert_element_type3A_149 = arith.sitofp %mul3A_146 : i32 to f32
      %add3A_150 = vector.broadcast %convert_element_type3A_149 : f32 to vector<1x256xf32>
      %add3A_151 = arith.addf %add3A_150, %convert_element_type3A_148 : vector<1x256xf32>
      %eq3A_152 = vector.broadcast %add3A_115 : vector<2048x1xf32> to vector<2048x256xf32>
      %eq3A_153 = vector.broadcast %add3A_151 : vector<1x256xf32> to vector<2048x256xf32>
      %eq3A_154 = arith.cmpf oeq, %eq3A_152, %eq3A_153 : vector<2048x256xf32>
      %iota3A_155 = tpu.iota {dimensions = array<i32: 0>} : vector<2048x256xi32>
      %convert_element_type3A_156 = arith.sitofp %iota3A_155 : vector<2048x256xi32> to vector<2048x256xf32>
      %jit3A_157 = arith.constant 0.000000e+00 : f32
      %broadcast_in_dim3A_158 = vector.broadcast %jit3A_157 : f32 to vector<2048x256xf32>
      %select_n3A_159 = arith.select %eq3A_154, %convert_element_type3A_156, %broadcast_in_dim3A_158 : vector<2048x256xi1>, vector<2048x256xf32>
      %reduce_sum3A_160 = arith.constant dense<0.000000e+00> : vector<256xf32>
      %reduce_sum3A_161 = vector.multi_reduction <add>, %select_n3A_159, %reduce_sum3A_160 [0] : vector<2048x256xf32> to vector<256xf32>
      %broadcast_in_dim3A_162 = vector.shape_cast %reduce_sum3A_161 : vector<256xf32> to vector<1x256xf32>
      %convert_element_type3A_163 = arith.extui %eq3A_154 : vector<2048x256xi1> to vector<2048x256xi32>
      %convert_element_type3A_164 = arith.sitofp %convert_element_type3A_163 : vector<2048x256xi32> to vector<2048x256xf32>
      %reduce_sum3A_165 = arith.constant dense<0.000000e+00> : vector<256xf32>
      %reduce_sum3A_166 = vector.multi_reduction <add>, %convert_element_type3A_164, %reduce_sum3A_165 [0] : vector<2048x256xf32> to vector<256xf32>
      %broadcast_in_dim3A_167 = vector.shape_cast %reduce_sum3A_166 : vector<256xf32> to vector<1x256xf32>
      %gt3A = arith.constant 0.000000e+00 : f32
      %gt3A_168 = vector.broadcast %gt3A : f32 to vector<1x256xf32>
      %gt3A_169 = arith.cmpf ogt, %broadcast_in_dim3A_167, %gt3A_168 : vector<1x256xf32>
      %ge3A_170 = arith.constant 2.048000e+03 : f32
      %ge3A_171 = vector.broadcast %ge3A_170 : f32 to vector<1x256xf32>
      %ge3A_172 = arith.cmpf oge, %add3A_151, %ge3A_171 : vector<1x256xf32>
      %sub3A_173 = arith.constant 2.048000e+03 : f32
      %sub3A_174 = vector.broadcast %sub3A_173 : f32 to vector<1x256xf32>
      %sub3A_175 = arith.subf %add3A_151, %sub3A_174 : vector<1x256xf32>
      %select_n3A_176 = arith.select %ge3A_172, %sub3A_175, %add3A_151 : vector<1x256xi1>, vector<1x256xf32>
      %select_n3A_177 = arith.select %gt3A_169, %broadcast_in_dim3A_162, %select_n3A_176 : vector<1x256xi1>, vector<1x256xf32>
      %convert_element_type3A_178 = arith.fptosi %select_n3A_177 : vector<1x256xf32> to vector<1x256xi32>
      %swap3A_179 = arith.index_cast %scan3A_144 : i32 to index
      %swap3A_180 = arith.constant 0 : index
      %swap3A_181 = vector.load %arg12[%swap3A_179, %swap3A_180] : memref<15x256xi32, #tpu.memory_space<vmem>>, vector<1x256xi32>
      tpu.vector_store %arg12[%swap3A_179, %swap3A_180], %convert_element_type3A_178 {strides = array<i32>} : memref<15x256xi32, #tpu.memory_space<vmem>>, vector<1x256xi32>,
    }
    %scan3A_124 = arith.constant 15 : i32
    %iota3A_125 = tpu.iota {dimensions = array<i32: 0>} : vector<15x8xi32>
    %convert_element_type3A_126 = arith.sitofp %iota3A_125 : vector<15x8xi32> to vector<15x8xf32>
    %mul3A_127 = arith.constant 2.560000e+02 : f32
    %mul3A_128 = vector.broadcast %mul3A_127 : f32 to vector<15x8xf32>
    %mul3A_129 = arith.mulf %convert_element_type3A_126, %mul3A_128 : vector<15x8xf32>
    %add3A_130 = arith.addf %dot_general3A_109, %mul3A_101 : vector<1x8xf32>
    %ge3A_131 = vector.broadcast %add3A_130 : vector<1x8xf32> to vector<15x8xf32>
    %ge3A_132 = arith.cmpf oge, %mul3A_129, %ge3A_131 : vector<15x8xf32>
    %convert_element_type3A_133 = arith.extui %ge3A_132 : vector<15x8xi1> to vector<15x8xi32>
    %convert_element_type3A_134 = arith.sitofp %convert_element_type3A_133 : vector<15x8xi32> to vector<15x8xf32>
    %reduce_sum3A_135 = arith.constant dense<0.000000e+00> : vector<15xf32>
    %reduce_sum3A_136 = vector.multi_reduction <add>, %convert_element_type3A_134, %reduce_sum3A_135 [1] : vector<15x8xf32> to vector<15xf32>
    %broadcast_in_dim3A_137 = vector.shape_cast %reduce_sum3A_136 : vector<15xf32> to vector<15x1xf32>
    %min3A = arith.constant 7.000000e+00 : f32
    %min3A_138 = vector.broadcast %min3A : f32 to vector<15x1xf32>
    %min3A_139 = arith.minimumf %broadcast_in_dim3A_137, %min3A_138 : vector<15x1xf32>
    %convert_element_type3A_140 = arith.fptosi %min3A_139 : vector<15x1xf32> to vector<15x1xi32>
    %swap3A_141 = arith.constant 0 : index
    %swap3A_142 = arith.constant 0 : index
    %swap3A_143 = vector.load %arg13[%swap3A_141, %swap3A_142] : memref<15x1xi32, #tpu.memory_space<vmem>>, vector<15x1xi32>
    tpu.vector_store %arg13[%swap3A_141, %swap3A_142], %convert_element_type3A_140 {strides = array<i32>} : memref<15x1xi32, #tpu.memory_space<vmem>>, vector<15x1xi32>,
    return
  }
}

module attributes {stable_mosaic.version = 14 : i64} {
  func.func @_moe_body(%arg0: i32, %arg1: i32, %arg2: memref<15xi32, #tpu.memory_space<smem>>, %arg3: memref<3840x768xf32, #tpu.memory_space<vmem>>, %arg4: memref<1x1024x768xf32, #tpu.memory_space<vmem>>, %arg5: memref<1x1x1024xf32, #tpu.memory_space<vmem>>, %arg6: memref<1x1024x768xf32, #tpu.memory_space<vmem>>, %arg7: memref<1x1x1024xf32, #tpu.memory_space<vmem>>, %arg8: memref<1x768x1024xf32, #tpu.memory_space<vmem>>, %arg9: memref<1x1x768xf32, #tpu.memory_space<vmem>>, %arg10: memref<3840x768xf32, #tpu.memory_space<vmem>>, %arg11: memref<1024x768xbf16, #tpu.memory_space<vmem>>, %arg12: memref<1024x768xbf16, #tpu.memory_space<vmem>>, %arg13: memref<768x1024xbf16, #tpu.memory_space<vmem>>, %arg14: memref<1xi32, #tpu.memory_space<smem>>) attributes {dimension_semantics = [#tpu.dimension_semantics<arbitrary>, #tpu.dimension_semantics<arbitrary>], iteration_bounds = array<i64: 3, 15>, scalar_prefetch = 1 : i64, scratch_operands = 4 : i64, tpu.core_type = #tpu.core_type<tc>, window_params = [{pipeline_mode = #tpu.pipeline_mode<synchronous>, transform_indices = @transform_0, window_bounds = array<i64: 3840, 768>}, {transform_indices = @transform_1, window_bounds = array<i64: 1, 1024, 768>}, {transform_indices = @transform_2, window_bounds = array<i64: 1, 1, 1024>}, {transform_indices = @transform_3, window_bounds = array<i64: 1, 1024, 768>}, {transform_indices = @transform_4, window_bounds = array<i64: 1, 1, 1024>}, {transform_indices = @transform_5, window_bounds = array<i64: 1, 768, 1024>}, {transform_indices = @transform_6, window_bounds = array<i64: 1, 1, 768>}, {pipeline_mode = #tpu.pipeline_mode<synchronous>, transform_indices = @transform_7, window_bounds = array<i64: 3840, 768>}]} {
    %mul3A = arith.constant 256 : i32
    %mul3A_0 = arith.muli %arg1, %mul3A : i32
    %get3A = arith.index_cast %mul3A_0 : i32 to index
    %get3A_1 = arith.constant 0 : index
    %get3A_2 = vector.load %arg3[%get3A, %get3A_1] : memref<3840x768xf32, #tpu.memory_space<vmem>>, vector<256x768xf32>
    %convert_element_type3A = arith.truncf %get3A_2 : vector<256x768xf32> to vector<256x768xbf16>
    %get3A_3 = arith.constant 0 : index
    %get3A_4 = arith.constant 0 : index
    %get3A_5 = arith.constant 0 : index
    %get3A_6 = vector.load %arg4[%get3A_3, %get3A_4, %get3A_5] : memref<1x1024x768xf32, #tpu.memory_space<vmem>>, vector<1x1024x768xf32>
    %get3A_7 = vector.shape_cast %get3A_6 : vector<1x1024x768xf32> to vector<1024x768xf32>
    %convert_element_type3A_8 = arith.truncf %get3A_7 : vector<1024x768xf32> to vector<1024x768xbf16>
    %dot_general3A = arith.constant dense<0.000000e+00> : vector<256x1024xf32>
    %dot_general3A_9 = tpu.matmul %convert_element_type3A, %convert_element_type3A_8, %dot_general3A {dimension_numbers = #tpu.dot_dimension_numbers<[1], [1], [0], [0], [0, 0, 1, 0], [], []>, transpose_lhs_hint = false} : vector<256x768xbf16>, vector<1024x768xbf16>, vector<256x1024xf32> -> vector<256x1024xf32>
    %get3A_10 = arith.constant 0 : index
    %get3A_11 = arith.constant 0 : index
    %get3A_12 = arith.constant 0 : index
    %get3A_13 = vector.load %arg5[%get3A_10, %get3A_11, %get3A_12] : memref<1x1x1024xf32, #tpu.memory_space<vmem>>, vector<1x1x1024xf32>
    %get3A_14 = vector.shape_cast %get3A_13 : vector<1x1x1024xf32> to vector<1x1024xf32>
    %add3A = vector.broadcast %get3A_14 : vector<1x1024xf32> to vector<256x1024xf32>
    %add3A_15 = arith.addf %dot_general3A_9, %add3A : vector<256x1024xf32>
    %get3A_16 = arith.constant 0 : index
    %get3A_17 = arith.constant 0 : index
    %get3A_18 = arith.constant 0 : index
    %get3A_19 = vector.load %arg6[%get3A_16, %get3A_17, %get3A_18] : memref<1x1024x768xf32, #tpu.memory_space<vmem>>, vector<1x1024x768xf32>
    %get3A_20 = vector.shape_cast %get3A_19 : vector<1x1024x768xf32> to vector<1024x768xf32>
    %convert_element_type3A_21 = arith.truncf %get3A_20 : vector<1024x768xf32> to vector<1024x768xbf16>
    %dot_general3A_22 = arith.constant dense<0.000000e+00> : vector<256x1024xf32>
    %dot_general3A_23 = tpu.matmul %convert_element_type3A, %convert_element_type3A_21, %dot_general3A_22 {dimension_numbers = #tpu.dot_dimension_numbers<[1], [1], [0], [0], [0, 0, 1, 0], [], []>, transpose_lhs_hint = false} : vector<256x768xbf16>, vector<1024x768xbf16>, vector<256x1024xf32> -> vector<256x1024xf32>
    %get3A_24 = arith.constant 0 : index
    %get3A_25 = arith.constant 0 : index
    %get3A_26 = arith.constant 0 : index
    %get3A_27 = vector.load %arg7[%get3A_24, %get3A_25, %get3A_26] : memref<1x1x1024xf32, #tpu.memory_space<vmem>>, vector<1x1x1024xf32>
    %get3A_28 = vector.shape_cast %get3A_27 : vector<1x1x1024xf32> to vector<1x1024xf32>
    %add3A_29 = vector.broadcast %get3A_28 : vector<1x1024xf32> to vector<256x1024xf32>
    %add3A_30 = arith.addf %dot_general3A_23, %add3A_29 : vector<256x1024xf32>
    %logistic3A = arith.negf %add3A_15 : vector<256x1024xf32>
    %logistic3A_31 = math.exp %logistic3A : vector<256x1024xf32>
    %logistic3A_32 = arith.constant 1.000000e+00 : f32
    %logistic3A_33 = vector.broadcast %logistic3A_32 : f32 to vector<256x1024xf32>
    %logistic3A_34 = arith.addf %logistic3A_33, %logistic3A_31 : vector<256x1024xf32>
    %logistic3A_35 = arith.divf %logistic3A_33, %logistic3A_34 : vector<256x1024xf32>
    %mul3A_36 = arith.mulf %add3A_15, %logistic3A_35 : vector<256x1024xf32>
    %mul3A_37 = arith.mulf %mul3A_36, %add3A_30 : vector<256x1024xf32>
    %convert_element_type3A_38 = arith.truncf %mul3A_37 : vector<256x1024xf32> to vector<256x1024xbf16>
    %get3A_39 = arith.constant 0 : index
    %get3A_40 = arith.constant 0 : index
    %get3A_41 = arith.constant 0 : index
    %get3A_42 = vector.load %arg8[%get3A_39, %get3A_40, %get3A_41] : memref<1x768x1024xf32, #tpu.memory_space<vmem>>, vector<1x768x1024xf32>
    %get3A_43 = vector.shape_cast %get3A_42 : vector<1x768x1024xf32> to vector<768x1024xf32>
    %convert_element_type3A_44 = arith.truncf %get3A_43 : vector<768x1024xf32> to vector<768x1024xbf16>
    %dot_general3A_45 = arith.constant dense<0.000000e+00> : vector<256x768xf32>
    %dot_general3A_46 = tpu.matmul %convert_element_type3A_38, %convert_element_type3A_44, %dot_general3A_45 {dimension_numbers = #tpu.dot_dimension_numbers<[1], [1], [0], [0], [0, 0, 1, 0], [], []>, transpose_lhs_hint = false} : vector<256x1024xbf16>, vector<768x1024xbf16>, vector<256x768xf32> -> vector<256x768xf32>
    %eq3A = arith.constant 0 : i32
    %eq3A_47 = arith.cmpi eq, %arg0, %eq3A : i32
    %convert_element_type3A_48 = arith.extui %eq3A_47 : i1 to i32
    %cond3A = arith.constant 0 : i32
    %cond3A_49 = arith.cmpi ne, %convert_element_type3A_48, %cond3A : i32
    scf.if %cond3A_49 {
      %get3A_54 = arith.constant 0 : index
      %get3A_55 = arith.constant 0 : index
      %get3A_56 = arith.constant 0 : index
      %get3A_57 = vector.load %arg9[%get3A_54, %get3A_55, %get3A_56] : memref<1x1x768xf32, #tpu.memory_space<vmem>>, vector<1x1x768xf32>
      %get3A_58 = vector.shape_cast %get3A_57 : vector<1x1x768xf32> to vector<1x768xf32>
      %add3A_59 = vector.broadcast %get3A_58 : vector<1x768xf32> to vector<256x768xf32>
      %add3A_60 = arith.addf %dot_general3A_46, %add3A_59 : vector<256x768xf32>
      %swap3A = arith.index_cast %mul3A_0 : i32 to index
      %swap3A_61 = arith.constant 0 : index
      %swap3A_62 = vector.load %arg10[%swap3A, %swap3A_61] : memref<3840x768xf32, #tpu.memory_space<vmem>>, vector<256x768xf32>
      tpu.vector_store %arg10[%swap3A, %swap3A_61], %add3A_60 {strides = array<i32>} : memref<3840x768xf32, #tpu.memory_space<vmem>>, vector<256x768xf32>,
    } else {
    }
    %ne3A = arith.constant 0 : i32
    %ne3A_50 = arith.cmpi ne, %arg0, %ne3A : i32
    %convert_element_type3A_51 = arith.extui %ne3A_50 : i1 to i32
    %cond3A_52 = arith.constant 0 : i32
    %cond3A_53 = arith.cmpi ne, %convert_element_type3A_51, %cond3A_52 : i32
    scf.if %cond3A_53 {
      %get3A_54 = arith.index_cast %mul3A_0 : i32 to index
      %get3A_55 = arith.constant 0 : index
      %get3A_56 = vector.load %arg10[%get3A_54, %get3A_55] : memref<3840x768xf32, #tpu.memory_space<vmem>>, vector<256x768xf32>
      %add3A_57 = arith.addf %get3A_56, %dot_general3A_46 : vector<256x768xf32>
      %swap3A = arith.index_cast %mul3A_0 : i32 to index
      %swap3A_58 = arith.constant 0 : index
      %swap3A_59 = vector.load %arg10[%swap3A, %swap3A_58] : memref<3840x768xf32, #tpu.memory_space<vmem>>, vector<256x768xf32>
      tpu.vector_store %arg10[%swap3A, %swap3A_58], %add3A_57 {strides = array<i32>} : memref<3840x768xf32, #tpu.memory_space<vmem>>, vector<256x768xf32>,
    } else {
    }
    return
  }
  func.func @transform_0(%arg0: i32, %arg1: i32, %arg2: memref<15xi32, #tpu.memory_space<smem>>) -> (i32, i32) {
    %c0_i32 = arith.constant 0 : i32
    %c0_i32_0 = arith.constant 0 : i32
    %c0_i32_1 = arith.constant 0 : i32
    return %c0_i32, %c0_i32_0 : i32, i32
  }
  func.func @transform_1(%arg0: i32, %arg1: i32, %arg2: memref<15xi32, #tpu.memory_space<smem>>) -> (i32, i32, i32) {
    %get3A = arith.index_cast %arg1 : i32 to index
    %get3A_0 = memref.load %arg2[%get3A] : memref<15xi32, #tpu.memory_space<smem>>
    %c0_i32 = arith.constant 0 : i32
    %c0_i32_1 = arith.constant 0 : i32
    return %get3A_0, %arg0, %c0_i32 : i32, i32, i32
  }
  func.func @transform_2(%arg0: i32, %arg1: i32, %arg2: memref<15xi32, #tpu.memory_space<smem>>) -> (i32, i32, i32) {
    %get3A = arith.index_cast %arg1 : i32 to index
    %get3A_0 = memref.load %arg2[%get3A] : memref<15xi32, #tpu.memory_space<smem>>
    %c0_i32 = arith.constant 0 : i32
    %c0_i32_1 = arith.constant 0 : i32
    return %get3A_0, %c0_i32, %arg0 : i32, i32, i32
  }
  func.func @transform_3(%arg0: i32, %arg1: i32, %arg2: memref<15xi32, #tpu.memory_space<smem>>) -> (i32, i32, i32) {
    %get3A = arith.index_cast %arg1 : i32 to index
    %get3A_0 = memref.load %arg2[%get3A] : memref<15xi32, #tpu.memory_space<smem>>
    %c0_i32 = arith.constant 0 : i32
    %c0_i32_1 = arith.constant 0 : i32
    return %get3A_0, %arg0, %c0_i32 : i32, i32, i32
  }
  func.func @transform_4(%arg0: i32, %arg1: i32, %arg2: memref<15xi32, #tpu.memory_space<smem>>) -> (i32, i32, i32) {
    %get3A = arith.index_cast %arg1 : i32 to index
    %get3A_0 = memref.load %arg2[%get3A] : memref<15xi32, #tpu.memory_space<smem>>
    %c0_i32 = arith.constant 0 : i32
    %c0_i32_1 = arith.constant 0 : i32
    return %get3A_0, %c0_i32, %arg0 : i32, i32, i32
  }
  func.func @transform_5(%arg0: i32, %arg1: i32, %arg2: memref<15xi32, #tpu.memory_space<smem>>) -> (i32, i32, i32) {
    %get3A = arith.index_cast %arg1 : i32 to index
    %get3A_0 = memref.load %arg2[%get3A] : memref<15xi32, #tpu.memory_space<smem>>
    %c0_i32 = arith.constant 0 : i32
    %c0_i32_1 = arith.constant 0 : i32
    return %get3A_0, %c0_i32, %arg0 : i32, i32, i32
  }
  func.func @transform_6(%arg0: i32, %arg1: i32, %arg2: memref<15xi32, #tpu.memory_space<smem>>) -> (i32, i32, i32) {
    %get3A = arith.index_cast %arg1 : i32 to index
    %get3A_0 = memref.load %arg2[%get3A] : memref<15xi32, #tpu.memory_space<smem>>
    %c0_i32 = arith.constant 0 : i32
    %c0_i32_1 = arith.constant 0 : i32
    %c0_i32_2 = arith.constant 0 : i32
    return %get3A_0, %c0_i32, %c0_i32_1 : i32, i32, i32
  }
  func.func @transform_7(%arg0: i32, %arg1: i32, %arg2: memref<15xi32, #tpu.memory_space<smem>>) -> (i32, i32) {
    %c0_i32 = arith.constant 0 : i32
    %c0_i32_0 = arith.constant 0 : i32
    %c0_i32_1 = arith.constant 0 : i32
    return %c0_i32, %c0_i32_0 : i32, i32
  }
}

module attributes {stable_mosaic.version = 14 : i64} {
  func.func @_attn_body(%arg0: memref<2048x768xf32, #tpu.memory_space<vmem>>, %arg1: memref<1x768xf32, #tpu.memory_space<vmem>>, %arg2: memref<1x768xf32, #tpu.memory_space<vmem>>, %arg3: memref<768x768xf32, #tpu.memory_space<vmem>>, %arg4: memref<1x768xf32, #tpu.memory_space<vmem>>, %arg5: memref<768x768xf32, #tpu.memory_space<vmem>>, %arg6: memref<1x768xf32, #tpu.memory_space<vmem>>, %arg7: memref<768x768xf32, #tpu.memory_space<vmem>>, %arg8: memref<1x768xf32, #tpu.memory_space<vmem>>, %arg9: memref<768x768xf32, #tpu.memory_space<vmem>>, %arg10: memref<1x768xf32, #tpu.memory_space<vmem>>, %arg11: memref<768x768xf32, #tpu.memory_space<vmem>>, %arg12: memref<1x768xf32, #tpu.memory_space<vmem>>, %arg13: memref<768x768xf32, #tpu.memory_space<vmem>>, %arg14: memref<1x768xf32, #tpu.memory_space<vmem>>, %arg15: memref<2048x768xf32, #tpu.memory_space<vmem>>, %arg16: memref<2048x768xf32, #tpu.memory_space<vmem>>, %arg17: memref<2048x768xf32, #tpu.memory_space<vmem>>, %arg18: memref<2048x768xf32, #tpu.memory_space<vmem>>) attributes {dimension_semantics = [], scalar_prefetch = 0 : i64, scratch_operands = 3 : i64, tpu.core_type = #tpu.core_type<tc>} {
    %get3A = arith.constant 0 : index
    %get3A_0 = arith.constant 0 : index
    %get3A_1 = vector.load %arg0[%get3A, %get3A_0] : memref<2048x768xf32, #tpu.memory_space<vmem>>, vector<256x768xf32>
    %get3A_2 = arith.constant 0 : index
    %get3A_3 = arith.constant 0 : index
    %get3A_4 = vector.load %arg1[%get3A_2, %get3A_3] : memref<1x768xf32, #tpu.memory_space<vmem>>, vector<1x768xf32>
    %get3A_5 = arith.constant 0 : index
    %get3A_6 = arith.constant 0 : index
    %get3A_7 = vector.load %arg2[%get3A_5, %get3A_6] : memref<1x768xf32, #tpu.memory_space<vmem>>, vector<1x768xf32>
    %reduce_sum3A = arith.constant dense<0.000000e+00> : vector<256xf32>
    %reduce_sum3A_8 = vector.multi_reduction <add>, %get3A_1, %reduce_sum3A [1] : vector<256x768xf32> to vector<256xf32>
    %broadcast_in_dim3A = vector.shape_cast %reduce_sum3A_8 : vector<256xf32> to vector<256x1xf32>
    %div3A = arith.constant 7.680000e+02 : f32
    %div3A_9 = vector.broadcast %div3A : f32 to vector<256x1xf32>
    %div3A_10 = arith.divf %broadcast_in_dim3A, %div3A_9 : vector<256x1xf32>
    %sub3A = vector.broadcast %div3A_10 : vector<256x1xf32> to vector<256x768xf32>
    %sub3A_11 = arith.subf %get3A_1, %sub3A : vector<256x768xf32>
    %integer_pow3A = arith.mulf %sub3A_11, %sub3A_11 : vector<256x768xf32>
    %reduce_sum3A_12 = arith.constant dense<0.000000e+00> : vector<256xf32>
    %reduce_sum3A_13 = vector.multi_reduction <add>, %integer_pow3A, %reduce_sum3A_12 [1] : vector<256x768xf32> to vector<256xf32>
    %broadcast_in_dim3A_14 = vector.shape_cast %reduce_sum3A_13 : vector<256xf32> to vector<256x1xf32>
    %div3A_15 = arith.constant 7.680000e+02 : f32
    %div3A_16 = vector.broadcast %div3A_15 : f32 to vector<256x1xf32>
    %div3A_17 = arith.divf %broadcast_in_dim3A_14, %div3A_16 : vector<256x1xf32>
    %sub3A_18 = vector.broadcast %div3A_10 : vector<256x1xf32> to vector<256x768xf32>
    %sub3A_19 = arith.subf %get3A_1, %sub3A_18 : vector<256x768xf32>
    %add3A = arith.constant 9.99999974E-6 : f32
    %add3A_20 = vector.broadcast %add3A : f32 to vector<256x1xf32>
    %add3A_21 = arith.addf %div3A_17, %add3A_20 : vector<256x1xf32>
    %sqrt3A = math.sqrt %add3A_21 : vector<256x1xf32>
    %div3A_22 = vector.broadcast %sqrt3A : vector<256x1xf32> to vector<256x768xf32>
    %div3A_23 = arith.divf %sub3A_19, %div3A_22 : vector<256x768xf32>
    %mul3A = vector.broadcast %get3A_4 : vector<1x768xf32> to vector<256x768xf32>
    %mul3A_24 = arith.mulf %div3A_23, %mul3A : vector<256x768xf32>
    %add3A_25 = vector.broadcast %get3A_7 : vector<1x768xf32> to vector<256x768xf32>
    %add3A_26 = arith.addf %mul3A_24, %add3A_25 : vector<256x768xf32>
    %get3A_27 = arith.constant 0 : index
    %get3A_28 = arith.constant 0 : index
    %get3A_29 = vector.load %arg3[%get3A_27, %get3A_28] : memref<768x768xf32, #tpu.memory_space<vmem>>, vector<768x768xf32>
    %dot_general3A = arith.constant dense<0.000000e+00> : vector<256x768xf32>
    %dot_general3A_30 = tpu.matmul %add3A_26, %get3A_29, %dot_general3A {dimension_numbers = #tpu.dot_dimension_numbers<[1], [1], [0], [0], [0, 0, 1, 0], [], []>, transpose_lhs_hint = false} : vector<256x768xf32>, vector<768x768xf32>, vector<256x768xf32> -> vector<256x768xf32>
    %get3A_31 = arith.constant 0 : index
    %get3A_32 = arith.constant 0 : index
    %get3A_33 = vector.load %arg4[%get3A_31, %get3A_32] : memref<1x768xf32, #tpu.memory_space<vmem>>, vector<1x768xf32>
    %add3A_34 = vector.broadcast %get3A_33 : vector<1x768xf32> to vector<256x768xf32>
    %add3A_35 = arith.addf %dot_general3A_30, %add3A_34 : vector<256x768xf32>
    %logistic3A = arith.negf %add3A_35 : vector<256x768xf32>
    %logistic3A_36 = math.exp %logistic3A : vector<256x768xf32>
    %logistic3A_37 = arith.constant 1.000000e+00 : f32
    %logistic3A_38 = vector.broadcast %logistic3A_37 : f32 to vector<256x768xf32>
    %logistic3A_39 = arith.addf %logistic3A_38, %logistic3A_36 : vector<256x768xf32>
    %logistic3A_40 = arith.divf %logistic3A_38, %logistic3A_39 : vector<256x768xf32>
    %mul3A_41 = arith.mulf %add3A_35, %logistic3A_40 : vector<256x768xf32>
    %get3A_42 = arith.constant 0 : index
    %get3A_43 = arith.constant 0 : index
    %get3A_44 = vector.load %arg5[%get3A_42, %get3A_43] : memref<768x768xf32, #tpu.memory_space<vmem>>, vector<768x768xf32>
    %dot_general3A_45 = arith.constant dense<0.000000e+00> : vector<256x768xf32>
    %dot_general3A_46 = tpu.matmul %add3A_26, %get3A_44, %dot_general3A_45 {dimension_numbers = #tpu.dot_dimension_numbers<[1], [1], [0], [0], [0, 0, 1, 0], [], []>, transpose_lhs_hint = false} : vector<256x768xf32>, vector<768x768xf32>, vector<256x768xf32> -> vector<256x768xf32>
    %get3A_47 = arith.constant 0 : index
    %get3A_48 = arith.constant 0 : index
    %get3A_49 = vector.load %arg6[%get3A_47, %get3A_48] : memref<1x768xf32, #tpu.memory_space<vmem>>, vector<1x768xf32>
    %add3A_50 = vector.broadcast %get3A_49 : vector<1x768xf32> to vector<256x768xf32>
    %add3A_51 = arith.addf %dot_general3A_46, %add3A_50 : vector<256x768xf32>
    %mul3A_52 = arith.mulf %mul3A_41, %add3A_51 : vector<256x768xf32>
    %get3A_53 = arith.constant 0 : index
    %get3A_54 = arith.constant 0 : index
    %get3A_55 = vector.load %arg7[%get3A_53, %get3A_54] : memref<768x768xf32, #tpu.memory_space<vmem>>, vector<768x768xf32>
    %dot_general3A_56 = arith.constant dense<0.000000e+00> : vector<256x768xf32>
    %dot_general3A_57 = tpu.matmul %add3A_26, %get3A_55, %dot_general3A_56 {dimension_numbers = #tpu.dot_dimension_numbers<[1], [1], [0], [0], [0, 0, 1, 0], [], []>, transpose_lhs_hint = false} : vector<256x768xf32>, vector<768x768xf32>, vector<256x768xf32> -> vector<256x768xf32>
    %get3A_58 = arith.constant 0 : index
    %get3A_59 = arith.constant 0 : index
    %get3A_60 = vector.load %arg8[%get3A_58, %get3A_59] : memref<1x768xf32, #tpu.memory_space<vmem>>, vector<1x768xf32>
    %add3A_61 = vector.broadcast %get3A_60 : vector<1x768xf32> to vector<256x768xf32>
    %add3A_62 = arith.addf %dot_general3A_57, %add3A_61 : vector<256x768xf32>
    %logistic3A_63 = arith.negf %add3A_62 : vector<256x768xf32>
    %logistic3A_64 = math.exp %logistic3A_63 : vector<256x768xf32>
    %logistic3A_65 = arith.constant 1.000000e+00 : f32
    %logistic3A_66 = vector.broadcast %logistic3A_65 : f32 to vector<256x768xf32>
    %logistic3A_67 = arith.addf %logistic3A_66, %logistic3A_64 : vector<256x768xf32>
    %logistic3A_68 = arith.divf %logistic3A_66, %logistic3A_67 : vector<256x768xf32>
    %mul3A_69 = arith.mulf %add3A_62, %logistic3A_68 : vector<256x768xf32>
    %get3A_70 = arith.constant 0 : index
    %get3A_71 = arith.constant 0 : index
    %get3A_72 = vector.load %arg9[%get3A_70, %get3A_71] : memref<768x768xf32, #tpu.memory_space<vmem>>, vector<768x768xf32>
    %dot_general3A_73 = arith.constant dense<0.000000e+00> : vector<256x768xf32>
    %dot_general3A_74 = tpu.matmul %add3A_26, %get3A_72, %dot_general3A_73 {dimension_numbers = #tpu.dot_dimension_numbers<[1], [1], [0], [0], [0, 0, 1, 0], [], []>, transpose_lhs_hint = false} : vector<256x768xf32>, vector<768x768xf32>, vector<256x768xf32> -> vector<256x768xf32>
    %get3A_75 = arith.constant 0 : index
    %get3A_76 = arith.constant 0 : index
    %get3A_77 = vector.load %arg10[%get3A_75, %get3A_76] : memref<1x768xf32, #tpu.memory_space<vmem>>, vector<1x768xf32>
    %add3A_78 = vector.broadcast %get3A_77 : vector<1x768xf32> to vector<256x768xf32>
    %add3A_79 = arith.addf %dot_general3A_74, %add3A_78 : vector<256x768xf32>
    %mul3A_80 = arith.mulf %mul3A_69, %add3A_79 : vector<256x768xf32>
    %get3A_81 = arith.constant 0 : index
    %get3A_82 = arith.constant 0 : index
    %get3A_83 = vector.load %arg11[%get3A_81, %get3A_82] : memref<768x768xf32, #tpu.memory_space<vmem>>, vector<768x768xf32>
    %dot_general3A_84 = arith.constant dense<0.000000e+00> : vector<256x768xf32>
    %dot_general3A_85 = tpu.matmul %add3A_26, %get3A_83, %dot_general3A_84 {dimension_numbers = #tpu.dot_dimension_numbers<[1], [1], [0], [0], [0, 0, 1, 0], [], []>, transpose_lhs_hint = false} : vector<256x768xf32>, vector<768x768xf32>, vector<256x768xf32> -> vector<256x768xf32>
    %get3A_86 = arith.constant 0 : index
    %get3A_87 = arith.constant 0 : index
    %get3A_88 = vector.load %arg12[%get3A_86, %get3A_87] : memref<1x768xf32, #tpu.memory_space<vmem>>, vector<1x768xf32>
    %add3A_89 = vector.broadcast %get3A_88 : vector<1x768xf32> to vector<256x768xf32>
    %add3A_90 = arith.addf %dot_general3A_85, %add3A_89 : vector<256x768xf32>
    %logistic3A_91 = arith.negf %add3A_90 : vector<256x768xf32>
    %logistic3A_92 = math.exp %logistic3A_91 : vector<256x768xf32>
    %logistic3A_93 = arith.constant 1.000000e+00 : f32
    %logistic3A_94 = vector.broadcast %logistic3A_93 : f32 to vector<256x768xf32>
    %logistic3A_95 = arith.addf %logistic3A_94, %logistic3A_92 : vector<256x768xf32>
    %logistic3A_96 = arith.divf %logistic3A_94, %logistic3A_95 : vector<256x768xf32>
    %mul3A_97 = arith.mulf %add3A_90, %logistic3A_96 : vector<256x768xf32>
    %get3A_98 = arith.constant 0 : index
    %get3A_99 = arith.constant 0 : index
    %get3A_100 = vector.load %arg13[%get3A_98, %get3A_99] : memref<768x768xf32, #tpu.memory_space<vmem>>, vector<768x768xf32>
    %dot_general3A_101 = arith.constant dense<0.000000e+00> : vector<256x768xf32>
    %dot_general3A_102 = tpu.matmul %add3A_26, %get3A_100, %dot_general3A_101 {dimension_numbers = #tpu.dot_dimension_numbers<[1], [1], [0], [0], [0, 0, 1, 0], [], []>, transpose_lhs_hint = false} : vector<256x768xf32>, vector<768x768xf32>, vector<256x768xf32> -> vector<256x768xf32>
    %get3A_103 = arith.constant 0 : index
    %get3A_104 = arith.constant 0 : index
    %get3A_105 = vector.load %arg14[%get3A_103, %get3A_104] : memref<1x768xf32, #tpu.memory_space<vmem>>, vector<1x768xf32>
    %add3A_106 = vector.broadcast %get3A_105 : vector<1x768xf32> to vector<256x768xf32>
    %add3A_107 = arith.addf %dot_general3A_102, %add3A_106 : vector<256x768xf32>
    %mul3A_108 = arith.mulf %mul3A_97, %add3A_107 : vector<256x768xf32>
    %gt3A = arith.constant 0.000000e+00 : f32
    %gt3A_109 = vector.broadcast %gt3A : f32 to vector<256x768xf32>
    %gt3A_110 = arith.cmpf ogt, %mul3A_52, %gt3A_109 : vector<256x768xf32>
    %add3A_111 = arith.constant 1.000000e+00 : f32
    %add3A_112 = vector.broadcast %add3A_111 : f32 to vector<256x768xf32>
    %add3A_113 = arith.addf %mul3A_52, %add3A_112 : vector<256x768xf32>
    %exp3A = math.exp %mul3A_52 : vector<256x768xf32>
    %select_n3A = arith.select %gt3A_110, %add3A_113, %exp3A : vector<256x768xi1>, vector<256x768xf32>
    %swap3A = arith.constant 0 : index
    %swap3A_114 = arith.constant 0 : index
    %swap3A_115 = vector.load %arg16[%swap3A, %swap3A_114] : memref<2048x768xf32, #tpu.memory_space<vmem>>, vector<256x768xf32>
    tpu.vector_store %arg16[%swap3A, %swap3A_114], %select_n3A {strides = array<i32>} : memref<2048x768xf32, #tpu.memory_space<vmem>>, vector<256x768xf32>,
    %gt3A_116 = arith.constant 0.000000e+00 : f32
    %gt3A_117 = vector.broadcast %gt3A_116 : f32 to vector<256x768xf32>
    %gt3A_118 = arith.cmpf ogt, %mul3A_80, %gt3A_117 : vector<256x768xf32>
    %add3A_119 = arith.constant 1.000000e+00 : f32
    %add3A_120 = vector.broadcast %add3A_119 : f32 to vector<256x768xf32>
    %add3A_121 = arith.addf %mul3A_80, %add3A_120 : vector<256x768xf32>
    %exp3A_122 = math.exp %mul3A_80 : vector<256x768xf32>
    %select_n3A_123 = arith.select %gt3A_118, %add3A_121, %exp3A_122 : vector<256x768xi1>, vector<256x768xf32>
    %swap3A_124 = arith.constant 0 : index
    %swap3A_125 = arith.constant 0 : index
    %swap3A_126 = vector.load %arg17[%swap3A_124, %swap3A_125] : memref<2048x768xf32, #tpu.memory_space<vmem>>, vector<256x768xf32>
    tpu.vector_store %arg17[%swap3A_124, %swap3A_125], %select_n3A_123 {strides = array<i32>} : memref<2048x768xf32, #tpu.memory_space<vmem>>, vector<256x768xf32>,
    %swap3A_127 = arith.constant 0 : index
    %swap3A_128 = arith.constant 0 : index
    %swap3A_129 = vector.load %arg18[%swap3A_127, %swap3A_128] : memref<2048x768xf32, #tpu.memory_space<vmem>>, vector<256x768xf32>
    tpu.vector_store %arg18[%swap3A_127, %swap3A_128], %mul3A_108 {strides = array<i32>} : memref<2048x768xf32, #tpu.memory_space<vmem>>, vector<256x768xf32>,
    %get3A_130 = arith.constant 256 : index
    %get3A_131 = arith.constant 0 : index
    %get3A_132 = vector.load %arg0[%get3A_130, %get3A_131] : memref<2048x768xf32, #tpu.memory_space<vmem>>, vector<256x768xf32>
    %get3A_133 = arith.constant 0 : index
    %get3A_134 = arith.constant 0 : index
    %get3A_135 = vector.load %arg1[%get3A_133, %get3A_134] : memref<1x768xf32, #tpu.memory_space<vmem>>, vector<1x768xf32>
    %get3A_136 = arith.constant 0 : index
    %get3A_137 = arith.constant 0 : index
    %get3A_138 = vector.load %arg2[%get3A_136, %get3A_137] : memref<1x768xf32, #tpu.memory_space<vmem>>, vector<1x768xf32>
    %reduce_sum3A_139 = arith.constant dense<0.000000e+00> : vector<256xf32>
    %reduce_sum3A_140 = vector.multi_reduction <add>, %get3A_132, %reduce_sum3A_139 [1] : vector<256x768xf32> to vector<256xf32>
    %broadcast_in_dim3A_141 = vector.shape_cast %reduce_sum3A_140 : vector<256xf32> to vector<256x1xf32>
    %div3A_142 = arith.constant 7.680000e+02 : f32
    %div3A_143 = vector.broadcast %div3A_142 : f32 to vector<256x1xf32>
    %div3A_144 = arith.divf %broadcast_in_dim3A_141, %div3A_143 : vector<256x1xf32>
    %sub3A_145 = vector.broadcast %div3A_144 : vector<256x1xf32> to vector<256x768xf32>
    %sub3A_146 = arith.subf %get3A_132, %sub3A_145 : vector<256x768xf32>
    %integer_pow3A_147 = arith.mulf %sub3A_146, %sub3A_146 : vector<256x768xf32>
    %reduce_sum3A_148 = arith.constant dense<0.000000e+00> : vector<256xf32>
    %reduce_sum3A_149 = vector.multi_reduction <add>, %integer_pow3A_147, %reduce_sum3A_148 [1] : vector<256x768xf32> to vector<256xf32>
    %broadcast_in_dim3A_150 = vector.shape_cast %reduce_sum3A_149 : vector<256xf32> to vector<256x1xf32>
    %div3A_151 = arith.constant 7.680000e+02 : f32
    %div3A_152 = vector.broadcast %div3A_151 : f32 to vector<256x1xf32>
    %div3A_153 = arith.divf %broadcast_in_dim3A_150, %div3A_152 : vector<256x1xf32>
    %sub3A_154 = vector.broadcast %div3A_144 : vector<256x1xf32> to vector<256x768xf32>
    %sub3A_155 = arith.subf %get3A_132, %sub3A_154 : vector<256x768xf32>
    %add3A_156 = arith.constant 9.99999974E-6 : f32
    %add3A_157 = vector.broadcast %add3A_156 : f32 to vector<256x1xf32>
    %add3A_158 = arith.addf %div3A_153, %add3A_157 : vector<256x1xf32>
    %sqrt3A_159 = math.sqrt %add3A_158 : vector<256x1xf32>
    %div3A_160 = vector.broadcast %sqrt3A_159 : vector<256x1xf32> to vector<256x768xf32>
    %div3A_161 = arith.divf %sub3A_155, %div3A_160 : vector<256x768xf32>
    %mul3A_162 = vector.broadcast %get3A_135 : vector<1x768xf32> to vector<256x768xf32>
    %mul3A_163 = arith.mulf %div3A_161, %mul3A_162 : vector<256x768xf32>
    %add3A_164 = vector.broadcast %get3A_138 : vector<1x768xf32> to vector<256x768xf32>
    %add3A_165 = arith.addf %mul3A_163, %add3A_164 : vector<256x768xf32>
    %get3A_166 = arith.constant 0 : index
    %get3A_167 = arith.constant 0 : index
    %get3A_168 = vector.load %arg3[%get3A_166, %get3A_167] : memref<768x768xf32, #tpu.memory_space<vmem>>, vector<768x768xf32>
    %dot_general3A_169 = arith.constant dense<0.000000e+00> : vector<256x768xf32>
    %dot_general3A_170 = tpu.matmul %add3A_165, %get3A_168, %dot_general3A_169 {dimension_numbers = #tpu.dot_dimension_numbers<[1], [1], [0], [0], [0, 0, 1, 0], [], []>, transpose_lhs_hint = false} : vector<256x768xf32>, vector<768x768xf32>, vector<256x768xf32> -> vector<256x768xf32>
    %get3A_171 = arith.constant 0 : index
    %get3A_172 = arith.constant 0 : index
    %get3A_173 = vector.load %arg4[%get3A_171, %get3A_172] : memref<1x768xf32, #tpu.memory_space<vmem>>, vector<1x768xf32>
    %add3A_174 = vector.broadcast %get3A_173 : vector<1x768xf32> to vector<256x768xf32>
    %add3A_175 = arith.addf %dot_general3A_170, %add3A_174 : vector<256x768xf32>
    %logistic3A_176 = arith.negf %add3A_175 : vector<256x768xf32>
    %logistic3A_177 = math.exp %logistic3A_176 : vector<256x768xf32>
    %logistic3A_178 = arith.constant 1.000000e+00 : f32
    %logistic3A_179 = vector.broadcast %logistic3A_178 : f32 to vector<256x768xf32>
    %logistic3A_180 = arith.addf %logistic3A_179, %logistic3A_177 : vector<256x768xf32>
    %logistic3A_181 = arith.divf %logistic3A_179, %logistic3A_180 : vector<256x768xf32>
    %mul3A_182 = arith.mulf %add3A_175, %logistic3A_181 : vector<256x768xf32>
    %get3A_183 = arith.constant 0 : index
    %get3A_184 = arith.constant 0 : index
    %get3A_185 = vector.load %arg5[%get3A_183, %get3A_184] : memref<768x768xf32, #tpu.memory_space<vmem>>, vector<768x768xf32>
    %dot_general3A_186 = arith.constant dense<0.000000e+00> : vector<256x768xf32>
    %dot_general3A_187 = tpu.matmul %add3A_165, %get3A_185, %dot_general3A_186 {dimension_numbers = #tpu.dot_dimension_numbers<[1], [1], [0], [0], [0, 0, 1, 0], [], []>, transpose_lhs_hint = false} : vector<256x768xf32>, vector<768x768xf32>, vector<256x768xf32> -> vector<256x768xf32>
    %get3A_188 = arith.constant 0 : index
    %get3A_189 = arith.constant 0 : index
    %get3A_190 = vector.load %arg6[%get3A_188, %get3A_189] : memref<1x768xf32, #tpu.memory_space<vmem>>, vector<1x768xf32>
    %add3A_191 = vector.broadcast %get3A_190 : vector<1x768xf32> to vector<256x768xf32>
    %add3A_192 = arith.addf %dot_general3A_187, %add3A_191 : vector<256x768xf32>
    %mul3A_193 = arith.mulf %mul3A_182, %add3A_192 : vector<256x768xf32>
    %get3A_194 = arith.constant 0 : index
    %get3A_195 = arith.constant 0 : index
    %get3A_196 = vector.load %arg7[%get3A_194, %get3A_195] : memref<768x768xf32, #tpu.memory_space<vmem>>, vector<768x768xf32>
    %dot_general3A_197 = arith.constant dense<0.000000e+00> : vector<256x768xf32>
    %dot_general3A_198 = tpu.matmul %add3A_165, %get3A_196, %dot_general3A_197 {dimension_numbers = #tpu.dot_dimension_numbers<[1], [1], [0], [0], [0, 0, 1, 0], [], []>, transpose_lhs_hint = false} : vector<256x768xf32>, vector<768x768xf32>, vector<256x768xf32> -> vector<256x768xf32>
    %get3A_199 = arith.constant 0 : index
    %get3A_200 = arith.constant 0 : index
    %get3A_201 = vector.load %arg8[%get3A_199, %get3A_200] : memref<1x768xf32, #tpu.memory_space<vmem>>, vector<1x768xf32>
    %add3A_202 = vector.broadcast %get3A_201 : vector<1x768xf32> to vector<256x768xf32>
    %add3A_203 = arith.addf %dot_general3A_198, %add3A_202 : vector<256x768xf32>
    %logistic3A_204 = arith.negf %add3A_203 : vector<256x768xf32>
    %logistic3A_205 = math.exp %logistic3A_204 : vector<256x768xf32>
    %logistic3A_206 = arith.constant 1.000000e+00 : f32
    %logistic3A_207 = vector.broadcast %logistic3A_206 : f32 to vector<256x768xf32>
    %logistic3A_208 = arith.addf %logistic3A_207, %logistic3A_205 : vector<256x768xf32>
    %logistic3A_209 = arith.divf %logistic3A_207, %logistic3A_208 : vector<256x768xf32>
    %mul3A_210 = arith.mulf %add3A_203, %logistic3A_209 : vector<256x768xf32>
    %get3A_211 = arith.constant 0 : index
    %get3A_212 = arith.constant 0 : index
    %get3A_213 = vector.load %arg9[%get3A_211, %get3A_212] : memref<768x768xf32, #tpu.memory_space<vmem>>, vector<768x768xf32>
    %dot_general3A_214 = arith.constant dense<0.000000e+00> : vector<256x768xf32>
    %dot_general3A_215 = tpu.matmul %add3A_165, %get3A_213, %dot_general3A_214 {dimension_numbers = #tpu.dot_dimension_numbers<[1], [1], [0], [0], [0, 0, 1, 0], [], []>, transpose_lhs_hint = false} : vector<256x768xf32>, vector<768x768xf32>, vector<256x768xf32> -> vector<256x768xf32>
    %get3A_216 = arith.constant 0 : index
    %get3A_217 = arith.constant 0 : index
    %get3A_218 = vector.load %arg10[%get3A_216, %get3A_217] : memref<1x768xf32, #tpu.memory_space<vmem>>, vector<1x768xf32>
    %add3A_219 = vector.broadcast %get3A_218 : vector<1x768xf32> to vector<256x768xf32>
    %add3A_220 = arith.addf %dot_general3A_215, %add3A_219 : vector<256x768xf32>
    %mul3A_221 = arith.mulf %mul3A_210, %add3A_220 : vector<256x768xf32>
    %get3A_222 = arith.constant 0 : index
    %get3A_223 = arith.constant 0 : index
    %get3A_224 = vector.load %arg11[%get3A_222, %get3A_223] : memref<768x768xf32, #tpu.memory_space<vmem>>, vector<768x768xf32>
    %dot_general3A_225 = arith.constant dense<0.000000e+00> : vector<256x768xf32>
    %dot_general3A_226 = tpu.matmul %add3A_165, %get3A_224, %dot_general3A_225 {dimension_numbers = #tpu.dot_dimension_numbers<[1], [1], [0], [0], [0, 0, 1, 0], [], []>, transpose_lhs_hint = false} : vector<256x768xf32>, vector<768x768xf32>, vector<256x768xf32> -> vector<256x768xf32>
    %get3A_227 = arith.constant 0 : index
    %get3A_228 = arith.constant 0 : index
    %get3A_229 = vector.load %arg12[%get3A_227, %get3A_228] : memref<1x768xf32, #tpu.memory_space<vmem>>, vector<1x768xf32>
    %add3A_230 = vector.broadcast %get3A_229 : vector<1x768xf32> to vector<256x768xf32>
    %add3A_231 = arith.addf %dot_general3A_226, %add3A_230 : vector<256x768xf32>
    %logistic3A_232 = arith.negf %add3A_231 : vector<256x768xf32>
    %logistic3A_233 = math.exp %logistic3A_232 : vector<256x768xf32>
    %logistic3A_234 = arith.constant 1.000000e+00 : f32
    %logistic3A_235 = vector.broadcast %logistic3A_234 : f32 to vector<256x768xf32>
    %logistic3A_236 = arith.addf %logistic3A_235, %logistic3A_233 : vector<256x768xf32>
    %logistic3A_237 = arith.divf %logistic3A_235, %logistic3A_236 : vector<256x768xf32>
    %mul3A_238 = arith.mulf %add3A_231, %logistic3A_237 : vector<256x768xf32>
    %get3A_239 = arith.constant 0 : index
    %get3A_240 = arith.constant 0 : index
    %get3A_241 = vector.load %arg13[%get3A_239, %get3A_240] : memref<768x768xf32, #tpu.memory_space<vmem>>, vector<768x768xf32>
    %dot_general3A_242 = arith.constant dense<0.000000e+00> : vector<256x768xf32>
    %dot_general3A_243 = tpu.matmul %add3A_165, %get3A_241, %dot_general3A_242 {dimension_numbers = #tpu.dot_dimension_numbers<[1], [1], [0], [0], [0, 0, 1, 0], [], []>, transpose_lhs_hint = false} : vector<256x768xf32>, vector<768x768xf32>, vector<256x768xf32> -> vector<256x768xf32>
    %get3A_244 = arith.constant 0 : index
    %get3A_245 = arith.constant 0 : index
    %get3A_246 = vector.load %arg14[%get3A_244, %get3A_245] : memref<1x768xf32, #tpu.memory_space<vmem>>, vector<1x768xf32>
    %add3A_247 = vector.broadcast %get3A_246 : vector<1x768xf32> to vector<256x768xf32>
    %add3A_248 = arith.addf %dot_general3A_243, %add3A_247 : vector<256x768xf32>
    %mul3A_249 = arith.mulf %mul3A_238, %add3A_248 : vector<256x768xf32>
    %gt3A_250 = arith.constant 0.000000e+00 : f32
    %gt3A_251 = vector.broadcast %gt3A_250 : f32 to vector<256x768xf32>
    %gt3A_252 = arith.cmpf ogt, %mul3A_193, %gt3A_251 : vector<256x768xf32>
    %add3A_253 = arith.constant 1.000000e+00 : f32
    %add3A_254 = vector.broadcast %add3A_253 : f32 to vector<256x768xf32>
    %add3A_255 = arith.addf %mul3A_193, %add3A_254 : vector<256x768xf32>
    %exp3A_256 = math.exp %mul3A_193 : vector<256x768xf32>
    %select_n3A_257 = arith.select %gt3A_252, %add3A_255, %exp3A_256 : vector<256x768xi1>, vector<256x768xf32>
    %swap3A_258 = arith.constant 256 : index
    %swap3A_259 = arith.constant 0 : index
    %swap3A_260 = vector.load %arg16[%swap3A_258, %swap3A_259] : memref<2048x768xf32, #tpu.memory_space<vmem>>, vector<256x768xf32>
    tpu.vector_store %arg16[%swap3A_258, %swap3A_259], %select_n3A_257 {strides = array<i32>} : memref<2048x768xf32, #tpu.memory_space<vmem>>, vector<256x768xf32>,
    %gt3A_261 = arith.constant 0.000000e+00 : f32
    %gt3A_262 = vector.broadcast %gt3A_261 : f32 to vector<256x768xf32>
    %gt3A_263 = arith.cmpf ogt, %mul3A_221, %gt3A_262 : vector<256x768xf32>
    %add3A_264 = arith.constant 1.000000e+00 : f32
    %add3A_265 = vector.broadcast %add3A_264 : f32 to vector<256x768xf32>
    %add3A_266 = arith.addf %mul3A_221, %add3A_265 : vector<256x768xf32>
    %exp3A_267 = math.exp %mul3A_221 : vector<256x768xf32>
    %select_n3A_268 = arith.select %gt3A_263, %add3A_266, %exp3A_267 : vector<256x768xi1>, vector<256x768xf32>
    %swap3A_269 = arith.constant 256 : index
    %swap3A_270 = arith.constant 0 : index
    %swap3A_271 = vector.load %arg17[%swap3A_269, %swap3A_270] : memref<2048x768xf32, #tpu.memory_space<vmem>>, vector<256x768xf32>
    tpu.vector_store %arg17[%swap3A_269, %swap3A_270], %select_n3A_268 {strides = array<i32>} : memref<2048x768xf32, #tpu.memory_space<vmem>>, vector<256x768xf32>,
    %swap3A_272 = arith.constant 256 : index
    %swap3A_273 = arith.constant 0 : index
    %swap3A_274 = vector.load %arg18[%swap3A_272, %swap3A_273] : memref<2048x768xf32, #tpu.memory_space<vmem>>, vector<256x768xf32>
    tpu.vector_store %arg18[%swap3A_272, %swap3A_273], %mul3A_249 {strides = array<i32>} : memref<2048x768xf32, #tpu.memory_space<vmem>>, vector<256x768xf32>,
    %get3A_275 = arith.constant 512 : index
    %get3A_276 = arith.constant 0 : index
    %get3A_277 = vector.load %arg0[%get3A_275, %get3A_276] : memref<2048x768xf32, #tpu.memory_space<vmem>>, vector<256x768xf32>
    %get3A_278 = arith.constant 0 : index
    %get3A_279 = arith.constant 0 : index
    %get3A_280 = vector.load %arg1[%get3A_278, %get3A_279] : memref<1x768xf32, #tpu.memory_space<vmem>>, vector<1x768xf32>
    %get3A_281 = arith.constant 0 : index
    %get3A_282 = arith.constant 0 : index
    %get3A_283 = vector.load %arg2[%get3A_281, %get3A_282] : memref<1x768xf32, #tpu.memory_space<vmem>>, vector<1x768xf32>
    %reduce_sum3A_284 = arith.constant dense<0.000000e+00> : vector<256xf32>
    %reduce_sum3A_285 = vector.multi_reduction <add>, %get3A_277, %reduce_sum3A_284 [1] : vector<256x768xf32> to vector<256xf32>
    %broadcast_in_dim3A_286 = vector.shape_cast %reduce_sum3A_285 : vector<256xf32> to vector<256x1xf32>
    %div3A_287 = arith.constant 7.680000e+02 : f32
    %div3A_288 = vector.broadcast %div3A_287 : f32 to vector<256x1xf32>
    %div3A_289 = arith.divf %broadcast_in_dim3A_286, %div3A_288 : vector<256x1xf32>
    %sub3A_290 = vector.broadcast %div3A_289 : vector<256x1xf32> to vector<256x768xf32>
    %sub3A_291 = arith.subf %get3A_277, %sub3A_290 : vector<256x768xf32>
    %integer_pow3A_292 = arith.mulf %sub3A_291, %sub3A_291 : vector<256x768xf32>
    %reduce_sum3A_293 = arith.constant dense<0.000000e+00> : vector<256xf32>
    %reduce_sum3A_294 = vector.multi_reduction <add>, %integer_pow3A_292, %reduce_sum3A_293 [1] : vector<256x768xf32> to vector<256xf32>
    %broadcast_in_dim3A_295 = vector.shape_cast %reduce_sum3A_294 : vector<256xf32> to vector<256x1xf32>
    %div3A_296 = arith.constant 7.680000e+02 : f32
    %div3A_297 = vector.broadcast %div3A_296 : f32 to vector<256x1xf32>
    %div3A_298 = arith.divf %broadcast_in_dim3A_295, %div3A_297 : vector<256x1xf32>
    %sub3A_299 = vector.broadcast %div3A_289 : vector<256x1xf32> to vector<256x768xf32>
    %sub3A_300 = arith.subf %get3A_277, %sub3A_299 : vector<256x768xf32>
    %add3A_301 = arith.constant 9.99999974E-6 : f32
    %add3A_302 = vector.broadcast %add3A_301 : f32 to vector<256x1xf32>
    %add3A_303 = arith.addf %div3A_298, %add3A_302 : vector<256x1xf32>
    %sqrt3A_304 = math.sqrt %add3A_303 : vector<256x1xf32>
    %div3A_305 = vector.broadcast %sqrt3A_304 : vector<256x1xf32> to vector<256x768xf32>
    %div3A_306 = arith.divf %sub3A_300, %div3A_305 : vector<256x768xf32>
    %mul3A_307 = vector.broadcast %get3A_280 : vector<1x768xf32> to vector<256x768xf32>
    %mul3A_308 = arith.mulf %div3A_306, %mul3A_307 : vector<256x768xf32>
    %add3A_309 = vector.broadcast %get3A_283 : vector<1x768xf32> to vector<256x768xf32>
    %add3A_310 = arith.addf %mul3A_308, %add3A_309 : vector<256x768xf32>
    %get3A_311 = arith.constant 0 : index
    %get3A_312 = arith.constant 0 : index
    %get3A_313 = vector.load %arg3[%get3A_311, %get3A_312] : memref<768x768xf32, #tpu.memory_space<vmem>>, vector<768x768xf32>
    %dot_general3A_314 = arith.constant dense<0.000000e+00> : vector<256x768xf32>
    %dot_general3A_315 = tpu.matmul %add3A_310, %get3A_313, %dot_general3A_314 {dimension_numbers = #tpu.dot_dimension_numbers<[1], [1], [0], [0], [0, 0, 1, 0], [], []>, transpose_lhs_hint = false} : vector<256x768xf32>, vector<768x768xf32>, vector<256x768xf32> -> vector<256x768xf32>
    %get3A_316 = arith.constant 0 : index
    %get3A_317 = arith.constant 0 : index
    %get3A_318 = vector.load %arg4[%get3A_316, %get3A_317] : memref<1x768xf32, #tpu.memory_space<vmem>>, vector<1x768xf32>
    %add3A_319 = vector.broadcast %get3A_318 : vector<1x768xf32> to vector<256x768xf32>
    %add3A_320 = arith.addf %dot_general3A_315, %add3A_319 : vector<256x768xf32>
    %logistic3A_321 = arith.negf %add3A_320 : vector<256x768xf32>
    %logistic3A_322 = math.exp %logistic3A_321 : vector<256x768xf32>
    %logistic3A_323 = arith.constant 1.000000e+00 : f32
    %logistic3A_324 = vector.broadcast %logistic3A_323 : f32 to vector<256x768xf32>
    %logistic3A_325 = arith.addf %logistic3A_324, %logistic3A_322 : vector<256x768xf32>
    %logistic3A_326 = arith.divf %logistic3A_324, %logistic3A_325 : vector<256x768xf32>
    %mul3A_327 = arith.mulf %add3A_320, %logistic3A_326 : vector<256x768xf32>
    %get3A_328 = arith.constant 0 : index
    %get3A_329 = arith.constant 0 : index
    %get3A_330 = vector.load %arg5[%get3A_328, %get3A_329] : memref<768x768xf32, #tpu.memory_space<vmem>>, vector<768x768xf32>
    %dot_general3A_331 = arith.constant dense<0.000000e+00> : vector<256x768xf32>
    %dot_general3A_332 = tpu.matmul %add3A_310, %get3A_330, %dot_general3A_331 {dimension_numbers = #tpu.dot_dimension_numbers<[1], [1], [0], [0], [0, 0, 1, 0], [], []>, transpose_lhs_hint = false} : vector<256x768xf32>, vector<768x768xf32>, vector<256x768xf32> -> vector<256x768xf32>
    %get3A_333 = arith.constant 0 : index
    %get3A_334 = arith.constant 0 : index
    %get3A_335 = vector.load %arg6[%get3A_333, %get3A_334] : memref<1x768xf32, #tpu.memory_space<vmem>>, vector<1x768xf32>
    %add3A_336 = vector.broadcast %get3A_335 : vector<1x768xf32> to vector<256x768xf32>
    %add3A_337 = arith.addf %dot_general3A_332, %add3A_336 : vector<256x768xf32>
    %mul3A_338 = arith.mulf %mul3A_327, %add3A_337 : vector<256x768xf32>
    %get3A_339 = arith.constant 0 : index
    %get3A_340 = arith.constant 0 : index
    %get3A_341 = vector.load %arg7[%get3A_339, %get3A_340] : memref<768x768xf32, #tpu.memory_space<vmem>>, vector<768x768xf32>
    %dot_general3A_342 = arith.constant dense<0.000000e+00> : vector<256x768xf32>
    %dot_general3A_343 = tpu.matmul %add3A_310, %get3A_341, %dot_general3A_342 {dimension_numbers = #tpu.dot_dimension_numbers<[1], [1], [0], [0], [0, 0, 1, 0], [], []>, transpose_lhs_hint = false} : vector<256x768xf32>, vector<768x768xf32>, vector<256x768xf32> -> vector<256x768xf32>
    %get3A_344 = arith.constant 0 : index
    %get3A_345 = arith.constant 0 : index
    %get3A_346 = vector.load %arg8[%get3A_344, %get3A_345] : memref<1x768xf32, #tpu.memory_space<vmem>>, vector<1x768xf32>
    %add3A_347 = vector.broadcast %get3A_346 : vector<1x768xf32> to vector<256x768xf32>
    %add3A_348 = arith.addf %dot_general3A_343, %add3A_347 : vector<256x768xf32>
    %logistic3A_349 = arith.negf %add3A_348 : vector<256x768xf32>
    %logistic3A_350 = math.exp %logistic3A_349 : vector<256x768xf32>
    %logistic3A_351 = arith.constant 1.000000e+00 : f32
    %logistic3A_352 = vector.broadcast %logistic3A_351 : f32 to vector<256x768xf32>
    %logistic3A_353 = arith.addf %logistic3A_352, %logistic3A_350 : vector<256x768xf32>
    %logistic3A_354 = arith.divf %logistic3A_352, %logistic3A_353 : vector<256x768xf32>
    %mul3A_355 = arith.mulf %add3A_348, %logistic3A_354 : vector<256x768xf32>
    %get3A_356 = arith.constant 0 : index
    %get3A_357 = arith.constant 0 : index
    %get3A_358 = vector.load %arg9[%get3A_356, %get3A_357] : memref<768x768xf32, #tpu.memory_space<vmem>>, vector<768x768xf32>
    %dot_general3A_359 = arith.constant dense<0.000000e+00> : vector<256x768xf32>
    %dot_general3A_360 = tpu.matmul %add3A_310, %get3A_358, %dot_general3A_359 {dimension_numbers = #tpu.dot_dimension_numbers<[1], [1], [0], [0], [0, 0, 1, 0], [], []>, transpose_lhs_hint = false} : vector<256x768xf32>, vector<768x768xf32>, vector<256x768xf32> -> vector<256x768xf32>
    %get3A_361 = arith.constant 0 : index
    %get3A_362 = arith.constant 0 : index
    %get3A_363 = vector.load %arg10[%get3A_361, %get3A_362] : memref<1x768xf32, #tpu.memory_space<vmem>>, vector<1x768xf32>
    %add3A_364 = vector.broadcast %get3A_363 : vector<1x768xf32> to vector<256x768xf32>
    %add3A_365 = arith.addf %dot_general3A_360, %add3A_364 : vector<256x768xf32>
    %mul3A_366 = arith.mulf %mul3A_355, %add3A_365 : vector<256x768xf32>
    %get3A_367 = arith.constant 0 : index
    %get3A_368 = arith.constant 0 : index
    %get3A_369 = vector.load %arg11[%get3A_367, %get3A_368] : memref<768x768xf32, #tpu.memory_space<vmem>>, vector<768x768xf32>
    %dot_general3A_370 = arith.constant dense<0.000000e+00> : vector<256x768xf32>
    %dot_general3A_371 = tpu.matmul %add3A_310, %get3A_369, %dot_general3A_370 {dimension_numbers = #tpu.dot_dimension_numbers<[1], [1], [0], [0], [0, 0, 1, 0], [], []>, transpose_lhs_hint = false} : vector<256x768xf32>, vector<768x768xf32>, vector<256x768xf32> -> vector<256x768xf32>
    %get3A_372 = arith.constant 0 : index
    %get3A_373 = arith.constant 0 : index
    %get3A_374 = vector.load %arg12[%get3A_372, %get3A_373] : memref<1x768xf32, #tpu.memory_space<vmem>>, vector<1x768xf32>
    %add3A_375 = vector.broadcast %get3A_374 : vector<1x768xf32> to vector<256x768xf32>
    %add3A_376 = arith.addf %dot_general3A_371, %add3A_375 : vector<256x768xf32>
    %logistic3A_377 = arith.negf %add3A_376 : vector<256x768xf32>
    %logistic3A_378 = math.exp %logistic3A_377 : vector<256x768xf32>
    %logistic3A_379 = arith.constant 1.000000e+00 : f32
    %logistic3A_380 = vector.broadcast %logistic3A_379 : f32 to vector<256x768xf32>
    %logistic3A_381 = arith.addf %logistic3A_380, %logistic3A_378 : vector<256x768xf32>
    %logistic3A_382 = arith.divf %logistic3A_380, %logistic3A_381 : vector<256x768xf32>
    %mul3A_383 = arith.mulf %add3A_376, %logistic3A_382 : vector<256x768xf32>
    %get3A_384 = arith.constant 0 : index
    %get3A_385 = arith.constant 0 : index
    %get3A_386 = vector.load %arg13[%get3A_384, %get3A_385] : memref<768x768xf32, #tpu.memory_space<vmem>>, vector<768x768xf32>
    %dot_general3A_387 = arith.constant dense<0.000000e+00> : vector<256x768xf32>
    %dot_general3A_388 = tpu.matmul %add3A_310, %get3A_386, %dot_general3A_387 {dimension_numbers = #tpu.dot_dimension_numbers<[1], [1], [0], [0], [0, 0, 1, 0], [], []>, transpose_lhs_hint = false} : vector<256x768xf32>, vector<768x768xf32>, vector<256x768xf32> -> vector<256x768xf32>
    %get3A_389 = arith.constant 0 : index
    %get3A_390 = arith.constant 0 : index
    %get3A_391 = vector.load %arg14[%get3A_389, %get3A_390] : memref<1x768xf32, #tpu.memory_space<vmem>>, vector<1x768xf32>
    %add3A_392 = vector.broadcast %get3A_391 : vector<1x768xf32> to vector<256x768xf32>
    %add3A_393 = arith.addf %dot_general3A_388, %add3A_392 : vector<256x768xf32>
    %mul3A_394 = arith.mulf %mul3A_383, %add3A_393 : vector<256x768xf32>
    %gt3A_395 = arith.constant 0.000000e+00 : f32
    %gt3A_396 = vector.broadcast %gt3A_395 : f32 to vector<256x768xf32>
    %gt3A_397 = arith.cmpf ogt, %mul3A_338, %gt3A_396 : vector<256x768xf32>
    %add3A_398 = arith.constant 1.000000e+00 : f32
    %add3A_399 = vector.broadcast %add3A_398 : f32 to vector<256x768xf32>
    %add3A_400 = arith.addf %mul3A_338, %add3A_399 : vector<256x768xf32>
    %exp3A_401 = math.exp %mul3A_338 : vector<256x768xf32>
    %select_n3A_402 = arith.select %gt3A_397, %add3A_400, %exp3A_401 : vector<256x768xi1>, vector<256x768xf32>
    %swap3A_403 = arith.constant 512 : index
    %swap3A_404 = arith.constant 0 : index
    %swap3A_405 = vector.load %arg16[%swap3A_403, %swap3A_404] : memref<2048x768xf32, #tpu.memory_space<vmem>>, vector<256x768xf32>
    tpu.vector_store %arg16[%swap3A_403, %swap3A_404], %select_n3A_402 {strides = array<i32>} : memref<2048x768xf32, #tpu.memory_space<vmem>>, vector<256x768xf32>,
    %gt3A_406 = arith.constant 0.000000e+00 : f32
    %gt3A_407 = vector.broadcast %gt3A_406 : f32 to vector<256x768xf32>
    %gt3A_408 = arith.cmpf ogt, %mul3A_366, %gt3A_407 : vector<256x768xf32>
    %add3A_409 = arith.constant 1.000000e+00 : f32
    %add3A_410 = vector.broadcast %add3A_409 : f32 to vector<256x768xf32>
    %add3A_411 = arith.addf %mul3A_366, %add3A_410 : vector<256x768xf32>
    %exp3A_412 = math.exp %mul3A_366 : vector<256x768xf32>
    %select_n3A_413 = arith.select %gt3A_408, %add3A_411, %exp3A_412 : vector<256x768xi1>, vector<256x768xf32>
    %swap3A_414 = arith.constant 512 : index
    %swap3A_415 = arith.constant 0 : index
    %swap3A_416 = vector.load %arg17[%swap3A_414, %swap3A_415] : memref<2048x768xf32, #tpu.memory_space<vmem>>, vector<256x768xf32>
    tpu.vector_store %arg17[%swap3A_414, %swap3A_415], %select_n3A_413 {strides = array<i32>} : memref<2048x768xf32, #tpu.memory_space<vmem>>, vector<256x768xf32>,
    %swap3A_417 = arith.constant 512 : index
    %swap3A_418 = arith.constant 0 : index
    %swap3A_419 = vector.load %arg18[%swap3A_417, %swap3A_418] : memref<2048x768xf32, #tpu.memory_space<vmem>>, vector<256x768xf32>
    tpu.vector_store %arg18[%swap3A_417, %swap3A_418], %mul3A_394 {strides = array<i32>} : memref<2048x768xf32, #tpu.memory_space<vmem>>, vector<256x768xf32>,
    %get3A_420 = arith.constant 768 : index
    %get3A_421 = arith.constant 0 : index
    %get3A_422 = vector.load %arg0[%get3A_420, %get3A_421] : memref<2048x768xf32, #tpu.memory_space<vmem>>, vector<256x768xf32>
    %get3A_423 = arith.constant 0 : index
    %get3A_424 = arith.constant 0 : index
    %get3A_425 = vector.load %arg1[%get3A_423, %get3A_424] : memref<1x768xf32, #tpu.memory_space<vmem>>, vector<1x768xf32>
    %get3A_426 = arith.constant 0 : index
    %get3A_427 = arith.constant 0 : index
    %get3A_428 = vector.load %arg2[%get3A_426, %get3A_427] : memref<1x768xf32, #tpu.memory_space<vmem>>, vector<1x768xf32>
    %reduce_sum3A_429 = arith.constant dense<0.000000e+00> : vector<256xf32>
    %reduce_sum3A_430 = vector.multi_reduction <add>, %get3A_422, %reduce_sum3A_429 [1] : vector<256x768xf32> to vector<256xf32>
    %broadcast_in_dim3A_431 = vector.shape_cast %reduce_sum3A_430 : vector<256xf32> to vector<256x1xf32>
    %div3A_432 = arith.constant 7.680000e+02 : f32
    %div3A_433 = vector.broadcast %div3A_432 : f32 to vector<256x1xf32>
    %div3A_434 = arith.divf %broadcast_in_dim3A_431, %div3A_433 : vector<256x1xf32>
    %sub3A_435 = vector.broadcast %div3A_434 : vector<256x1xf32> to vector<256x768xf32>
    %sub3A_436 = arith.subf %get3A_422, %sub3A_435 : vector<256x768xf32>
    %integer_pow3A_437 = arith.mulf %sub3A_436, %sub3A_436 : vector<256x768xf32>
    %reduce_sum3A_438 = arith.constant dense<0.000000e+00> : vector<256xf32>
    %reduce_sum3A_439 = vector.multi_reduction <add>, %integer_pow3A_437, %reduce_sum3A_438 [1] : vector<256x768xf32> to vector<256xf32>
    %broadcast_in_dim3A_440 = vector.shape_cast %reduce_sum3A_439 : vector<256xf32> to vector<256x1xf32>
    %div3A_441 = arith.constant 7.680000e+02 : f32
    %div3A_442 = vector.broadcast %div3A_441 : f32 to vector<256x1xf32>
    %div3A_443 = arith.divf %broadcast_in_dim3A_440, %div3A_442 : vector<256x1xf32>
    %sub3A_444 = vector.broadcast %div3A_434 : vector<256x1xf32> to vector<256x768xf32>
    %sub3A_445 = arith.subf %get3A_422, %sub3A_444 : vector<256x768xf32>
    %add3A_446 = arith.constant 9.99999974E-6 : f32
    %add3A_447 = vector.broadcast %add3A_446 : f32 to vector<256x1xf32>
    %add3A_448 = arith.addf %div3A_443, %add3A_447 : vector<256x1xf32>
    %sqrt3A_449 = math.sqrt %add3A_448 : vector<256x1xf32>
    %div3A_450 = vector.broadcast %sqrt3A_449 : vector<256x1xf32> to vector<256x768xf32>
    %div3A_451 = arith.divf %sub3A_445, %div3A_450 : vector<256x768xf32>
    %mul3A_452 = vector.broadcast %get3A_425 : vector<1x768xf32> to vector<256x768xf32>
    %mul3A_453 = arith.mulf %div3A_451, %mul3A_452 : vector<256x768xf32>
    %add3A_454 = vector.broadcast %get3A_428 : vector<1x768xf32> to vector<256x768xf32>
    %add3A_455 = arith.addf %mul3A_453, %add3A_454 : vector<256x768xf32>
    %get3A_456 = arith.constant 0 : index
    %get3A_457 = arith.constant 0 : index
    %get3A_458 = vector.load %arg3[%get3A_456, %get3A_457] : memref<768x768xf32, #tpu.memory_space<vmem>>, vector<768x768xf32>
    %dot_general3A_459 = arith.constant dense<0.000000e+00> : vector<256x768xf32>
    %dot_general3A_460 = tpu.matmul %add3A_455, %get3A_458, %dot_general3A_459 {dimension_numbers = #tpu.dot_dimension_numbers<[1], [1], [0], [0], [0, 0, 1, 0], [], []>, transpose_lhs_hint = false} : vector<256x768xf32>, vector<768x768xf32>, vector<256x768xf32> -> vector<256x768xf32>
    %get3A_461 = arith.constant 0 : index
    %get3A_462 = arith.constant 0 : index
    %get3A_463 = vector.load %arg4[%get3A_461, %get3A_462] : memref<1x768xf32, #tpu.memory_space<vmem>>, vector<1x768xf32>
    %add3A_464 = vector.broadcast %get3A_463 : vector<1x768xf32> to vector<256x768xf32>
    %add3A_465 = arith.addf %dot_general3A_460, %add3A_464 : vector<256x768xf32>
    %logistic3A_466 = arith.negf %add3A_465 : vector<256x768xf32>
    %logistic3A_467 = math.exp %logistic3A_466 : vector<256x768xf32>
    %logistic3A_468 = arith.constant 1.000000e+00 : f32
    %logistic3A_469 = vector.broadcast %logistic3A_468 : f32 to vector<256x768xf32>
    %logistic3A_470 = arith.addf %logistic3A_469, %logistic3A_467 : vector<256x768xf32>
    %logistic3A_471 = arith.divf %logistic3A_469, %logistic3A_470 : vector<256x768xf32>
    %mul3A_472 = arith.mulf %add3A_465, %logistic3A_471 : vector<256x768xf32>
    %get3A_473 = arith.constant 0 : index
    %get3A_474 = arith.constant 0 : index
    %get3A_475 = vector.load %arg5[%get3A_473, %get3A_474] : memref<768x768xf32, #tpu.memory_space<vmem>>, vector<768x768xf32>
    %dot_general3A_476 = arith.constant dense<0.000000e+00> : vector<256x768xf32>
    %dot_general3A_477 = tpu.matmul %add3A_455, %get3A_475, %dot_general3A_476 {dimension_numbers = #tpu.dot_dimension_numbers<[1], [1], [0], [0], [0, 0, 1, 0], [], []>, transpose_lhs_hint = false} : vector<256x768xf32>, vector<768x768xf32>, vector<256x768xf32> -> vector<256x768xf32>
    %get3A_478 = arith.constant 0 : index
    %get3A_479 = arith.constant 0 : index
    %get3A_480 = vector.load %arg6[%get3A_478, %get3A_479] : memref<1x768xf32, #tpu.memory_space<vmem>>, vector<1x768xf32>
    %add3A_481 = vector.broadcast %get3A_480 : vector<1x768xf32> to vector<256x768xf32>
    %add3A_482 = arith.addf %dot_general3A_477, %add3A_481 : vector<256x768xf32>
    %mul3A_483 = arith.mulf %mul3A_472, %add3A_482 : vector<256x768xf32>
    %get3A_484 = arith.constant 0 : index
    %get3A_485 = arith.constant 0 : index
    %get3A_486 = vector.load %arg7[%get3A_484, %get3A_485] : memref<768x768xf32, #tpu.memory_space<vmem>>, vector<768x768xf32>
    %dot_general3A_487 = arith.constant dense<0.000000e+00> : vector<256x768xf32>
    %dot_general3A_488 = tpu.matmul %add3A_455, %get3A_486, %dot_general3A_487 {dimension_numbers = #tpu.dot_dimension_numbers<[1], [1], [0], [0], [0, 0, 1, 0], [], []>, transpose_lhs_hint = false} : vector<256x768xf32>, vector<768x768xf32>, vector<256x768xf32> -> vector<256x768xf32>
    %get3A_489 = arith.constant 0 : index
    %get3A_490 = arith.constant 0 : index
    %get3A_491 = vector.load %arg8[%get3A_489, %get3A_490] : memref<1x768xf32, #tpu.memory_space<vmem>>, vector<1x768xf32>
    %add3A_492 = vector.broadcast %get3A_491 : vector<1x768xf32> to vector<256x768xf32>
    %add3A_493 = arith.addf %dot_general3A_488, %add3A_492 : vector<256x768xf32>
    %logistic3A_494 = arith.negf %add3A_493 : vector<256x768xf32>
    %logistic3A_495 = math.exp %logistic3A_494 : vector<256x768xf32>
    %logistic3A_496 = arith.constant 1.000000e+00 : f32
    %logistic3A_497 = vector.broadcast %logistic3A_496 : f32 to vector<256x768xf32>
    %logistic3A_498 = arith.addf %logistic3A_497, %logistic3A_495 : vector<256x768xf32>
    %logistic3A_499 = arith.divf %logistic3A_497, %logistic3A_498 : vector<256x768xf32>
    %mul3A_500 = arith.mulf %add3A_493, %logistic3A_499 : vector<256x768xf32>
    %get3A_501 = arith.constant 0 : index
    %get3A_502 = arith.constant 0 : index
    %get3A_503 = vector.load %arg9[%get3A_501, %get3A_502] : memref<768x768xf32, #tpu.memory_space<vmem>>, vector<768x768xf32>
    %dot_general3A_504 = arith.constant dense<0.000000e+00> : vector<256x768xf32>
    %dot_general3A_505 = tpu.matmul %add3A_455, %get3A_503, %dot_general3A_504 {dimension_numbers = #tpu.dot_dimension_numbers<[1], [1], [0], [0], [0, 0, 1, 0], [], []>, transpose_lhs_hint = false} : vector<256x768xf32>, vector<768x768xf32>, vector<256x768xf32> -> vector<256x768xf32>
    %get3A_506 = arith.constant 0 : index
    %get3A_507 = arith.constant 0 : index
    %get3A_508 = vector.load %arg10[%get3A_506, %get3A_507] : memref<1x768xf32, #tpu.memory_space<vmem>>, vector<1x768xf32>
    %add3A_509 = vector.broadcast %get3A_508 : vector<1x768xf32> to vector<256x768xf32>
    %add3A_510 = arith.addf %dot_general3A_505, %add3A_509 : vector<256x768xf32>
    %mul3A_511 = arith.mulf %mul3A_500, %add3A_510 : vector<256x768xf32>
    %get3A_512 = arith.constant 0 : index
    %get3A_513 = arith.constant 0 : index
    %get3A_514 = vector.load %arg11[%get3A_512, %get3A_513] : memref<768x768xf32, #tpu.memory_space<vmem>>, vector<768x768xf32>
    %dot_general3A_515 = arith.constant dense<0.000000e+00> : vector<256x768xf32>
    %dot_general3A_516 = tpu.matmul %add3A_455, %get3A_514, %dot_general3A_515 {dimension_numbers = #tpu.dot_dimension_numbers<[1], [1], [0], [0], [0, 0, 1, 0], [], []>, transpose_lhs_hint = false} : vector<256x768xf32>, vector<768x768xf32>, vector<256x768xf32> -> vector<256x768xf32>
    %get3A_517 = arith.constant 0 : index
    %get3A_518 = arith.constant 0 : index
    %get3A_519 = vector.load %arg12[%get3A_517, %get3A_518] : memref<1x768xf32, #tpu.memory_space<vmem>>, vector<1x768xf32>
    %add3A_520 = vector.broadcast %get3A_519 : vector<1x768xf32> to vector<256x768xf32>
    %add3A_521 = arith.addf %dot_general3A_516, %add3A_520 : vector<256x768xf32>
    %logistic3A_522 = arith.negf %add3A_521 : vector<256x768xf32>
    %logistic3A_523 = math.exp %logistic3A_522 : vector<256x768xf32>
    %logistic3A_524 = arith.constant 1.000000e+00 : f32
    %logistic3A_525 = vector.broadcast %logistic3A_524 : f32 to vector<256x768xf32>
    %logistic3A_526 = arith.addf %logistic3A_525, %logistic3A_523 : vector<256x768xf32>
    %logistic3A_527 = arith.divf %logistic3A_525, %logistic3A_526 : vector<256x768xf32>
    %mul3A_528 = arith.mulf %add3A_521, %logistic3A_527 : vector<256x768xf32>
    %get3A_529 = arith.constant 0 : index
    %get3A_530 = arith.constant 0 : index
    %get3A_531 = vector.load %arg13[%get3A_529, %get3A_530] : memref<768x768xf32, #tpu.memory_space<vmem>>, vector<768x768xf32>
    %dot_general3A_532 = arith.constant dense<0.000000e+00> : vector<256x768xf32>
    %dot_general3A_533 = tpu.matmul %add3A_455, %get3A_531, %dot_general3A_532 {dimension_numbers = #tpu.dot_dimension_numbers<[1], [1], [0], [0], [0, 0, 1, 0], [], []>, transpose_lhs_hint = false} : vector<256x768xf32>, vector<768x768xf32>, vector<256x768xf32> -> vector<256x768xf32>
    %get3A_534 = arith.constant 0 : index
    %get3A_535 = arith.constant 0 : index
    %get3A_536 = vector.load %arg14[%get3A_534, %get3A_535] : memref<1x768xf32, #tpu.memory_space<vmem>>, vector<1x768xf32>
    %add3A_537 = vector.broadcast %get3A_536 : vector<1x768xf32> to vector<256x768xf32>
    %add3A_538 = arith.addf %dot_general3A_533, %add3A_537 : vector<256x768xf32>
    %mul3A_539 = arith.mulf %mul3A_528, %add3A_538 : vector<256x768xf32>
    %gt3A_540 = arith.constant 0.000000e+00 : f32
    %gt3A_541 = vector.broadcast %gt3A_540 : f32 to vector<256x768xf32>
    %gt3A_542 = arith.cmpf ogt, %mul3A_483, %gt3A_541 : vector<256x768xf32>
    %add3A_543 = arith.constant 1.000000e+00 : f32
    %add3A_544 = vector.broadcast %add3A_543 : f32 to vector<256x768xf32>
    %add3A_545 = arith.addf %mul3A_483, %add3A_544 : vector<256x768xf32>
    %exp3A_546 = math.exp %mul3A_483 : vector<256x768xf32>
    %select_n3A_547 = arith.select %gt3A_542, %add3A_545, %exp3A_546 : vector<256x768xi1>, vector<256x768xf32>
    %swap3A_548 = arith.constant 768 : index
    %swap3A_549 = arith.constant 0 : index
    %swap3A_550 = vector.load %arg16[%swap3A_548, %swap3A_549] : memref<2048x768xf32, #tpu.memory_space<vmem>>, vector<256x768xf32>
    tpu.vector_store %arg16[%swap3A_548, %swap3A_549], %select_n3A_547 {strides = array<i32>} : memref<2048x768xf32, #tpu.memory_space<vmem>>, vector<256x768xf32>,
    %gt3A_551 = arith.constant 0.000000e+00 : f32
    %gt3A_552 = vector.broadcast %gt3A_551 : f32 to vector<256x768xf32>
    %gt3A_553 = arith.cmpf ogt, %mul3A_511, %gt3A_552 : vector<256x768xf32>
    %add3A_554 = arith.constant 1.000000e+00 : f32
    %add3A_555 = vector.broadcast %add3A_554 : f32 to vector<256x768xf32>
    %add3A_556 = arith.addf %mul3A_511, %add3A_555 : vector<256x768xf32>
    %exp3A_557 = math.exp %mul3A_511 : vector<256x768xf32>
    %select_n3A_558 = arith.select %gt3A_553, %add3A_556, %exp3A_557 : vector<256x768xi1>, vector<256x768xf32>
    %swap3A_559 = arith.constant 768 : index
    %swap3A_560 = arith.constant 0 : index
    %swap3A_561 = vector.load %arg17[%swap3A_559, %swap3A_560] : memref<2048x768xf32, #tpu.memory_space<vmem>>, vector<256x768xf32>
    tpu.vector_store %arg17[%swap3A_559, %swap3A_560], %select_n3A_558 {strides = array<i32>} : memref<2048x768xf32, #tpu.memory_space<vmem>>, vector<256x768xf32>,
    %swap3A_562 = arith.constant 768 : index
    %swap3A_563 = arith.constant 0 : index
    %swap3A_564 = vector.load %arg18[%swap3A_562, %swap3A_563] : memref<2048x768xf32, #tpu.memory_space<vmem>>, vector<256x768xf32>
    tpu.vector_store %arg18[%swap3A_562, %swap3A_563], %mul3A_539 {strides = array<i32>} : memref<2048x768xf32, #tpu.memory_space<vmem>>, vector<256x768xf32>,
    %get3A_565 = arith.constant 1024 : index
    %get3A_566 = arith.constant 0 : index
    %get3A_567 = vector.load %arg0[%get3A_565, %get3A_566] : memref<2048x768xf32, #tpu.memory_space<vmem>>, vector<256x768xf32>
    %get3A_568 = arith.constant 0 : index
    %get3A_569 = arith.constant 0 : index
    %get3A_570 = vector.load %arg1[%get3A_568, %get3A_569] : memref<1x768xf32, #tpu.memory_space<vmem>>, vector<1x768xf32>
    %get3A_571 = arith.constant 0 : index
    %get3A_572 = arith.constant 0 : index
    %get3A_573 = vector.load %arg2[%get3A_571, %get3A_572] : memref<1x768xf32, #tpu.memory_space<vmem>>, vector<1x768xf32>
    %reduce_sum3A_574 = arith.constant dense<0.000000e+00> : vector<256xf32>
    %reduce_sum3A_575 = vector.multi_reduction <add>, %get3A_567, %reduce_sum3A_574 [1] : vector<256x768xf32> to vector<256xf32>
    %broadcast_in_dim3A_576 = vector.shape_cast %reduce_sum3A_575 : vector<256xf32> to vector<256x1xf32>
    %div3A_577 = arith.constant 7.680000e+02 : f32
    %div3A_578 = vector.broadcast %div3A_577 : f32 to vector<256x1xf32>
    %div3A_579 = arith.divf %broadcast_in_dim3A_576, %div3A_578 : vector<256x1xf32>
    %sub3A_580 = vector.broadcast %div3A_579 : vector<256x1xf32> to vector<256x768xf32>
    %sub3A_581 = arith.subf %get3A_567, %sub3A_580 : vector<256x768xf32>
    %integer_pow3A_582 = arith.mulf %sub3A_581, %sub3A_581 : vector<256x768xf32>
    %reduce_sum3A_583 = arith.constant dense<0.000000e+00> : vector<256xf32>
    %reduce_sum3A_584 = vector.multi_reduction <add>, %integer_pow3A_582, %reduce_sum3A_583 [1] : vector<256x768xf32> to vector<256xf32>
    %broadcast_in_dim3A_585 = vector.shape_cast %reduce_sum3A_584 : vector<256xf32> to vector<256x1xf32>
    %div3A_586 = arith.constant 7.680000e+02 : f32
    %div3A_587 = vector.broadcast %div3A_586 : f32 to vector<256x1xf32>
    %div3A_588 = arith.divf %broadcast_in_dim3A_585, %div3A_587 : vector<256x1xf32>
    %sub3A_589 = vector.broadcast %div3A_579 : vector<256x1xf32> to vector<256x768xf32>
    %sub3A_590 = arith.subf %get3A_567, %sub3A_589 : vector<256x768xf32>
    %add3A_591 = arith.constant 9.99999974E-6 : f32
    %add3A_592 = vector.broadcast %add3A_591 : f32 to vector<256x1xf32>
    %add3A_593 = arith.addf %div3A_588, %add3A_592 : vector<256x1xf32>
    %sqrt3A_594 = math.sqrt %add3A_593 : vector<256x1xf32>
    %div3A_595 = vector.broadcast %sqrt3A_594 : vector<256x1xf32> to vector<256x768xf32>
    %div3A_596 = arith.divf %sub3A_590, %div3A_595 : vector<256x768xf32>
    %mul3A_597 = vector.broadcast %get3A_570 : vector<1x768xf32> to vector<256x768xf32>
    %mul3A_598 = arith.mulf %div3A_596, %mul3A_597 : vector<256x768xf32>
    %add3A_599 = vector.broadcast %get3A_573 : vector<1x768xf32> to vector<256x768xf32>
    %add3A_600 = arith.addf %mul3A_598, %add3A_599 : vector<256x768xf32>
    %get3A_601 = arith.constant 0 : index
    %get3A_602 = arith.constant 0 : index
    %get3A_603 = vector.load %arg3[%get3A_601, %get3A_602] : memref<768x768xf32, #tpu.memory_space<vmem>>, vector<768x768xf32>
    %dot_general3A_604 = arith.constant dense<0.000000e+00> : vector<256x768xf32>
    %dot_general3A_605 = tpu.matmul %add3A_600, %get3A_603, %dot_general3A_604 {dimension_numbers = #tpu.dot_dimension_numbers<[1], [1], [0], [0], [0, 0, 1, 0], [], []>, transpose_lhs_hint = false} : vector<256x768xf32>, vector<768x768xf32>, vector<256x768xf32> -> vector<256x768xf32>
    %get3A_606 = arith.constant 0 : index
    %get3A_607 = arith.constant 0 : index
    %get3A_608 = vector.load %arg4[%get3A_606, %get3A_607] : memref<1x768xf32, #tpu.memory_space<vmem>>, vector<1x768xf32>
    %add3A_609 = vector.broadcast %get3A_608 : vector<1x768xf32> to vector<256x768xf32>
    %add3A_610 = arith.addf %dot_general3A_605, %add3A_609 : vector<256x768xf32>
    %logistic3A_611 = arith.negf %add3A_610 : vector<256x768xf32>
    %logistic3A_612 = math.exp %logistic3A_611 : vector<256x768xf32>
    %logistic3A_613 = arith.constant 1.000000e+00 : f32
    %logistic3A_614 = vector.broadcast %logistic3A_613 : f32 to vector<256x768xf32>
    %logistic3A_615 = arith.addf %logistic3A_614, %logistic3A_612 : vector<256x768xf32>
    %logistic3A_616 = arith.divf %logistic3A_614, %logistic3A_615 : vector<256x768xf32>
    %mul3A_617 = arith.mulf %add3A_610, %logistic3A_616 : vector<256x768xf32>
    %get3A_618 = arith.constant 0 : index
    %get3A_619 = arith.constant 0 : index
    %get3A_620 = vector.load %arg5[%get3A_618, %get3A_619] : memref<768x768xf32, #tpu.memory_space<vmem>>, vector<768x768xf32>
    %dot_general3A_621 = arith.constant dense<0.000000e+00> : vector<256x768xf32>
    %dot_general3A_622 = tpu.matmul %add3A_600, %get3A_620, %dot_general3A_621 {dimension_numbers = #tpu.dot_dimension_numbers<[1], [1], [0], [0], [0, 0, 1, 0], [], []>, transpose_lhs_hint = false} : vector<256x768xf32>, vector<768x768xf32>, vector<256x768xf32> -> vector<256x768xf32>
    %get3A_623 = arith.constant 0 : index
    %get3A_624 = arith.constant 0 : index
    %get3A_625 = vector.load %arg6[%get3A_623, %get3A_624] : memref<1x768xf32, #tpu.memory_space<vmem>>, vector<1x768xf32>
    %add3A_626 = vector.broadcast %get3A_625 : vector<1x768xf32> to vector<256x768xf32>
    %add3A_627 = arith.addf %dot_general3A_622, %add3A_626 : vector<256x768xf32>
    %mul3A_628 = arith.mulf %mul3A_617, %add3A_627 : vector<256x768xf32>
    %get3A_629 = arith.constant 0 : index
    %get3A_630 = arith.constant 0 : index
    %get3A_631 = vector.load %arg7[%get3A_629, %get3A_630] : memref<768x768xf32, #tpu.memory_space<vmem>>, vector<768x768xf32>
    %dot_general3A_632 = arith.constant dense<0.000000e+00> : vector<256x768xf32>
    %dot_general3A_633 = tpu.matmul %add3A_600, %get3A_631, %dot_general3A_632 {dimension_numbers = #tpu.dot_dimension_numbers<[1], [1], [0], [0], [0, 0, 1, 0], [], []>, transpose_lhs_hint = false} : vector<256x768xf32>, vector<768x768xf32>, vector<256x768xf32> -> vector<256x768xf32>
    %get3A_634 = arith.constant 0 : index
    %get3A_635 = arith.constant 0 : index
    %get3A_636 = vector.load %arg8[%get3A_634, %get3A_635] : memref<1x768xf32, #tpu.memory_space<vmem>>, vector<1x768xf32>
    %add3A_637 = vector.broadcast %get3A_636 : vector<1x768xf32> to vector<256x768xf32>
    %add3A_638 = arith.addf %dot_general3A_633, %add3A_637 : vector<256x768xf32>
    %logistic3A_639 = arith.negf %add3A_638 : vector<256x768xf32>
    %logistic3A_640 = math.exp %logistic3A_639 : vector<256x768xf32>
    %logistic3A_641 = arith.constant 1.000000e+00 : f32
    %logistic3A_642 = vector.broadcast %logistic3A_641 : f32 to vector<256x768xf32>
    %logistic3A_643 = arith.addf %logistic3A_642, %logistic3A_640 : vector<256x768xf32>
    %logistic3A_644 = arith.divf %logistic3A_642, %logistic3A_643 : vector<256x768xf32>
    %mul3A_645 = arith.mulf %add3A_638, %logistic3A_644 : vector<256x768xf32>
    %get3A_646 = arith.constant 0 : index
    %get3A_647 = arith.constant 0 : index
    %get3A_648 = vector.load %arg9[%get3A_646, %get3A_647] : memref<768x768xf32, #tpu.memory_space<vmem>>, vector<768x768xf32>
    %dot_general3A_649 = arith.constant dense<0.000000e+00> : vector<256x768xf32>
    %dot_general3A_650 = tpu.matmul %add3A_600, %get3A_648, %dot_general3A_649 {dimension_numbers = #tpu.dot_dimension_numbers<[1], [1], [0], [0], [0, 0, 1, 0], [], []>, transpose_lhs_hint = false} : vector<256x768xf32>, vector<768x768xf32>, vector<256x768xf32> -> vector<256x768xf32>
    %get3A_651 = arith.constant 0 : index
    %get3A_652 = arith.constant 0 : index
    %get3A_653 = vector.load %arg10[%get3A_651, %get3A_652] : memref<1x768xf32, #tpu.memory_space<vmem>>, vector<1x768xf32>
    %add3A_654 = vector.broadcast %get3A_653 : vector<1x768xf32> to vector<256x768xf32>
    %add3A_655 = arith.addf %dot_general3A_650, %add3A_654 : vector<256x768xf32>
    %mul3A_656 = arith.mulf %mul3A_645, %add3A_655 : vector<256x768xf32>
    %get3A_657 = arith.constant 0 : index
    %get3A_658 = arith.constant 0 : index
    %get3A_659 = vector.load %arg11[%get3A_657, %get3A_658] : memref<768x768xf32, #tpu.memory_space<vmem>>, vector<768x768xf32>
    %dot_general3A_660 = arith.constant dense<0.000000e+00> : vector<256x768xf32>
    %dot_general3A_661 = tpu.matmul %add3A_600, %get3A_659, %dot_general3A_660 {dimension_numbers = #tpu.dot_dimension_numbers<[1], [1], [0], [0], [0, 0, 1, 0], [], []>, transpose_lhs_hint = false} : vector<256x768xf32>, vector<768x768xf32>, vector<256x768xf32> -> vector<256x768xf32>
    %get3A_662 = arith.constant 0 : index
    %get3A_663 = arith.constant 0 : index
    %get3A_664 = vector.load %arg12[%get3A_662, %get3A_663] : memref<1x768xf32, #tpu.memory_space<vmem>>, vector<1x768xf32>
    %add3A_665 = vector.broadcast %get3A_664 : vector<1x768xf32> to vector<256x768xf32>
    %add3A_666 = arith.addf %dot_general3A_661, %add3A_665 : vector<256x768xf32>
    %logistic3A_667 = arith.negf %add3A_666 : vector<256x768xf32>
    %logistic3A_668 = math.exp %logistic3A_667 : vector<256x768xf32>
    %logistic3A_669 = arith.constant 1.000000e+00 : f32
    %logistic3A_670 = vector.broadcast %logistic3A_669 : f32 to vector<256x768xf32>
    %logistic3A_671 = arith.addf %logistic3A_670, %logistic3A_668 : vector<256x768xf32>
    %logistic3A_672 = arith.divf %logistic3A_670, %logistic3A_671 : vector<256x768xf32>
    %mul3A_673 = arith.mulf %add3A_666, %logistic3A_672 : vector<256x768xf32>
    %get3A_674 = arith.constant 0 : index
    %get3A_675 = arith.constant 0 : index
    %get3A_676 = vector.load %arg13[%get3A_674, %get3A_675] : memref<768x768xf32, #tpu.memory_space<vmem>>, vector<768x768xf32>
    %dot_general3A_677 = arith.constant dense<0.000000e+00> : vector<256x768xf32>
    %dot_general3A_678 = tpu.matmul %add3A_600, %get3A_676, %dot_general3A_677 {dimension_numbers = #tpu.dot_dimension_numbers<[1], [1], [0], [0], [0, 0, 1, 0], [], []>, transpose_lhs_hint = false} : vector<256x768xf32>, vector<768x768xf32>, vector<256x768xf32> -> vector<256x768xf32>
    %get3A_679 = arith.constant 0 : index
    %get3A_680 = arith.constant 0 : index
    %get3A_681 = vector.load %arg14[%get3A_679, %get3A_680] : memref<1x768xf32, #tpu.memory_space<vmem>>, vector<1x768xf32>
    %add3A_682 = vector.broadcast %get3A_681 : vector<1x768xf32> to vector<256x768xf32>
    %add3A_683 = arith.addf %dot_general3A_678, %add3A_682 : vector<256x768xf32>
    %mul3A_684 = arith.mulf %mul3A_673, %add3A_683 : vector<256x768xf32>
    %gt3A_685 = arith.constant 0.000000e+00 : f32
    %gt3A_686 = vector.broadcast %gt3A_685 : f32 to vector<256x768xf32>
    %gt3A_687 = arith.cmpf ogt, %mul3A_628, %gt3A_686 : vector<256x768xf32>
    %add3A_688 = arith.constant 1.000000e+00 : f32
    %add3A_689 = vector.broadcast %add3A_688 : f32 to vector<256x768xf32>
    %add3A_690 = arith.addf %mul3A_628, %add3A_689 : vector<256x768xf32>
    %exp3A_691 = math.exp %mul3A_628 : vector<256x768xf32>
    %select_n3A_692 = arith.select %gt3A_687, %add3A_690, %exp3A_691 : vector<256x768xi1>, vector<256x768xf32>
    %swap3A_693 = arith.constant 1024 : index
    %swap3A_694 = arith.constant 0 : index
    %swap3A_695 = vector.load %arg16[%swap3A_693, %swap3A_694] : memref<2048x768xf32, #tpu.memory_space<vmem>>, vector<256x768xf32>
    tpu.vector_store %arg16[%swap3A_693, %swap3A_694], %select_n3A_692 {strides = array<i32>} : memref<2048x768xf32, #tpu.memory_space<vmem>>, vector<256x768xf32>,
    %gt3A_696 = arith.constant 0.000000e+00 : f32
    %gt3A_697 = vector.broadcast %gt3A_696 : f32 to vector<256x768xf32>
    %gt3A_698 = arith.cmpf ogt, %mul3A_656, %gt3A_697 : vector<256x768xf32>
    %add3A_699 = arith.constant 1.000000e+00 : f32
    %add3A_700 = vector.broadcast %add3A_699 : f32 to vector<256x768xf32>
    %add3A_701 = arith.addf %mul3A_656, %add3A_700 : vector<256x768xf32>
    %exp3A_702 = math.exp %mul3A_656 : vector<256x768xf32>
    %select_n3A_703 = arith.select %gt3A_698, %add3A_701, %exp3A_702 : vector<256x768xi1>, vector<256x768xf32>
    %swap3A_704 = arith.constant 1024 : index
    %swap3A_705 = arith.constant 0 : index
    %swap3A_706 = vector.load %arg17[%swap3A_704, %swap3A_705] : memref<2048x768xf32, #tpu.memory_space<vmem>>, vector<256x768xf32>
    tpu.vector_store %arg17[%swap3A_704, %swap3A_705], %select_n3A_703 {strides = array<i32>} : memref<2048x768xf32, #tpu.memory_space<vmem>>, vector<256x768xf32>,
    %swap3A_707 = arith.constant 1024 : index
    %swap3A_708 = arith.constant 0 : index
    %swap3A_709 = vector.load %arg18[%swap3A_707, %swap3A_708] : memref<2048x768xf32, #tpu.memory_space<vmem>>, vector<256x768xf32>
    tpu.vector_store %arg18[%swap3A_707, %swap3A_708], %mul3A_684 {strides = array<i32>} : memref<2048x768xf32, #tpu.memory_space<vmem>>, vector<256x768xf32>,
    %get3A_710 = arith.constant 1280 : index
    %get3A_711 = arith.constant 0 : index
    %get3A_712 = vector.load %arg0[%get3A_710, %get3A_711] : memref<2048x768xf32, #tpu.memory_space<vmem>>, vector<256x768xf32>
    %get3A_713 = arith.constant 0 : index
    %get3A_714 = arith.constant 0 : index
    %get3A_715 = vector.load %arg1[%get3A_713, %get3A_714] : memref<1x768xf32, #tpu.memory_space<vmem>>, vector<1x768xf32>
    %get3A_716 = arith.constant 0 : index
    %get3A_717 = arith.constant 0 : index
    %get3A_718 = vector.load %arg2[%get3A_716, %get3A_717] : memref<1x768xf32, #tpu.memory_space<vmem>>, vector<1x768xf32>
    %reduce_sum3A_719 = arith.constant dense<0.000000e+00> : vector<256xf32>
    %reduce_sum3A_720 = vector.multi_reduction <add>, %get3A_712, %reduce_sum3A_719 [1] : vector<256x768xf32> to vector<256xf32>
    %broadcast_in_dim3A_721 = vector.shape_cast %reduce_sum3A_720 : vector<256xf32> to vector<256x1xf32>
    %div3A_722 = arith.constant 7.680000e+02 : f32
    %div3A_723 = vector.broadcast %div3A_722 : f32 to vector<256x1xf32>
    %div3A_724 = arith.divf %broadcast_in_dim3A_721, %div3A_723 : vector<256x1xf32>
    %sub3A_725 = vector.broadcast %div3A_724 : vector<256x1xf32> to vector<256x768xf32>
    %sub3A_726 = arith.subf %get3A_712, %sub3A_725 : vector<256x768xf32>
    %integer_pow3A_727 = arith.mulf %sub3A_726, %sub3A_726 : vector<256x768xf32>
    %reduce_sum3A_728 = arith.constant dense<0.000000e+00> : vector<256xf32>
    %reduce_sum3A_729 = vector.multi_reduction <add>, %integer_pow3A_727, %reduce_sum3A_728 [1] : vector<256x768xf32> to vector<256xf32>
    %broadcast_in_dim3A_730 = vector.shape_cast %reduce_sum3A_729 : vector<256xf32> to vector<256x1xf32>
    %div3A_731 = arith.constant 7.680000e+02 : f32
    %div3A_732 = vector.broadcast %div3A_731 : f32 to vector<256x1xf32>
    %div3A_733 = arith.divf %broadcast_in_dim3A_730, %div3A_732 : vector<256x1xf32>
    %sub3A_734 = vector.broadcast %div3A_724 : vector<256x1xf32> to vector<256x768xf32>
    %sub3A_735 = arith.subf %get3A_712, %sub3A_734 : vector<256x768xf32>
    %add3A_736 = arith.constant 9.99999974E-6 : f32
    %add3A_737 = vector.broadcast %add3A_736 : f32 to vector<256x1xf32>
    %add3A_738 = arith.addf %div3A_733, %add3A_737 : vector<256x1xf32>
    %sqrt3A_739 = math.sqrt %add3A_738 : vector<256x1xf32>
    %div3A_740 = vector.broadcast %sqrt3A_739 : vector<256x1xf32> to vector<256x768xf32>
    %div3A_741 = arith.divf %sub3A_735, %div3A_740 : vector<256x768xf32>
    %mul3A_742 = vector.broadcast %get3A_715 : vector<1x768xf32> to vector<256x768xf32>
    %mul3A_743 = arith.mulf %div3A_741, %mul3A_742 : vector<256x768xf32>
    %add3A_744 = vector.broadcast %get3A_718 : vector<1x768xf32> to vector<256x768xf32>
    %add3A_745 = arith.addf %mul3A_743, %add3A_744 : vector<256x768xf32>
    %get3A_746 = arith.constant 0 : index
    %get3A_747 = arith.constant 0 : index
    %get3A_748 = vector.load %arg3[%get3A_746, %get3A_747] : memref<768x768xf32, #tpu.memory_space<vmem>>, vector<768x768xf32>
    %dot_general3A_749 = arith.constant dense<0.000000e+00> : vector<256x768xf32>
    %dot_general3A_750 = tpu.matmul %add3A_745, %get3A_748, %dot_general3A_749 {dimension_numbers = #tpu.dot_dimension_numbers<[1], [1], [0], [0], [0, 0, 1, 0], [], []>, transpose_lhs_hint = false} : vector<256x768xf32>, vector<768x768xf32>, vector<256x768xf32> -> vector<256x768xf32>
    %get3A_751 = arith.constant 0 : index
    %get3A_752 = arith.constant 0 : index
    %get3A_753 = vector.load %arg4[%get3A_751, %get3A_752] : memref<1x768xf32, #tpu.memory_space<vmem>>, vector<1x768xf32>
    %add3A_754 = vector.broadcast %get3A_753 : vector<1x768xf32> to vector<256x768xf32>
    %add3A_755 = arith.addf %dot_general3A_750, %add3A_754 : vector<256x768xf32>
    %logistic3A_756 = arith.negf %add3A_755 : vector<256x768xf32>
    %logistic3A_757 = math.exp %logistic3A_756 : vector<256x768xf32>
    %logistic3A_758 = arith.constant 1.000000e+00 : f32
    %logistic3A_759 = vector.broadcast %logistic3A_758 : f32 to vector<256x768xf32>
    %logistic3A_760 = arith.addf %logistic3A_759, %logistic3A_757 : vector<256x768xf32>
    %logistic3A_761 = arith.divf %logistic3A_759, %logistic3A_760 : vector<256x768xf32>
    %mul3A_762 = arith.mulf %add3A_755, %logistic3A_761 : vector<256x768xf32>
    %get3A_763 = arith.constant 0 : index
    %get3A_764 = arith.constant 0 : index
    %get3A_765 = vector.load %arg5[%get3A_763, %get3A_764] : memref<768x768xf32, #tpu.memory_space<vmem>>, vector<768x768xf32>
    %dot_general3A_766 = arith.constant dense<0.000000e+00> : vector<256x768xf32>
    %dot_general3A_767 = tpu.matmul %add3A_745, %get3A_765, %dot_general3A_766 {dimension_numbers = #tpu.dot_dimension_numbers<[1], [1], [0], [0], [0, 0, 1, 0], [], []>, transpose_lhs_hint = false} : vector<256x768xf32>, vector<768x768xf32>, vector<256x768xf32> -> vector<256x768xf32>
    %get3A_768 = arith.constant 0 : index
    %get3A_769 = arith.constant 0 : index
    %get3A_770 = vector.load %arg6[%get3A_768, %get3A_769] : memref<1x768xf32, #tpu.memory_space<vmem>>, vector<1x768xf32>
    %add3A_771 = vector.broadcast %get3A_770 : vector<1x768xf32> to vector<256x768xf32>
    %add3A_772 = arith.addf %dot_general3A_767, %add3A_771 : vector<256x768xf32>
    %mul3A_773 = arith.mulf %mul3A_762, %add3A_772 : vector<256x768xf32>
    %get3A_774 = arith.constant 0 : index
    %get3A_775 = arith.constant 0 : index
    %get3A_776 = vector.load %arg7[%get3A_774, %get3A_775] : memref<768x768xf32, #tpu.memory_space<vmem>>, vector<768x768xf32>
    %dot_general3A_777 = arith.constant dense<0.000000e+00> : vector<256x768xf32>
    %dot_general3A_778 = tpu.matmul %add3A_745, %get3A_776, %dot_general3A_777 {dimension_numbers = #tpu.dot_dimension_numbers<[1], [1], [0], [0], [0, 0, 1, 0], [], []>, transpose_lhs_hint = false} : vector<256x768xf32>, vector<768x768xf32>, vector<256x768xf32> -> vector<256x768xf32>
    %get3A_779 = arith.constant 0 : index
    %get3A_780 = arith.constant 0 : index
    %get3A_781 = vector.load %arg8[%get3A_779, %get3A_780] : memref<1x768xf32, #tpu.memory_space<vmem>>, vector<1x768xf32>
    %add3A_782 = vector.broadcast %get3A_781 : vector<1x768xf32> to vector<256x768xf32>
    %add3A_783 = arith.addf %dot_general3A_778, %add3A_782 : vector<256x768xf32>
    %logistic3A_784 = arith.negf %add3A_783 : vector<256x768xf32>
    %logistic3A_785 = math.exp %logistic3A_784 : vector<256x768xf32>
    %logistic3A_786 = arith.constant 1.000000e+00 : f32
    %logistic3A_787 = vector.broadcast %logistic3A_786 : f32 to vector<256x768xf32>
    %logistic3A_788 = arith.addf %logistic3A_787, %logistic3A_785 : vector<256x768xf32>
    %logistic3A_789 = arith.divf %logistic3A_787, %logistic3A_788 : vector<256x768xf32>
    %mul3A_790 = arith.mulf %add3A_783, %logistic3A_789 : vector<256x768xf32>
    %get3A_791 = arith.constant 0 : index
    %get3A_792 = arith.constant 0 : index
    %get3A_793 = vector.load %arg9[%get3A_791, %get3A_792] : memref<768x768xf32, #tpu.memory_space<vmem>>, vector<768x768xf32>
    %dot_general3A_794 = arith.constant dense<0.000000e+00> : vector<256x768xf32>
    %dot_general3A_795 = tpu.matmul %add3A_745, %get3A_793, %dot_general3A_794 {dimension_numbers = #tpu.dot_dimension_numbers<[1], [1], [0], [0], [0, 0, 1, 0], [], []>, transpose_lhs_hint = false} : vector<256x768xf32>, vector<768x768xf32>, vector<256x768xf32> -> vector<256x768xf32>
    %get3A_796 = arith.constant 0 : index
    %get3A_797 = arith.constant 0 : index
    %get3A_798 = vector.load %arg10[%get3A_796, %get3A_797] : memref<1x768xf32, #tpu.memory_space<vmem>>, vector<1x768xf32>
    %add3A_799 = vector.broadcast %get3A_798 : vector<1x768xf32> to vector<256x768xf32>
    %add3A_800 = arith.addf %dot_general3A_795, %add3A_799 : vector<256x768xf32>
    %mul3A_801 = arith.mulf %mul3A_790, %add3A_800 : vector<256x768xf32>
    %get3A_802 = arith.constant 0 : index
    %get3A_803 = arith.constant 0 : index
    %get3A_804 = vector.load %arg11[%get3A_802, %get3A_803] : memref<768x768xf32, #tpu.memory_space<vmem>>, vector<768x768xf32>
    %dot_general3A_805 = arith.constant dense<0.000000e+00> : vector<256x768xf32>
    %dot_general3A_806 = tpu.matmul %add3A_745, %get3A_804, %dot_general3A_805 {dimension_numbers = #tpu.dot_dimension_numbers<[1], [1], [0], [0], [0, 0, 1, 0], [], []>, transpose_lhs_hint = false} : vector<256x768xf32>, vector<768x768xf32>, vector<256x768xf32> -> vector<256x768xf32>
    %get3A_807 = arith.constant 0 : index
    %get3A_808 = arith.constant 0 : index
    %get3A_809 = vector.load %arg12[%get3A_807, %get3A_808] : memref<1x768xf32, #tpu.memory_space<vmem>>, vector<1x768xf32>
    %add3A_810 = vector.broadcast %get3A_809 : vector<1x768xf32> to vector<256x768xf32>
    %add3A_811 = arith.addf %dot_general3A_806, %add3A_810 : vector<256x768xf32>
    %logistic3A_812 = arith.negf %add3A_811 : vector<256x768xf32>
    %logistic3A_813 = math.exp %logistic3A_812 : vector<256x768xf32>
    %logistic3A_814 = arith.constant 1.000000e+00 : f32
    %logistic3A_815 = vector.broadcast %logistic3A_814 : f32 to vector<256x768xf32>
    %logistic3A_816 = arith.addf %logistic3A_815, %logistic3A_813 : vector<256x768xf32>
    %logistic3A_817 = arith.divf %logistic3A_815, %logistic3A_816 : vector<256x768xf32>
    %mul3A_818 = arith.mulf %add3A_811, %logistic3A_817 : vector<256x768xf32>
    %get3A_819 = arith.constant 0 : index
    %get3A_820 = arith.constant 0 : index
    %get3A_821 = vector.load %arg13[%get3A_819, %get3A_820] : memref<768x768xf32, #tpu.memory_space<vmem>>, vector<768x768xf32>
    %dot_general3A_822 = arith.constant dense<0.000000e+00> : vector<256x768xf32>
    %dot_general3A_823 = tpu.matmul %add3A_745, %get3A_821, %dot_general3A_822 {dimension_numbers = #tpu.dot_dimension_numbers<[1], [1], [0], [0], [0, 0, 1, 0], [], []>, transpose_lhs_hint = false} : vector<256x768xf32>, vector<768x768xf32>, vector<256x768xf32> -> vector<256x768xf32>
    %get3A_824 = arith.constant 0 : index
    %get3A_825 = arith.constant 0 : index
    %get3A_826 = vector.load %arg14[%get3A_824, %get3A_825] : memref<1x768xf32, #tpu.memory_space<vmem>>, vector<1x768xf32>
    %add3A_827 = vector.broadcast %get3A_826 : vector<1x768xf32> to vector<256x768xf32>
    %add3A_828 = arith.addf %dot_general3A_823, %add3A_827 : vector<256x768xf32>
    %mul3A_829 = arith.mulf %mul3A_818, %add3A_828 : vector<256x768xf32>
    %gt3A_830 = arith.constant 0.000000e+00 : f32
    %gt3A_831 = vector.broadcast %gt3A_830 : f32 to vector<256x768xf32>
    %gt3A_832 = arith.cmpf ogt, %mul3A_773, %gt3A_831 : vector<256x768xf32>
    %add3A_833 = arith.constant 1.000000e+00 : f32
    %add3A_834 = vector.broadcast %add3A_833 : f32 to vector<256x768xf32>
    %add3A_835 = arith.addf %mul3A_773, %add3A_834 : vector<256x768xf32>
    %exp3A_836 = math.exp %mul3A_773 : vector<256x768xf32>
    %select_n3A_837 = arith.select %gt3A_832, %add3A_835, %exp3A_836 : vector<256x768xi1>, vector<256x768xf32>
    %swap3A_838 = arith.constant 1280 : index
    %swap3A_839 = arith.constant 0 : index
    %swap3A_840 = vector.load %arg16[%swap3A_838, %swap3A_839] : memref<2048x768xf32, #tpu.memory_space<vmem>>, vector<256x768xf32>
    tpu.vector_store %arg16[%swap3A_838, %swap3A_839], %select_n3A_837 {strides = array<i32>} : memref<2048x768xf32, #tpu.memory_space<vmem>>, vector<256x768xf32>,
    %gt3A_841 = arith.constant 0.000000e+00 : f32
    %gt3A_842 = vector.broadcast %gt3A_841 : f32 to vector<256x768xf32>
    %gt3A_843 = arith.cmpf ogt, %mul3A_801, %gt3A_842 : vector<256x768xf32>
    %add3A_844 = arith.constant 1.000000e+00 : f32
    %add3A_845 = vector.broadcast %add3A_844 : f32 to vector<256x768xf32>
    %add3A_846 = arith.addf %mul3A_801, %add3A_845 : vector<256x768xf32>
    %exp3A_847 = math.exp %mul3A_801 : vector<256x768xf32>
    %select_n3A_848 = arith.select %gt3A_843, %add3A_846, %exp3A_847 : vector<256x768xi1>, vector<256x768xf32>
    %swap3A_849 = arith.constant 1280 : index
    %swap3A_850 = arith.constant 0 : index
    %swap3A_851 = vector.load %arg17[%swap3A_849, %swap3A_850] : memref<2048x768xf32, #tpu.memory_space<vmem>>, vector<256x768xf32>
    tpu.vector_store %arg17[%swap3A_849, %swap3A_850], %select_n3A_848 {strides = array<i32>} : memref<2048x768xf32, #tpu.memory_space<vmem>>, vector<256x768xf32>,
    %swap3A_852 = arith.constant 1280 : index
    %swap3A_853 = arith.constant 0 : index
    %swap3A_854 = vector.load %arg18[%swap3A_852, %swap3A_853] : memref<2048x768xf32, #tpu.memory_space<vmem>>, vector<256x768xf32>
    tpu.vector_store %arg18[%swap3A_852, %swap3A_853], %mul3A_829 {strides = array<i32>} : memref<2048x768xf32, #tpu.memory_space<vmem>>, vector<256x768xf32>,
    %get3A_855 = arith.constant 1536 : index
    %get3A_856 = arith.constant 0 : index
    %get3A_857 = vector.load %arg0[%get3A_855, %get3A_856] : memref<2048x768xf32, #tpu.memory_space<vmem>>, vector<256x768xf32>
    %get3A_858 = arith.constant 0 : index
    %get3A_859 = arith.constant 0 : index
    %get3A_860 = vector.load %arg1[%get3A_858, %get3A_859] : memref<1x768xf32, #tpu.memory_space<vmem>>, vector<1x768xf32>
    %get3A_861 = arith.constant 0 : index
    %get3A_862 = arith.constant 0 : index
    %get3A_863 = vector.load %arg2[%get3A_861, %get3A_862] : memref<1x768xf32, #tpu.memory_space<vmem>>, vector<1x768xf32>
    %reduce_sum3A_864 = arith.constant dense<0.000000e+00> : vector<256xf32>
    %reduce_sum3A_865 = vector.multi_reduction <add>, %get3A_857, %reduce_sum3A_864 [1] : vector<256x768xf32> to vector<256xf32>
    %broadcast_in_dim3A_866 = vector.shape_cast %reduce_sum3A_865 : vector<256xf32> to vector<256x1xf32>
    %div3A_867 = arith.constant 7.680000e+02 : f32
    %div3A_868 = vector.broadcast %div3A_867 : f32 to vector<256x1xf32>
    %div3A_869 = arith.divf %broadcast_in_dim3A_866, %div3A_868 : vector<256x1xf32>
    %sub3A_870 = vector.broadcast %div3A_869 : vector<256x1xf32> to vector<256x768xf32>
    %sub3A_871 = arith.subf %get3A_857, %sub3A_870 : vector<256x768xf32>
    %integer_pow3A_872 = arith.mulf %sub3A_871, %sub3A_871 : vector<256x768xf32>
    %reduce_sum3A_873 = arith.constant dense<0.000000e+00> : vector<256xf32>
    %reduce_sum3A_874 = vector.multi_reduction <add>, %integer_pow3A_872, %reduce_sum3A_873 [1] : vector<256x768xf32> to vector<256xf32>
    %broadcast_in_dim3A_875 = vector.shape_cast %reduce_sum3A_874 : vector<256xf32> to vector<256x1xf32>
    %div3A_876 = arith.constant 7.680000e+02 : f32
    %div3A_877 = vector.broadcast %div3A_876 : f32 to vector<256x1xf32>
    %div3A_878 = arith.divf %broadcast_in_dim3A_875, %div3A_877 : vector<256x1xf32>
    %sub3A_879 = vector.broadcast %div3A_869 : vector<256x1xf32> to vector<256x768xf32>
    %sub3A_880 = arith.subf %get3A_857, %sub3A_879 : vector<256x768xf32>
    %add3A_881 = arith.constant 9.99999974E-6 : f32
    %add3A_882 = vector.broadcast %add3A_881 : f32 to vector<256x1xf32>
    %add3A_883 = arith.addf %div3A_878, %add3A_882 : vector<256x1xf32>
    %sqrt3A_884 = math.sqrt %add3A_883 : vector<256x1xf32>
    %div3A_885 = vector.broadcast %sqrt3A_884 : vector<256x1xf32> to vector<256x768xf32>
    %div3A_886 = arith.divf %sub3A_880, %div3A_885 : vector<256x768xf32>
    %mul3A_887 = vector.broadcast %get3A_860 : vector<1x768xf32> to vector<256x768xf32>
    %mul3A_888 = arith.mulf %div3A_886, %mul3A_887 : vector<256x768xf32>
    %add3A_889 = vector.broadcast %get3A_863 : vector<1x768xf32> to vector<256x768xf32>
    %add3A_890 = arith.addf %mul3A_888, %add3A_889 : vector<256x768xf32>
    %get3A_891 = arith.constant 0 : index
    %get3A_892 = arith.constant 0 : index
    %get3A_893 = vector.load %arg3[%get3A_891, %get3A_892] : memref<768x768xf32, #tpu.memory_space<vmem>>, vector<768x768xf32>
    %dot_general3A_894 = arith.constant dense<0.000000e+00> : vector<256x768xf32>
    %dot_general3A_895 = tpu.matmul %add3A_890, %get3A_893, %dot_general3A_894 {dimension_numbers = #tpu.dot_dimension_numbers<[1], [1], [0], [0], [0, 0, 1, 0], [], []>, transpose_lhs_hint = false} : vector<256x768xf32>, vector<768x768xf32>, vector<256x768xf32> -> vector<256x768xf32>
    %get3A_896 = arith.constant 0 : index
    %get3A_897 = arith.constant 0 : index
    %get3A_898 = vector.load %arg4[%get3A_896, %get3A_897] : memref<1x768xf32, #tpu.memory_space<vmem>>, vector<1x768xf32>
    %add3A_899 = vector.broadcast %get3A_898 : vector<1x768xf32> to vector<256x768xf32>
    %add3A_900 = arith.addf %dot_general3A_895, %add3A_899 : vector<256x768xf32>
    %logistic3A_901 = arith.negf %add3A_900 : vector<256x768xf32>
    %logistic3A_902 = math.exp %logistic3A_901 : vector<256x768xf32>
    %logistic3A_903 = arith.constant 1.000000e+00 : f32
    %logistic3A_904 = vector.broadcast %logistic3A_903 : f32 to vector<256x768xf32>
    %logistic3A_905 = arith.addf %logistic3A_904, %logistic3A_902 : vector<256x768xf32>
    %logistic3A_906 = arith.divf %logistic3A_904, %logistic3A_905 : vector<256x768xf32>
    %mul3A_907 = arith.mulf %add3A_900, %logistic3A_906 : vector<256x768xf32>
    %get3A_908 = arith.constant 0 : index
    %get3A_909 = arith.constant 0 : index
    %get3A_910 = vector.load %arg5[%get3A_908, %get3A_909] : memref<768x768xf32, #tpu.memory_space<vmem>>, vector<768x768xf32>
    %dot_general3A_911 = arith.constant dense<0.000000e+00> : vector<256x768xf32>
    %dot_general3A_912 = tpu.matmul %add3A_890, %get3A_910, %dot_general3A_911 {dimension_numbers = #tpu.dot_dimension_numbers<[1], [1], [0], [0], [0, 0, 1, 0], [], []>, transpose_lhs_hint = false} : vector<256x768xf32>, vector<768x768xf32>, vector<256x768xf32> -> vector<256x768xf32>
    %get3A_913 = arith.constant 0 : index
    %get3A_914 = arith.constant 0 : index
    %get3A_915 = vector.load %arg6[%get3A_913, %get3A_914] : memref<1x768xf32, #tpu.memory_space<vmem>>, vector<1x768xf32>
    %add3A_916 = vector.broadcast %get3A_915 : vector<1x768xf32> to vector<256x768xf32>
    %add3A_917 = arith.addf %dot_general3A_912, %add3A_916 : vector<256x768xf32>
    %mul3A_918 = arith.mulf %mul3A_907, %add3A_917 : vector<256x768xf32>
    %get3A_919 = arith.constant 0 : index
    %get3A_920 = arith.constant 0 : index
    %get3A_921 = vector.load %arg7[%get3A_919, %get3A_920] : memref<768x768xf32, #tpu.memory_space<vmem>>, vector<768x768xf32>
    %dot_general3A_922 = arith.constant dense<0.000000e+00> : vector<256x768xf32>
    %dot_general3A_923 = tpu.matmul %add3A_890, %get3A_921, %dot_general3A_922 {dimension_numbers = #tpu.dot_dimension_numbers<[1], [1], [0], [0], [0, 0, 1, 0], [], []>, transpose_lhs_hint = false} : vector<256x768xf32>, vector<768x768xf32>, vector<256x768xf32> -> vector<256x768xf32>
    %get3A_924 = arith.constant 0 : index
    %get3A_925 = arith.constant 0 : index
    %get3A_926 = vector.load %arg8[%get3A_924, %get3A_925] : memref<1x768xf32, #tpu.memory_space<vmem>>, vector<1x768xf32>
    %add3A_927 = vector.broadcast %get3A_926 : vector<1x768xf32> to vector<256x768xf32>
    %add3A_928 = arith.addf %dot_general3A_923, %add3A_927 : vector<256x768xf32>
    %logistic3A_929 = arith.negf %add3A_928 : vector<256x768xf32>
    %logistic3A_930 = math.exp %logistic3A_929 : vector<256x768xf32>
    %logistic3A_931 = arith.constant 1.000000e+00 : f32
    %logistic3A_932 = vector.broadcast %logistic3A_931 : f32 to vector<256x768xf32>
    %logistic3A_933 = arith.addf %logistic3A_932, %logistic3A_930 : vector<256x768xf32>
    %logistic3A_934 = arith.divf %logistic3A_932, %logistic3A_933 : vector<256x768xf32>
    %mul3A_935 = arith.mulf %add3A_928, %logistic3A_934 : vector<256x768xf32>
    %get3A_936 = arith.constant 0 : index
    %get3A_937 = arith.constant 0 : index
    %get3A_938 = vector.load %arg9[%get3A_936, %get3A_937] : memref<768x768xf32, #tpu.memory_space<vmem>>, vector<768x768xf32>
    %dot_general3A_939 = arith.constant dense<0.000000e+00> : vector<256x768xf32>
    %dot_general3A_940 = tpu.matmul %add3A_890, %get3A_938, %dot_general3A_939 {dimension_numbers = #tpu.dot_dimension_numbers<[1], [1], [0], [0], [0, 0, 1, 0], [], []>, transpose_lhs_hint = false} : vector<256x768xf32>, vector<768x768xf32>, vector<256x768xf32> -> vector<256x768xf32>
    %get3A_941 = arith.constant 0 : index
    %get3A_942 = arith.constant 0 : index
    %get3A_943 = vector.load %arg10[%get3A_941, %get3A_942] : memref<1x768xf32, #tpu.memory_space<vmem>>, vector<1x768xf32>
    %add3A_944 = vector.broadcast %get3A_943 : vector<1x768xf32> to vector<256x768xf32>
    %add3A_945 = arith.addf %dot_general3A_940, %add3A_944 : vector<256x768xf32>
    %mul3A_946 = arith.mulf %mul3A_935, %add3A_945 : vector<256x768xf32>
    %get3A_947 = arith.constant 0 : index
    %get3A_948 = arith.constant 0 : index
    %get3A_949 = vector.load %arg11[%get3A_947, %get3A_948] : memref<768x768xf32, #tpu.memory_space<vmem>>, vector<768x768xf32>
    %dot_general3A_950 = arith.constant dense<0.000000e+00> : vector<256x768xf32>
    %dot_general3A_951 = tpu.matmul %add3A_890, %get3A_949, %dot_general3A_950 {dimension_numbers = #tpu.dot_dimension_numbers<[1], [1], [0], [0], [0, 0, 1, 0], [], []>, transpose_lhs_hint = false} : vector<256x768xf32>, vector<768x768xf32>, vector<256x768xf32> -> vector<256x768xf32>
    %get3A_952 = arith.constant 0 : index
    %get3A_953 = arith.constant 0 : index
    %get3A_954 = vector.load %arg12[%get3A_952, %get3A_953] : memref<1x768xf32, #tpu.memory_space<vmem>>, vector<1x768xf32>
    %add3A_955 = vector.broadcast %get3A_954 : vector<1x768xf32> to vector<256x768xf32>
    %add3A_956 = arith.addf %dot_general3A_951, %add3A_955 : vector<256x768xf32>
    %logistic3A_957 = arith.negf %add3A_956 : vector<256x768xf32>
    %logistic3A_958 = math.exp %logistic3A_957 : vector<256x768xf32>
    %logistic3A_959 = arith.constant 1.000000e+00 : f32
    %logistic3A_960 = vector.broadcast %logistic3A_959 : f32 to vector<256x768xf32>
    %logistic3A_961 = arith.addf %logistic3A_960, %logistic3A_958 : vector<256x768xf32>
    %logistic3A_962 = arith.divf %logistic3A_960, %logistic3A_961 : vector<256x768xf32>
    %mul3A_963 = arith.mulf %add3A_956, %logistic3A_962 : vector<256x768xf32>
    %get3A_964 = arith.constant 0 : index
    %get3A_965 = arith.constant 0 : index
    %get3A_966 = vector.load %arg13[%get3A_964, %get3A_965] : memref<768x768xf32, #tpu.memory_space<vmem>>, vector<768x768xf32>
    %dot_general3A_967 = arith.constant dense<0.000000e+00> : vector<256x768xf32>
    %dot_general3A_968 = tpu.matmul %add3A_890, %get3A_966, %dot_general3A_967 {dimension_numbers = #tpu.dot_dimension_numbers<[1], [1], [0], [0], [0, 0, 1, 0], [], []>, transpose_lhs_hint = false} : vector<256x768xf32>, vector<768x768xf32>, vector<256x768xf32> -> vector<256x768xf32>
    %get3A_969 = arith.constant 0 : index
    %get3A_970 = arith.constant 0 : index
    %get3A_971 = vector.load %arg14[%get3A_969, %get3A_970] : memref<1x768xf32, #tpu.memory_space<vmem>>, vector<1x768xf32>
    %add3A_972 = vector.broadcast %get3A_971 : vector<1x768xf32> to vector<256x768xf32>
    %add3A_973 = arith.addf %dot_general3A_968, %add3A_972 : vector<256x768xf32>
    %mul3A_974 = arith.mulf %mul3A_963, %add3A_973 : vector<256x768xf32>
    %gt3A_975 = arith.constant 0.000000e+00 : f32
    %gt3A_976 = vector.broadcast %gt3A_975 : f32 to vector<256x768xf32>
    %gt3A_977 = arith.cmpf ogt, %mul3A_918, %gt3A_976 : vector<256x768xf32>
    %add3A_978 = arith.constant 1.000000e+00 : f32
    %add3A_979 = vector.broadcast %add3A_978 : f32 to vector<256x768xf32>
    %add3A_980 = arith.addf %mul3A_918, %add3A_979 : vector<256x768xf32>
    %exp3A_981 = math.exp %mul3A_918 : vector<256x768xf32>
    %select_n3A_982 = arith.select %gt3A_977, %add3A_980, %exp3A_981 : vector<256x768xi1>, vector<256x768xf32>
    %swap3A_983 = arith.constant 1536 : index
    %swap3A_984 = arith.constant 0 : index
    %swap3A_985 = vector.load %arg16[%swap3A_983, %swap3A_984] : memref<2048x768xf32, #tpu.memory_space<vmem>>, vector<256x768xf32>
    tpu.vector_store %arg16[%swap3A_983, %swap3A_984], %select_n3A_982 {strides = array<i32>} : memref<2048x768xf32, #tpu.memory_space<vmem>>, vector<256x768xf32>,
    %gt3A_986 = arith.constant 0.000000e+00 : f32
    %gt3A_987 = vector.broadcast %gt3A_986 : f32 to vector<256x768xf32>
    %gt3A_988 = arith.cmpf ogt, %mul3A_946, %gt3A_987 : vector<256x768xf32>
    %add3A_989 = arith.constant 1.000000e+00 : f32
    %add3A_990 = vector.broadcast %add3A_989 : f32 to vector<256x768xf32>
    %add3A_991 = arith.addf %mul3A_946, %add3A_990 : vector<256x768xf32>
    %exp3A_992 = math.exp %mul3A_946 : vector<256x768xf32>
    %select_n3A_993 = arith.select %gt3A_988, %add3A_991, %exp3A_992 : vector<256x768xi1>, vector<256x768xf32>
    %swap3A_994 = arith.constant 1536 : index
    %swap3A_995 = arith.constant 0 : index
    %swap3A_996 = vector.load %arg17[%swap3A_994, %swap3A_995] : memref<2048x768xf32, #tpu.memory_space<vmem>>, vector<256x768xf32>
    tpu.vector_store %arg17[%swap3A_994, %swap3A_995], %select_n3A_993 {strides = array<i32>} : memref<2048x768xf32, #tpu.memory_space<vmem>>, vector<256x768xf32>,
    %swap3A_997 = arith.constant 1536 : index
    %swap3A_998 = arith.constant 0 : index
    %swap3A_999 = vector.load %arg18[%swap3A_997, %swap3A_998] : memref<2048x768xf32, #tpu.memory_space<vmem>>, vector<256x768xf32>
    tpu.vector_store %arg18[%swap3A_997, %swap3A_998], %mul3A_974 {strides = array<i32>} : memref<2048x768xf32, #tpu.memory_space<vmem>>, vector<256x768xf32>,
    %get3A_1000 = arith.constant 1792 : index
    %get3A_1001 = arith.constant 0 : index
    %get3A_1002 = vector.load %arg0[%get3A_1000, %get3A_1001] : memref<2048x768xf32, #tpu.memory_space<vmem>>, vector<256x768xf32>
    %get3A_1003 = arith.constant 0 : index
    %get3A_1004 = arith.constant 0 : index
    %get3A_1005 = vector.load %arg1[%get3A_1003, %get3A_1004] : memref<1x768xf32, #tpu.memory_space<vmem>>, vector<1x768xf32>
    %get3A_1006 = arith.constant 0 : index
    %get3A_1007 = arith.constant 0 : index
    %get3A_1008 = vector.load %arg2[%get3A_1006, %get3A_1007] : memref<1x768xf32, #tpu.memory_space<vmem>>, vector<1x768xf32>
    %reduce_sum3A_1009 = arith.constant dense<0.000000e+00> : vector<256xf32>
    %reduce_sum3A_1010 = vector.multi_reduction <add>, %get3A_1002, %reduce_sum3A_1009 [1] : vector<256x768xf32> to vector<256xf32>
    %broadcast_in_dim3A_1011 = vector.shape_cast %reduce_sum3A_1010 : vector<256xf32> to vector<256x1xf32>
    %div3A_1012 = arith.constant 7.680000e+02 : f32
    %div3A_1013 = vector.broadcast %div3A_1012 : f32 to vector<256x1xf32>
    %div3A_1014 = arith.divf %broadcast_in_dim3A_1011, %div3A_1013 : vector<256x1xf32>
    %sub3A_1015 = vector.broadcast %div3A_1014 : vector<256x1xf32> to vector<256x768xf32>
    %sub3A_1016 = arith.subf %get3A_1002, %sub3A_1015 : vector<256x768xf32>
    %integer_pow3A_1017 = arith.mulf %sub3A_1016, %sub3A_1016 : vector<256x768xf32>
    %reduce_sum3A_1018 = arith.constant dense<0.000000e+00> : vector<256xf32>
    %reduce_sum3A_1019 = vector.multi_reduction <add>, %integer_pow3A_1017, %reduce_sum3A_1018 [1] : vector<256x768xf32> to vector<256xf32>
    %broadcast_in_dim3A_1020 = vector.shape_cast %reduce_sum3A_1019 : vector<256xf32> to vector<256x1xf32>
    %div3A_1021 = arith.constant 7.680000e+02 : f32
    %div3A_1022 = vector.broadcast %div3A_1021 : f32 to vector<256x1xf32>
    %div3A_1023 = arith.divf %broadcast_in_dim3A_1020, %div3A_1022 : vector<256x1xf32>
    %sub3A_1024 = vector.broadcast %div3A_1014 : vector<256x1xf32> to vector<256x768xf32>
    %sub3A_1025 = arith.subf %get3A_1002, %sub3A_1024 : vector<256x768xf32>
    %add3A_1026 = arith.constant 9.99999974E-6 : f32
    %add3A_1027 = vector.broadcast %add3A_1026 : f32 to vector<256x1xf32>
    %add3A_1028 = arith.addf %div3A_1023, %add3A_1027 : vector<256x1xf32>
    %sqrt3A_1029 = math.sqrt %add3A_1028 : vector<256x1xf32>
    %div3A_1030 = vector.broadcast %sqrt3A_1029 : vector<256x1xf32> to vector<256x768xf32>
    %div3A_1031 = arith.divf %sub3A_1025, %div3A_1030 : vector<256x768xf32>
    %mul3A_1032 = vector.broadcast %get3A_1005 : vector<1x768xf32> to vector<256x768xf32>
    %mul3A_1033 = arith.mulf %div3A_1031, %mul3A_1032 : vector<256x768xf32>
    %add3A_1034 = vector.broadcast %get3A_1008 : vector<1x768xf32> to vector<256x768xf32>
    %add3A_1035 = arith.addf %mul3A_1033, %add3A_1034 : vector<256x768xf32>
    %get3A_1036 = arith.constant 0 : index
    %get3A_1037 = arith.constant 0 : index
    %get3A_1038 = vector.load %arg3[%get3A_1036, %get3A_1037] : memref<768x768xf32, #tpu.memory_space<vmem>>, vector<768x768xf32>
    %dot_general3A_1039 = arith.constant dense<0.000000e+00> : vector<256x768xf32>
    %dot_general3A_1040 = tpu.matmul %add3A_1035, %get3A_1038, %dot_general3A_1039 {dimension_numbers = #tpu.dot_dimension_numbers<[1], [1], [0], [0], [0, 0, 1, 0], [], []>, transpose_lhs_hint = false} : vector<256x768xf32>, vector<768x768xf32>, vector<256x768xf32> -> vector<256x768xf32>
    %get3A_1041 = arith.constant 0 : index
    %get3A_1042 = arith.constant 0 : index
    %get3A_1043 = vector.load %arg4[%get3A_1041, %get3A_1042] : memref<1x768xf32, #tpu.memory_space<vmem>>, vector<1x768xf32>
    %add3A_1044 = vector.broadcast %get3A_1043 : vector<1x768xf32> to vector<256x768xf32>
    %add3A_1045 = arith.addf %dot_general3A_1040, %add3A_1044 : vector<256x768xf32>
    %logistic3A_1046 = arith.negf %add3A_1045 : vector<256x768xf32>
    %logistic3A_1047 = math.exp %logistic3A_1046 : vector<256x768xf32>
    %logistic3A_1048 = arith.constant 1.000000e+00 : f32
    %logistic3A_1049 = vector.broadcast %logistic3A_1048 : f32 to vector<256x768xf32>
    %logistic3A_1050 = arith.addf %logistic3A_1049, %logistic3A_1047 : vector<256x768xf32>
    %logistic3A_1051 = arith.divf %logistic3A_1049, %logistic3A_1050 : vector<256x768xf32>
    %mul3A_1052 = arith.mulf %add3A_1045, %logistic3A_1051 : vector<256x768xf32>
    %get3A_1053 = arith.constant 0 : index
    %get3A_1054 = arith.constant 0 : index
    %get3A_1055 = vector.load %arg5[%get3A_1053, %get3A_1054] : memref<768x768xf32, #tpu.memory_space<vmem>>, vector<768x768xf32>
    %dot_general3A_1056 = arith.constant dense<0.000000e+00> : vector<256x768xf32>
    %dot_general3A_1057 = tpu.matmul %add3A_1035, %get3A_1055, %dot_general3A_1056 {dimension_numbers = #tpu.dot_dimension_numbers<[1], [1], [0], [0], [0, 0, 1, 0], [], []>, transpose_lhs_hint = false} : vector<256x768xf32>, vector<768x768xf32>, vector<256x768xf32> -> vector<256x768xf32>
    %get3A_1058 = arith.constant 0 : index
    %get3A_1059 = arith.constant 0 : index
    %get3A_1060 = vector.load %arg6[%get3A_1058, %get3A_1059] : memref<1x768xf32, #tpu.memory_space<vmem>>, vector<1x768xf32>
    %add3A_1061 = vector.broadcast %get3A_1060 : vector<1x768xf32> to vector<256x768xf32>
    %add3A_1062 = arith.addf %dot_general3A_1057, %add3A_1061 : vector<256x768xf32>
    %mul3A_1063 = arith.mulf %mul3A_1052, %add3A_1062 : vector<256x768xf32>
    %get3A_1064 = arith.constant 0 : index
    %get3A_1065 = arith.constant 0 : index
    %get3A_1066 = vector.load %arg7[%get3A_1064, %get3A_1065] : memref<768x768xf32, #tpu.memory_space<vmem>>, vector<768x768xf32>
    %dot_general3A_1067 = arith.constant dense<0.000000e+00> : vector<256x768xf32>
    %dot_general3A_1068 = tpu.matmul %add3A_1035, %get3A_1066, %dot_general3A_1067 {dimension_numbers = #tpu.dot_dimension_numbers<[1], [1], [0], [0], [0, 0, 1, 0], [], []>, transpose_lhs_hint = false} : vector<256x768xf32>, vector<768x768xf32>, vector<256x768xf32> -> vector<256x768xf32>
    %get3A_1069 = arith.constant 0 : index
    %get3A_1070 = arith.constant 0 : index
    %get3A_1071 = vector.load %arg8[%get3A_1069, %get3A_1070] : memref<1x768xf32, #tpu.memory_space<vmem>>, vector<1x768xf32>
    %add3A_1072 = vector.broadcast %get3A_1071 : vector<1x768xf32> to vector<256x768xf32>
    %add3A_1073 = arith.addf %dot_general3A_1068, %add3A_1072 : vector<256x768xf32>
    %logistic3A_1074 = arith.negf %add3A_1073 : vector<256x768xf32>
    %logistic3A_1075 = math.exp %logistic3A_1074 : vector<256x768xf32>
    %logistic3A_1076 = arith.constant 1.000000e+00 : f32
    %logistic3A_1077 = vector.broadcast %logistic3A_1076 : f32 to vector<256x768xf32>
    %logistic3A_1078 = arith.addf %logistic3A_1077, %logistic3A_1075 : vector<256x768xf32>
    %logistic3A_1079 = arith.divf %logistic3A_1077, %logistic3A_1078 : vector<256x768xf32>
    %mul3A_1080 = arith.mulf %add3A_1073, %logistic3A_1079 : vector<256x768xf32>
    %get3A_1081 = arith.constant 0 : index
    %get3A_1082 = arith.constant 0 : index
    %get3A_1083 = vector.load %arg9[%get3A_1081, %get3A_1082] : memref<768x768xf32, #tpu.memory_space<vmem>>, vector<768x768xf32>
    %dot_general3A_1084 = arith.constant dense<0.000000e+00> : vector<256x768xf32>
    %dot_general3A_1085 = tpu.matmul %add3A_1035, %get3A_1083, %dot_general3A_1084 {dimension_numbers = #tpu.dot_dimension_numbers<[1], [1], [0], [0], [0, 0, 1, 0], [], []>, transpose_lhs_hint = false} : vector<256x768xf32>, vector<768x768xf32>, vector<256x768xf32> -> vector<256x768xf32>
    %get3A_1086 = arith.constant 0 : index
    %get3A_1087 = arith.constant 0 : index
    %get3A_1088 = vector.load %arg10[%get3A_1086, %get3A_1087] : memref<1x768xf32, #tpu.memory_space<vmem>>, vector<1x768xf32>
    %add3A_1089 = vector.broadcast %get3A_1088 : vector<1x768xf32> to vector<256x768xf32>
    %add3A_1090 = arith.addf %dot_general3A_1085, %add3A_1089 : vector<256x768xf32>
    %mul3A_1091 = arith.mulf %mul3A_1080, %add3A_1090 : vector<256x768xf32>
    %get3A_1092 = arith.constant 0 : index
    %get3A_1093 = arith.constant 0 : index
    %get3A_1094 = vector.load %arg11[%get3A_1092, %get3A_1093] : memref<768x768xf32, #tpu.memory_space<vmem>>, vector<768x768xf32>
    %dot_general3A_1095 = arith.constant dense<0.000000e+00> : vector<256x768xf32>
    %dot_general3A_1096 = tpu.matmul %add3A_1035, %get3A_1094, %dot_general3A_1095 {dimension_numbers = #tpu.dot_dimension_numbers<[1], [1], [0], [0], [0, 0, 1, 0], [], []>, transpose_lhs_hint = false} : vector<256x768xf32>, vector<768x768xf32>, vector<256x768xf32> -> vector<256x768xf32>
    %get3A_1097 = arith.constant 0 : index
    %get3A_1098 = arith.constant 0 : index
    %get3A_1099 = vector.load %arg12[%get3A_1097, %get3A_1098] : memref<1x768xf32, #tpu.memory_space<vmem>>, vector<1x768xf32>
    %add3A_1100 = vector.broadcast %get3A_1099 : vector<1x768xf32> to vector<256x768xf32>
    %add3A_1101 = arith.addf %dot_general3A_1096, %add3A_1100 : vector<256x768xf32>
    %logistic3A_1102 = arith.negf %add3A_1101 : vector<256x768xf32>
    %logistic3A_1103 = math.exp %logistic3A_1102 : vector<256x768xf32>
    %logistic3A_1104 = arith.constant 1.000000e+00 : f32
    %logistic3A_1105 = vector.broadcast %logistic3A_1104 : f32 to vector<256x768xf32>
    %logistic3A_1106 = arith.addf %logistic3A_1105, %logistic3A_1103 : vector<256x768xf32>
    %logistic3A_1107 = arith.divf %logistic3A_1105, %logistic3A_1106 : vector<256x768xf32>
    %mul3A_1108 = arith.mulf %add3A_1101, %logistic3A_1107 : vector<256x768xf32>
    %get3A_1109 = arith.constant 0 : index
    %get3A_1110 = arith.constant 0 : index
    %get3A_1111 = vector.load %arg13[%get3A_1109, %get3A_1110] : memref<768x768xf32, #tpu.memory_space<vmem>>, vector<768x768xf32>
    %dot_general3A_1112 = arith.constant dense<0.000000e+00> : vector<256x768xf32>
    %dot_general3A_1113 = tpu.matmul %add3A_1035, %get3A_1111, %dot_general3A_1112 {dimension_numbers = #tpu.dot_dimension_numbers<[1], [1], [0], [0], [0, 0, 1, 0], [], []>, transpose_lhs_hint = false} : vector<256x768xf32>, vector<768x768xf32>, vector<256x768xf32> -> vector<256x768xf32>
    %get3A_1114 = arith.constant 0 : index
    %get3A_1115 = arith.constant 0 : index
    %get3A_1116 = vector.load %arg14[%get3A_1114, %get3A_1115] : memref<1x768xf32, #tpu.memory_space<vmem>>, vector<1x768xf32>
    %add3A_1117 = vector.broadcast %get3A_1116 : vector<1x768xf32> to vector<256x768xf32>
    %add3A_1118 = arith.addf %dot_general3A_1113, %add3A_1117 : vector<256x768xf32>
    %mul3A_1119 = arith.mulf %mul3A_1108, %add3A_1118 : vector<256x768xf32>
    %gt3A_1120 = arith.constant 0.000000e+00 : f32
    %gt3A_1121 = vector.broadcast %gt3A_1120 : f32 to vector<256x768xf32>
    %gt3A_1122 = arith.cmpf ogt, %mul3A_1063, %gt3A_1121 : vector<256x768xf32>
    %add3A_1123 = arith.constant 1.000000e+00 : f32
    %add3A_1124 = vector.broadcast %add3A_1123 : f32 to vector<256x768xf32>
    %add3A_1125 = arith.addf %mul3A_1063, %add3A_1124 : vector<256x768xf32>
    %exp3A_1126 = math.exp %mul3A_1063 : vector<256x768xf32>
    %select_n3A_1127 = arith.select %gt3A_1122, %add3A_1125, %exp3A_1126 : vector<256x768xi1>, vector<256x768xf32>
    %swap3A_1128 = arith.constant 1792 : index
    %swap3A_1129 = arith.constant 0 : index
    %swap3A_1130 = vector.load %arg16[%swap3A_1128, %swap3A_1129] : memref<2048x768xf32, #tpu.memory_space<vmem>>, vector<256x768xf32>
    tpu.vector_store %arg16[%swap3A_1128, %swap3A_1129], %select_n3A_1127 {strides = array<i32>} : memref<2048x768xf32, #tpu.memory_space<vmem>>, vector<256x768xf32>,
    %gt3A_1131 = arith.constant 0.000000e+00 : f32
    %gt3A_1132 = vector.broadcast %gt3A_1131 : f32 to vector<256x768xf32>
    %gt3A_1133 = arith.cmpf ogt, %mul3A_1091, %gt3A_1132 : vector<256x768xf32>
    %add3A_1134 = arith.constant 1.000000e+00 : f32
    %add3A_1135 = vector.broadcast %add3A_1134 : f32 to vector<256x768xf32>
    %add3A_1136 = arith.addf %mul3A_1091, %add3A_1135 : vector<256x768xf32>
    %exp3A_1137 = math.exp %mul3A_1091 : vector<256x768xf32>
    %select_n3A_1138 = arith.select %gt3A_1133, %add3A_1136, %exp3A_1137 : vector<256x768xi1>, vector<256x768xf32>
    %swap3A_1139 = arith.constant 1792 : index
    %swap3A_1140 = arith.constant 0 : index
    %swap3A_1141 = vector.load %arg17[%swap3A_1139, %swap3A_1140] : memref<2048x768xf32, #tpu.memory_space<vmem>>, vector<256x768xf32>
    tpu.vector_store %arg17[%swap3A_1139, %swap3A_1140], %select_n3A_1138 {strides = array<i32>} : memref<2048x768xf32, #tpu.memory_space<vmem>>, vector<256x768xf32>,
    %swap3A_1142 = arith.constant 1792 : index
    %swap3A_1143 = arith.constant 0 : index
    %swap3A_1144 = vector.load %arg18[%swap3A_1142, %swap3A_1143] : memref<2048x768xf32, #tpu.memory_space<vmem>>, vector<256x768xf32>
    tpu.vector_store %arg18[%swap3A_1142, %swap3A_1143], %mul3A_1119 {strides = array<i32>} : memref<2048x768xf32, #tpu.memory_space<vmem>>, vector<256x768xf32>,
    %get3A_1145 = arith.constant 0 : index
    %get3A_1146 = arith.constant 0 : index
    %get3A_1147 = vector.load %arg16[%get3A_1145, %get3A_1146] : memref<2048x768xf32, #tpu.memory_space<vmem>>, vector<2048x64xf32>
    %get3A_1148 = arith.constant 0 : index
    %get3A_1149 = arith.constant 0 : index
    %get3A_1150 = vector.load %arg17[%get3A_1148, %get3A_1149] : memref<2048x768xf32, #tpu.memory_space<vmem>>, vector<2048x64xf32>
    %get3A_1151 = arith.constant 0 : index
    %get3A_1152 = arith.constant 0 : index
    %get3A_1153 = vector.load %arg18[%get3A_1151, %get3A_1152] : memref<2048x768xf32, #tpu.memory_space<vmem>>, vector<2048x64xf32>
    %dot_general3A_1154 = arith.constant dense<0.000000e+00> : vector<64x64xf32>
    %dot_general3A_1155 = tpu.matmul %get3A_1150, %get3A_1153, %dot_general3A_1154 {dimension_numbers = #tpu.dot_dimension_numbers<[0], [0], [1], [1], [0, 1, 1, 1], [], []>, transpose_lhs_hint = false} : vector<2048x64xf32>, vector<2048x64xf32>, vector<64x64xf32> -> vector<64x64xf32>
    %reduce_sum3A_1156 = arith.constant dense<0.000000e+00> : vector<64xf32>
    %reduce_sum3A_1157 = vector.multi_reduction <add>, %get3A_1150, %reduce_sum3A_1156 [0] : vector<2048x64xf32> to vector<64xf32>
    %broadcast_in_dim3A_1158 = vector.shape_cast %reduce_sum3A_1157 : vector<64xf32> to vector<1x64xf32>
    %mul3A_1159 = vector.broadcast %broadcast_in_dim3A_1158 : vector<1x64xf32> to vector<2048x64xf32>
    %mul3A_1160 = arith.mulf %get3A_1147, %mul3A_1159 : vector<2048x64xf32>
    %reduce_sum3A_1161 = arith.constant dense<0.000000e+00> : vector<2048xf32>
    %reduce_sum3A_1162 = vector.multi_reduction <add>, %mul3A_1160, %reduce_sum3A_1161 [1] : vector<2048x64xf32> to vector<2048xf32>
    %broadcast_in_dim3A_1163 = vector.shape_cast %reduce_sum3A_1162 : vector<2048xf32> to vector<2048x1xf32>
    %dot_general3A_1164 = arith.constant dense<0.000000e+00> : vector<2048x64xf32>
    %dot_general3A_1165 = tpu.matmul %get3A_1147, %dot_general3A_1155, %dot_general3A_1164 {dimension_numbers = #tpu.dot_dimension_numbers<[1], [0], [0], [1], [0, 0, 1, 1], [], []>, transpose_lhs_hint = false} : vector<2048x64xf32>, vector<64x64xf32>, vector<2048x64xf32> -> vector<2048x64xf32>
    %add3A_1166 = arith.constant 9.99999997E-7 : f32
    %add3A_1167 = vector.broadcast %add3A_1166 : f32 to vector<2048x1xf32>
    %add3A_1168 = arith.addf %broadcast_in_dim3A_1163, %add3A_1167 : vector<2048x1xf32>
    %div3A_1169 = vector.broadcast %add3A_1168 : vector<2048x1xf32> to vector<2048x64xf32>
    %div3A_1170 = arith.divf %dot_general3A_1165, %div3A_1169 : vector<2048x64xf32>
    %swap3A_1171 = arith.constant 0 : index
    %swap3A_1172 = arith.constant 0 : index
    %swap3A_1173 = vector.load %arg15[%swap3A_1171, %swap3A_1172] : memref<2048x768xf32, #tpu.memory_space<vmem>>, vector<2048x64xf32>
    tpu.vector_store %arg15[%swap3A_1171, %swap3A_1172], %div3A_1170 {strides = array<i32>} : memref<2048x768xf32, #tpu.memory_space<vmem>>, vector<2048x64xf32>,
    %get3A_1174 = arith.constant 0 : index
    %get3A_1175 = arith.constant 64 : index
    %get3A_1176 = vector.load %arg16[%get3A_1174, %get3A_1175] : memref<2048x768xf32, #tpu.memory_space<vmem>>, vector<2048x64xf32>
    %get3A_1177 = arith.constant 0 : index
    %get3A_1178 = arith.constant 64 : index
    %get3A_1179 = vector.load %arg17[%get3A_1177, %get3A_1178] : memref<2048x768xf32, #tpu.memory_space<vmem>>, vector<2048x64xf32>
    %get3A_1180 = arith.constant 0 : index
    %get3A_1181 = arith.constant 64 : index
    %get3A_1182 = vector.load %arg18[%get3A_1180, %get3A_1181] : memref<2048x768xf32, #tpu.memory_space<vmem>>, vector<2048x64xf32>
    %dot_general3A_1183 = arith.constant dense<0.000000e+00> : vector<64x64xf32>
    %dot_general3A_1184 = tpu.matmul %get3A_1179, %get3A_1182, %dot_general3A_1183 {dimension_numbers = #tpu.dot_dimension_numbers<[0], [0], [1], [1], [0, 1, 1, 1], [], []>, transpose_lhs_hint = false} : vector<2048x64xf32>, vector<2048x64xf32>, vector<64x64xf32> -> vector<64x64xf32>
    %reduce_sum3A_1185 = arith.constant dense<0.000000e+00> : vector<64xf32>
    %reduce_sum3A_1186 = vector.multi_reduction <add>, %get3A_1179, %reduce_sum3A_1185 [0] : vector<2048x64xf32> to vector<64xf32>
    %broadcast_in_dim3A_1187 = vector.shape_cast %reduce_sum3A_1186 : vector<64xf32> to vector<1x64xf32>
    %mul3A_1188 = vector.broadcast %broadcast_in_dim3A_1187 : vector<1x64xf32> to vector<2048x64xf32>
    %mul3A_1189 = arith.mulf %get3A_1176, %mul3A_1188 : vector<2048x64xf32>
    %reduce_sum3A_1190 = arith.constant dense<0.000000e+00> : vector<2048xf32>
    %reduce_sum3A_1191 = vector.multi_reduction <add>, %mul3A_1189, %reduce_sum3A_1190 [1] : vector<2048x64xf32> to vector<2048xf32>
    %broadcast_in_dim3A_1192 = vector.shape_cast %reduce_sum3A_1191 : vector<2048xf32> to vector<2048x1xf32>
    %dot_general3A_1193 = arith.constant dense<0.000000e+00> : vector<2048x64xf32>
    %dot_general3A_1194 = tpu.matmul %get3A_1176, %dot_general3A_1184, %dot_general3A_1193 {dimension_numbers = #tpu.dot_dimension_numbers<[1], [0], [0], [1], [0, 0, 1, 1], [], []>, transpose_lhs_hint = false} : vector<2048x64xf32>, vector<64x64xf32>, vector<2048x64xf32> -> vector<2048x64xf32>
    %add3A_1195 = arith.constant 9.99999997E-7 : f32
    %add3A_1196 = vector.broadcast %add3A_1195 : f32 to vector<2048x1xf32>
    %add3A_1197 = arith.addf %broadcast_in_dim3A_1192, %add3A_1196 : vector<2048x1xf32>
    %div3A_1198 = vector.broadcast %add3A_1197 : vector<2048x1xf32> to vector<2048x64xf32>
    %div3A_1199 = arith.divf %dot_general3A_1194, %div3A_1198 : vector<2048x64xf32>
    %swap3A_1200 = arith.constant 0 : index
    %swap3A_1201 = arith.constant 64 : index
    %swap3A_1202 = vector.load %arg15[%swap3A_1200, %swap3A_1201] : memref<2048x768xf32, #tpu.memory_space<vmem>>, vector<2048x64xf32>
    tpu.vector_store %arg15[%swap3A_1200, %swap3A_1201], %div3A_1199 {strides = array<i32>} : memref<2048x768xf32, #tpu.memory_space<vmem>>, vector<2048x64xf32>,
    %get3A_1203 = arith.constant 0 : index
    %get3A_1204 = arith.constant 128 : index
    %get3A_1205 = vector.load %arg16[%get3A_1203, %get3A_1204] : memref<2048x768xf32, #tpu.memory_space<vmem>>, vector<2048x64xf32>
    %get3A_1206 = arith.constant 0 : index
    %get3A_1207 = arith.constant 128 : index
    %get3A_1208 = vector.load %arg17[%get3A_1206, %get3A_1207] : memref<2048x768xf32, #tpu.memory_space<vmem>>, vector<2048x64xf32>
    %get3A_1209 = arith.constant 0 : index
    %get3A_1210 = arith.constant 128 : index
    %get3A_1211 = vector.load %arg18[%get3A_1209, %get3A_1210] : memref<2048x768xf32, #tpu.memory_space<vmem>>, vector<2048x64xf32>
    %dot_general3A_1212 = arith.constant dense<0.000000e+00> : vector<64x64xf32>
    %dot_general3A_1213 = tpu.matmul %get3A_1208, %get3A_1211, %dot_general3A_1212 {dimension_numbers = #tpu.dot_dimension_numbers<[0], [0], [1], [1], [0, 1, 1, 1], [], []>, transpose_lhs_hint = false} : vector<2048x64xf32>, vector<2048x64xf32>, vector<64x64xf32> -> vector<64x64xf32>
    %reduce_sum3A_1214 = arith.constant dense<0.000000e+00> : vector<64xf32>
    %reduce_sum3A_1215 = vector.multi_reduction <add>, %get3A_1208, %reduce_sum3A_1214 [0] : vector<2048x64xf32> to vector<64xf32>
    %broadcast_in_dim3A_1216 = vector.shape_cast %reduce_sum3A_1215 : vector<64xf32> to vector<1x64xf32>
    %mul3A_1217 = vector.broadcast %broadcast_in_dim3A_1216 : vector<1x64xf32> to vector<2048x64xf32>
    %mul3A_1218 = arith.mulf %get3A_1205, %mul3A_1217 : vector<2048x64xf32>
    %reduce_sum3A_1219 = arith.constant dense<0.000000e+00> : vector<2048xf32>
    %reduce_sum3A_1220 = vector.multi_reduction <add>, %mul3A_1218, %reduce_sum3A_1219 [1] : vector<2048x64xf32> to vector<2048xf32>
    %broadcast_in_dim3A_1221 = vector.shape_cast %reduce_sum3A_1220 : vector<2048xf32> to vector<2048x1xf32>
    %dot_general3A_1222 = arith.constant dense<0.000000e+00> : vector<2048x64xf32>
    %dot_general3A_1223 = tpu.matmul %get3A_1205, %dot_general3A_1213, %dot_general3A_1222 {dimension_numbers = #tpu.dot_dimension_numbers<[1], [0], [0], [1], [0, 0, 1, 1], [], []>, transpose_lhs_hint = false} : vector<2048x64xf32>, vector<64x64xf32>, vector<2048x64xf32> -> vector<2048x64xf32>
    %add3A_1224 = arith.constant 9.99999997E-7 : f32
    %add3A_1225 = vector.broadcast %add3A_1224 : f32 to vector<2048x1xf32>
    %add3A_1226 = arith.addf %broadcast_in_dim3A_1221, %add3A_1225 : vector<2048x1xf32>
    %div3A_1227 = vector.broadcast %add3A_1226 : vector<2048x1xf32> to vector<2048x64xf32>
    %div3A_1228 = arith.divf %dot_general3A_1223, %div3A_1227 : vector<2048x64xf32>
    %swap3A_1229 = arith.constant 0 : index
    %swap3A_1230 = arith.constant 128 : index
    %swap3A_1231 = vector.load %arg15[%swap3A_1229, %swap3A_1230] : memref<2048x768xf32, #tpu.memory_space<vmem>>, vector<2048x64xf32>
    tpu.vector_store %arg15[%swap3A_1229, %swap3A_1230], %div3A_1228 {strides = array<i32>} : memref<2048x768xf32, #tpu.memory_space<vmem>>, vector<2048x64xf32>,
    %get3A_1232 = arith.constant 0 : index
    %get3A_1233 = arith.constant 192 : index
    %get3A_1234 = vector.load %arg16[%get3A_1232, %get3A_1233] : memref<2048x768xf32, #tpu.memory_space<vmem>>, vector<2048x64xf32>
    %get3A_1235 = arith.constant 0 : index
    %get3A_1236 = arith.constant 192 : index
    %get3A_1237 = vector.load %arg17[%get3A_1235, %get3A_1236] : memref<2048x768xf32, #tpu.memory_space<vmem>>, vector<2048x64xf32>
    %get3A_1238 = arith.constant 0 : index
    %get3A_1239 = arith.constant 192 : index
    %get3A_1240 = vector.load %arg18[%get3A_1238, %get3A_1239] : memref<2048x768xf32, #tpu.memory_space<vmem>>, vector<2048x64xf32>
    %dot_general3A_1241 = arith.constant dense<0.000000e+00> : vector<64x64xf32>
    %dot_general3A_1242 = tpu.matmul %get3A_1237, %get3A_1240, %dot_general3A_1241 {dimension_numbers = #tpu.dot_dimension_numbers<[0], [0], [1], [1], [0, 1, 1, 1], [], []>, transpose_lhs_hint = false} : vector<2048x64xf32>, vector<2048x64xf32>, vector<64x64xf32> -> vector<64x64xf32>
    %reduce_sum3A_1243 = arith.constant dense<0.000000e+00> : vector<64xf32>
    %reduce_sum3A_1244 = vector.multi_reduction <add>, %get3A_1237, %reduce_sum3A_1243 [0] : vector<2048x64xf32> to vector<64xf32>
    %broadcast_in_dim3A_1245 = vector.shape_cast %reduce_sum3A_1244 : vector<64xf32> to vector<1x64xf32>
    %mul3A_1246 = vector.broadcast %broadcast_in_dim3A_1245 : vector<1x64xf32> to vector<2048x64xf32>
    %mul3A_1247 = arith.mulf %get3A_1234, %mul3A_1246 : vector<2048x64xf32>
    %reduce_sum3A_1248 = arith.constant dense<0.000000e+00> : vector<2048xf32>
    %reduce_sum3A_1249 = vector.multi_reduction <add>, %mul3A_1247, %reduce_sum3A_1248 [1] : vector<2048x64xf32> to vector<2048xf32>
    %broadcast_in_dim3A_1250 = vector.shape_cast %reduce_sum3A_1249 : vector<2048xf32> to vector<2048x1xf32>
    %dot_general3A_1251 = arith.constant dense<0.000000e+00> : vector<2048x64xf32>
    %dot_general3A_1252 = tpu.matmul %get3A_1234, %dot_general3A_1242, %dot_general3A_1251 {dimension_numbers = #tpu.dot_dimension_numbers<[1], [0], [0], [1], [0, 0, 1, 1], [], []>, transpose_lhs_hint = false} : vector<2048x64xf32>, vector<64x64xf32>, vector<2048x64xf32> -> vector<2048x64xf32>
    %add3A_1253 = arith.constant 9.99999997E-7 : f32
    %add3A_1254 = vector.broadcast %add3A_1253 : f32 to vector<2048x1xf32>
    %add3A_1255 = arith.addf %broadcast_in_dim3A_1250, %add3A_1254 : vector<2048x1xf32>
    %div3A_1256 = vector.broadcast %add3A_1255 : vector<2048x1xf32> to vector<2048x64xf32>
    %div3A_1257 = arith.divf %dot_general3A_1252, %div3A_1256 : vector<2048x64xf32>
    %swap3A_1258 = arith.constant 0 : index
    %swap3A_1259 = arith.constant 192 : index
    %swap3A_1260 = vector.load %arg15[%swap3A_1258, %swap3A_1259] : memref<2048x768xf32, #tpu.memory_space<vmem>>, vector<2048x64xf32>
    tpu.vector_store %arg15[%swap3A_1258, %swap3A_1259], %div3A_1257 {strides = array<i32>} : memref<2048x768xf32, #tpu.memory_space<vmem>>, vector<2048x64xf32>,
    %get3A_1261 = arith.constant 0 : index
    %get3A_1262 = arith.constant 256 : index
    %get3A_1263 = vector.load %arg16[%get3A_1261, %get3A_1262] : memref<2048x768xf32, #tpu.memory_space<vmem>>, vector<2048x64xf32>
    %get3A_1264 = arith.constant 0 : index
    %get3A_1265 = arith.constant 256 : index
    %get3A_1266 = vector.load %arg17[%get3A_1264, %get3A_1265] : memref<2048x768xf32, #tpu.memory_space<vmem>>, vector<2048x64xf32>
    %get3A_1267 = arith.constant 0 : index
    %get3A_1268 = arith.constant 256 : index
    %get3A_1269 = vector.load %arg18[%get3A_1267, %get3A_1268] : memref<2048x768xf32, #tpu.memory_space<vmem>>, vector<2048x64xf32>
    %dot_general3A_1270 = arith.constant dense<0.000000e+00> : vector<64x64xf32>
    %dot_general3A_1271 = tpu.matmul %get3A_1266, %get3A_1269, %dot_general3A_1270 {dimension_numbers = #tpu.dot_dimension_numbers<[0], [0], [1], [1], [0, 1, 1, 1], [], []>, transpose_lhs_hint = false} : vector<2048x64xf32>, vector<2048x64xf32>, vector<64x64xf32> -> vector<64x64xf32>
    %reduce_sum3A_1272 = arith.constant dense<0.000000e+00> : vector<64xf32>
    %reduce_sum3A_1273 = vector.multi_reduction <add>, %get3A_1266, %reduce_sum3A_1272 [0] : vector<2048x64xf32> to vector<64xf32>
    %broadcast_in_dim3A_1274 = vector.shape_cast %reduce_sum3A_1273 : vector<64xf32> to vector<1x64xf32>
    %mul3A_1275 = vector.broadcast %broadcast_in_dim3A_1274 : vector<1x64xf32> to vector<2048x64xf32>
    %mul3A_1276 = arith.mulf %get3A_1263, %mul3A_1275 : vector<2048x64xf32>
    %reduce_sum3A_1277 = arith.constant dense<0.000000e+00> : vector<2048xf32>
    %reduce_sum3A_1278 = vector.multi_reduction <add>, %mul3A_1276, %reduce_sum3A_1277 [1] : vector<2048x64xf32> to vector<2048xf32>
    %broadcast_in_dim3A_1279 = vector.shape_cast %reduce_sum3A_1278 : vector<2048xf32> to vector<2048x1xf32>
    %dot_general3A_1280 = arith.constant dense<0.000000e+00> : vector<2048x64xf32>
    %dot_general3A_1281 = tpu.matmul %get3A_1263, %dot_general3A_1271, %dot_general3A_1280 {dimension_numbers = #tpu.dot_dimension_numbers<[1], [0], [0], [1], [0, 0, 1, 1], [], []>, transpose_lhs_hint = false} : vector<2048x64xf32>, vector<64x64xf32>, vector<2048x64xf32> -> vector<2048x64xf32>
    %add3A_1282 = arith.constant 9.99999997E-7 : f32
    %add3A_1283 = vector.broadcast %add3A_1282 : f32 to vector<2048x1xf32>
    %add3A_1284 = arith.addf %broadcast_in_dim3A_1279, %add3A_1283 : vector<2048x1xf32>
    %div3A_1285 = vector.broadcast %add3A_1284 : vector<2048x1xf32> to vector<2048x64xf32>
    %div3A_1286 = arith.divf %dot_general3A_1281, %div3A_1285 : vector<2048x64xf32>
    %swap3A_1287 = arith.constant 0 : index
    %swap3A_1288 = arith.constant 256 : index
    %swap3A_1289 = vector.load %arg15[%swap3A_1287, %swap3A_1288] : memref<2048x768xf32, #tpu.memory_space<vmem>>, vector<2048x64xf32>
    tpu.vector_store %arg15[%swap3A_1287, %swap3A_1288], %div3A_1286 {strides = array<i32>} : memref<2048x768xf32, #tpu.memory_space<vmem>>, vector<2048x64xf32>,
    %get3A_1290 = arith.constant 0 : index
    %get3A_1291 = arith.constant 320 : index
    %get3A_1292 = vector.load %arg16[%get3A_1290, %get3A_1291] : memref<2048x768xf32, #tpu.memory_space<vmem>>, vector<2048x64xf32>
    %get3A_1293 = arith.constant 0 : index
    %get3A_1294 = arith.constant 320 : index
    %get3A_1295 = vector.load %arg17[%get3A_1293, %get3A_1294] : memref<2048x768xf32, #tpu.memory_space<vmem>>, vector<2048x64xf32>
    %get3A_1296 = arith.constant 0 : index
    %get3A_1297 = arith.constant 320 : index
    %get3A_1298 = vector.load %arg18[%get3A_1296, %get3A_1297] : memref<2048x768xf32, #tpu.memory_space<vmem>>, vector<2048x64xf32>
    %dot_general3A_1299 = arith.constant dense<0.000000e+00> : vector<64x64xf32>
    %dot_general3A_1300 = tpu.matmul %get3A_1295, %get3A_1298, %dot_general3A_1299 {dimension_numbers = #tpu.dot_dimension_numbers<[0], [0], [1], [1], [0, 1, 1, 1], [], []>, transpose_lhs_hint = false} : vector<2048x64xf32>, vector<2048x64xf32>, vector<64x64xf32> -> vector<64x64xf32>
    %reduce_sum3A_1301 = arith.constant dense<0.000000e+00> : vector<64xf32>
    %reduce_sum3A_1302 = vector.multi_reduction <add>, %get3A_1295, %reduce_sum3A_1301 [0] : vector<2048x64xf32> to vector<64xf32>
    %broadcast_in_dim3A_1303 = vector.shape_cast %reduce_sum3A_1302 : vector<64xf32> to vector<1x64xf32>
    %mul3A_1304 = vector.broadcast %broadcast_in_dim3A_1303 : vector<1x64xf32> to vector<2048x64xf32>
    %mul3A_1305 = arith.mulf %get3A_1292, %mul3A_1304 : vector<2048x64xf32>
    %reduce_sum3A_1306 = arith.constant dense<0.000000e+00> : vector<2048xf32>
    %reduce_sum3A_1307 = vector.multi_reduction <add>, %mul3A_1305, %reduce_sum3A_1306 [1] : vector<2048x64xf32> to vector<2048xf32>
    %broadcast_in_dim3A_1308 = vector.shape_cast %reduce_sum3A_1307 : vector<2048xf32> to vector<2048x1xf32>
    %dot_general3A_1309 = arith.constant dense<0.000000e+00> : vector<2048x64xf32>
    %dot_general3A_1310 = tpu.matmul %get3A_1292, %dot_general3A_1300, %dot_general3A_1309 {dimension_numbers = #tpu.dot_dimension_numbers<[1], [0], [0], [1], [0, 0, 1, 1], [], []>, transpose_lhs_hint = false} : vector<2048x64xf32>, vector<64x64xf32>, vector<2048x64xf32> -> vector<2048x64xf32>
    %add3A_1311 = arith.constant 9.99999997E-7 : f32
    %add3A_1312 = vector.broadcast %add3A_1311 : f32 to vector<2048x1xf32>
    %add3A_1313 = arith.addf %broadcast_in_dim3A_1308, %add3A_1312 : vector<2048x1xf32>
    %div3A_1314 = vector.broadcast %add3A_1313 : vector<2048x1xf32> to vector<2048x64xf32>
    %div3A_1315 = arith.divf %dot_general3A_1310, %div3A_1314 : vector<2048x64xf32>
    %swap3A_1316 = arith.constant 0 : index
    %swap3A_1317 = arith.constant 320 : index
    %swap3A_1318 = vector.load %arg15[%swap3A_1316, %swap3A_1317] : memref<2048x768xf32, #tpu.memory_space<vmem>>, vector<2048x64xf32>
    tpu.vector_store %arg15[%swap3A_1316, %swap3A_1317], %div3A_1315 {strides = array<i32>} : memref<2048x768xf32, #tpu.memory_space<vmem>>, vector<2048x64xf32>,
    %get3A_1319 = arith.constant 0 : index
    %get3A_1320 = arith.constant 384 : index
    %get3A_1321 = vector.load %arg16[%get3A_1319, %get3A_1320] : memref<2048x768xf32, #tpu.memory_space<vmem>>, vector<2048x64xf32>
    %get3A_1322 = arith.constant 0 : index
    %get3A_1323 = arith.constant 384 : index
    %get3A_1324 = vector.load %arg17[%get3A_1322, %get3A_1323] : memref<2048x768xf32, #tpu.memory_space<vmem>>, vector<2048x64xf32>
    %get3A_1325 = arith.constant 0 : index
    %get3A_1326 = arith.constant 384 : index
    %get3A_1327 = vector.load %arg18[%get3A_1325, %get3A_1326] : memref<2048x768xf32, #tpu.memory_space<vmem>>, vector<2048x64xf32>
    %dot_general3A_1328 = arith.constant dense<0.000000e+00> : vector<64x64xf32>
    %dot_general3A_1329 = tpu.matmul %get3A_1324, %get3A_1327, %dot_general3A_1328 {dimension_numbers = #tpu.dot_dimension_numbers<[0], [0], [1], [1], [0, 1, 1, 1], [], []>, transpose_lhs_hint = false} : vector<2048x64xf32>, vector<2048x64xf32>, vector<64x64xf32> -> vector<64x64xf32>
    %reduce_sum3A_1330 = arith.constant dense<0.000000e+00> : vector<64xf32>
    %reduce_sum3A_1331 = vector.multi_reduction <add>, %get3A_1324, %reduce_sum3A_1330 [0] : vector<2048x64xf32> to vector<64xf32>
    %broadcast_in_dim3A_1332 = vector.shape_cast %reduce_sum3A_1331 : vector<64xf32> to vector<1x64xf32>
    %mul3A_1333 = vector.broadcast %broadcast_in_dim3A_1332 : vector<1x64xf32> to vector<2048x64xf32>
    %mul3A_1334 = arith.mulf %get3A_1321, %mul3A_1333 : vector<2048x64xf32>
    %reduce_sum3A_1335 = arith.constant dense<0.000000e+00> : vector<2048xf32>
    %reduce_sum3A_1336 = vector.multi_reduction <add>, %mul3A_1334, %reduce_sum3A_1335 [1] : vector<2048x64xf32> to vector<2048xf32>
    %broadcast_in_dim3A_1337 = vector.shape_cast %reduce_sum3A_1336 : vector<2048xf32> to vector<2048x1xf32>
    %dot_general3A_1338 = arith.constant dense<0.000000e+00> : vector<2048x64xf32>
    %dot_general3A_1339 = tpu.matmul %get3A_1321, %dot_general3A_1329, %dot_general3A_1338 {dimension_numbers = #tpu.dot_dimension_numbers<[1], [0], [0], [1], [0, 0, 1, 1], [], []>, transpose_lhs_hint = false} : vector<2048x64xf32>, vector<64x64xf32>, vector<2048x64xf32> -> vector<2048x64xf32>
    %add3A_1340 = arith.constant 9.99999997E-7 : f32
    %add3A_1341 = vector.broadcast %add3A_1340 : f32 to vector<2048x1xf32>
    %add3A_1342 = arith.addf %broadcast_in_dim3A_1337, %add3A_1341 : vector<2048x1xf32>
    %div3A_1343 = vector.broadcast %add3A_1342 : vector<2048x1xf32> to vector<2048x64xf32>
    %div3A_1344 = arith.divf %dot_general3A_1339, %div3A_1343 : vector<2048x64xf32>
    %swap3A_1345 = arith.constant 0 : index
    %swap3A_1346 = arith.constant 384 : index
    %swap3A_1347 = vector.load %arg15[%swap3A_1345, %swap3A_1346] : memref<2048x768xf32, #tpu.memory_space<vmem>>, vector<2048x64xf32>
    tpu.vector_store %arg15[%swap3A_1345, %swap3A_1346], %div3A_1344 {strides = array<i32>} : memref<2048x768xf32, #tpu.memory_space<vmem>>, vector<2048x64xf32>,
    %get3A_1348 = arith.constant 0 : index
    %get3A_1349 = arith.constant 448 : index
    %get3A_1350 = vector.load %arg16[%get3A_1348, %get3A_1349] : memref<2048x768xf32, #tpu.memory_space<vmem>>, vector<2048x64xf32>
    %get3A_1351 = arith.constant 0 : index
    %get3A_1352 = arith.constant 448 : index
    %get3A_1353 = vector.load %arg17[%get3A_1351, %get3A_1352] : memref<2048x768xf32, #tpu.memory_space<vmem>>, vector<2048x64xf32>
    %get3A_1354 = arith.constant 0 : index
    %get3A_1355 = arith.constant 448 : index
    %get3A_1356 = vector.load %arg18[%get3A_1354, %get3A_1355] : memref<2048x768xf32, #tpu.memory_space<vmem>>, vector<2048x64xf32>
    %dot_general3A_1357 = arith.constant dense<0.000000e+00> : vector<64x64xf32>
    %dot_general3A_1358 = tpu.matmul %get3A_1353, %get3A_1356, %dot_general3A_1357 {dimension_numbers = #tpu.dot_dimension_numbers<[0], [0], [1], [1], [0, 1, 1, 1], [], []>, transpose_lhs_hint = false} : vector<2048x64xf32>, vector<2048x64xf32>, vector<64x64xf32> -> vector<64x64xf32>
    %reduce_sum3A_1359 = arith.constant dense<0.000000e+00> : vector<64xf32>
    %reduce_sum3A_1360 = vector.multi_reduction <add>, %get3A_1353, %reduce_sum3A_1359 [0] : vector<2048x64xf32> to vector<64xf32>
    %broadcast_in_dim3A_1361 = vector.shape_cast %reduce_sum3A_1360 : vector<64xf32> to vector<1x64xf32>
    %mul3A_1362 = vector.broadcast %broadcast_in_dim3A_1361 : vector<1x64xf32> to vector<2048x64xf32>
    %mul3A_1363 = arith.mulf %get3A_1350, %mul3A_1362 : vector<2048x64xf32>
    %reduce_sum3A_1364 = arith.constant dense<0.000000e+00> : vector<2048xf32>
    %reduce_sum3A_1365 = vector.multi_reduction <add>, %mul3A_1363, %reduce_sum3A_1364 [1] : vector<2048x64xf32> to vector<2048xf32>
    %broadcast_in_dim3A_1366 = vector.shape_cast %reduce_sum3A_1365 : vector<2048xf32> to vector<2048x1xf32>
    %dot_general3A_1367 = arith.constant dense<0.000000e+00> : vector<2048x64xf32>
    %dot_general3A_1368 = tpu.matmul %get3A_1350, %dot_general3A_1358, %dot_general3A_1367 {dimension_numbers = #tpu.dot_dimension_numbers<[1], [0], [0], [1], [0, 0, 1, 1], [], []>, transpose_lhs_hint = false} : vector<2048x64xf32>, vector<64x64xf32>, vector<2048x64xf32> -> vector<2048x64xf32>
    %add3A_1369 = arith.constant 9.99999997E-7 : f32
    %add3A_1370 = vector.broadcast %add3A_1369 : f32 to vector<2048x1xf32>
    %add3A_1371 = arith.addf %broadcast_in_dim3A_1366, %add3A_1370 : vector<2048x1xf32>
    %div3A_1372 = vector.broadcast %add3A_1371 : vector<2048x1xf32> to vector<2048x64xf32>
    %div3A_1373 = arith.divf %dot_general3A_1368, %div3A_1372 : vector<2048x64xf32>
    %swap3A_1374 = arith.constant 0 : index
    %swap3A_1375 = arith.constant 448 : index
    %swap3A_1376 = vector.load %arg15[%swap3A_1374, %swap3A_1375] : memref<2048x768xf32, #tpu.memory_space<vmem>>, vector<2048x64xf32>
    tpu.vector_store %arg15[%swap3A_1374, %swap3A_1375], %div3A_1373 {strides = array<i32>} : memref<2048x768xf32, #tpu.memory_space<vmem>>, vector<2048x64xf32>,
    %get3A_1377 = arith.constant 0 : index
    %get3A_1378 = arith.constant 512 : index
    %get3A_1379 = vector.load %arg16[%get3A_1377, %get3A_1378] : memref<2048x768xf32, #tpu.memory_space<vmem>>, vector<2048x64xf32>
    %get3A_1380 = arith.constant 0 : index
    %get3A_1381 = arith.constant 512 : index
    %get3A_1382 = vector.load %arg17[%get3A_1380, %get3A_1381] : memref<2048x768xf32, #tpu.memory_space<vmem>>, vector<2048x64xf32>
    %get3A_1383 = arith.constant 0 : index
    %get3A_1384 = arith.constant 512 : index
    %get3A_1385 = vector.load %arg18[%get3A_1383, %get3A_1384] : memref<2048x768xf32, #tpu.memory_space<vmem>>, vector<2048x64xf32>
    %dot_general3A_1386 = arith.constant dense<0.000000e+00> : vector<64x64xf32>
    %dot_general3A_1387 = tpu.matmul %get3A_1382, %get3A_1385, %dot_general3A_1386 {dimension_numbers = #tpu.dot_dimension_numbers<[0], [0], [1], [1], [0, 1, 1, 1], [], []>, transpose_lhs_hint = false} : vector<2048x64xf32>, vector<2048x64xf32>, vector<64x64xf32> -> vector<64x64xf32>
    %reduce_sum3A_1388 = arith.constant dense<0.000000e+00> : vector<64xf32>
    %reduce_sum3A_1389 = vector.multi_reduction <add>, %get3A_1382, %reduce_sum3A_1388 [0] : vector<2048x64xf32> to vector<64xf32>
    %broadcast_in_dim3A_1390 = vector.shape_cast %reduce_sum3A_1389 : vector<64xf32> to vector<1x64xf32>
    %mul3A_1391 = vector.broadcast %broadcast_in_dim3A_1390 : vector<1x64xf32> to vector<2048x64xf32>
    %mul3A_1392 = arith.mulf %get3A_1379, %mul3A_1391 : vector<2048x64xf32>
    %reduce_sum3A_1393 = arith.constant dense<0.000000e+00> : vector<2048xf32>
    %reduce_sum3A_1394 = vector.multi_reduction <add>, %mul3A_1392, %reduce_sum3A_1393 [1] : vector<2048x64xf32> to vector<2048xf32>
    %broadcast_in_dim3A_1395 = vector.shape_cast %reduce_sum3A_1394 : vector<2048xf32> to vector<2048x1xf32>
    %dot_general3A_1396 = arith.constant dense<0.000000e+00> : vector<2048x64xf32>
    %dot_general3A_1397 = tpu.matmul %get3A_1379, %dot_general3A_1387, %dot_general3A_1396 {dimension_numbers = #tpu.dot_dimension_numbers<[1], [0], [0], [1], [0, 0, 1, 1], [], []>, transpose_lhs_hint = false} : vector<2048x64xf32>, vector<64x64xf32>, vector<2048x64xf32> -> vector<2048x64xf32>
    %add3A_1398 = arith.constant 9.99999997E-7 : f32
    %add3A_1399 = vector.broadcast %add3A_1398 : f32 to vector<2048x1xf32>
    %add3A_1400 = arith.addf %broadcast_in_dim3A_1395, %add3A_1399 : vector<2048x1xf32>
    %div3A_1401 = vector.broadcast %add3A_1400 : vector<2048x1xf32> to vector<2048x64xf32>
    %div3A_1402 = arith.divf %dot_general3A_1397, %div3A_1401 : vector<2048x64xf32>
    %swap3A_1403 = arith.constant 0 : index
    %swap3A_1404 = arith.constant 512 : index
    %swap3A_1405 = vector.load %arg15[%swap3A_1403, %swap3A_1404] : memref<2048x768xf32, #tpu.memory_space<vmem>>, vector<2048x64xf32>
    tpu.vector_store %arg15[%swap3A_1403, %swap3A_1404], %div3A_1402 {strides = array<i32>} : memref<2048x768xf32, #tpu.memory_space<vmem>>, vector<2048x64xf32>,
    %get3A_1406 = arith.constant 0 : index
    %get3A_1407 = arith.constant 576 : index
    %get3A_1408 = vector.load %arg16[%get3A_1406, %get3A_1407] : memref<2048x768xf32, #tpu.memory_space<vmem>>, vector<2048x64xf32>
    %get3A_1409 = arith.constant 0 : index
    %get3A_1410 = arith.constant 576 : index
    %get3A_1411 = vector.load %arg17[%get3A_1409, %get3A_1410] : memref<2048x768xf32, #tpu.memory_space<vmem>>, vector<2048x64xf32>
    %get3A_1412 = arith.constant 0 : index
    %get3A_1413 = arith.constant 576 : index
    %get3A_1414 = vector.load %arg18[%get3A_1412, %get3A_1413] : memref<2048x768xf32, #tpu.memory_space<vmem>>, vector<2048x64xf32>
    %dot_general3A_1415 = arith.constant dense<0.000000e+00> : vector<64x64xf32>
    %dot_general3A_1416 = tpu.matmul %get3A_1411, %get3A_1414, %dot_general3A_1415 {dimension_numbers = #tpu.dot_dimension_numbers<[0], [0], [1], [1], [0, 1, 1, 1], [], []>, transpose_lhs_hint = false} : vector<2048x64xf32>, vector<2048x64xf32>, vector<64x64xf32> -> vector<64x64xf32>
    %reduce_sum3A_1417 = arith.constant dense<0.000000e+00> : vector<64xf32>
    %reduce_sum3A_1418 = vector.multi_reduction <add>, %get3A_1411, %reduce_sum3A_1417 [0] : vector<2048x64xf32> to vector<64xf32>
    %broadcast_in_dim3A_1419 = vector.shape_cast %reduce_sum3A_1418 : vector<64xf32> to vector<1x64xf32>
    %mul3A_1420 = vector.broadcast %broadcast_in_dim3A_1419 : vector<1x64xf32> to vector<2048x64xf32>
    %mul3A_1421 = arith.mulf %get3A_1408, %mul3A_1420 : vector<2048x64xf32>
    %reduce_sum3A_1422 = arith.constant dense<0.000000e+00> : vector<2048xf32>
    %reduce_sum3A_1423 = vector.multi_reduction <add>, %mul3A_1421, %reduce_sum3A_1422 [1] : vector<2048x64xf32> to vector<2048xf32>
    %broadcast_in_dim3A_1424 = vector.shape_cast %reduce_sum3A_1423 : vector<2048xf32> to vector<2048x1xf32>
    %dot_general3A_1425 = arith.constant dense<0.000000e+00> : vector<2048x64xf32>
    %dot_general3A_1426 = tpu.matmul %get3A_1408, %dot_general3A_1416, %dot_general3A_1425 {dimension_numbers = #tpu.dot_dimension_numbers<[1], [0], [0], [1], [0, 0, 1, 1], [], []>, transpose_lhs_hint = false} : vector<2048x64xf32>, vector<64x64xf32>, vector<2048x64xf32> -> vector<2048x64xf32>
    %add3A_1427 = arith.constant 9.99999997E-7 : f32
    %add3A_1428 = vector.broadcast %add3A_1427 : f32 to vector<2048x1xf32>
    %add3A_1429 = arith.addf %broadcast_in_dim3A_1424, %add3A_1428 : vector<2048x1xf32>
    %div3A_1430 = vector.broadcast %add3A_1429 : vector<2048x1xf32> to vector<2048x64xf32>
    %div3A_1431 = arith.divf %dot_general3A_1426, %div3A_1430 : vector<2048x64xf32>
    %swap3A_1432 = arith.constant 0 : index
    %swap3A_1433 = arith.constant 576 : index
    %swap3A_1434 = vector.load %arg15[%swap3A_1432, %swap3A_1433] : memref<2048x768xf32, #tpu.memory_space<vmem>>, vector<2048x64xf32>
    tpu.vector_store %arg15[%swap3A_1432, %swap3A_1433], %div3A_1431 {strides = array<i32>} : memref<2048x768xf32, #tpu.memory_space<vmem>>, vector<2048x64xf32>,
    %get3A_1435 = arith.constant 0 : index
    %get3A_1436 = arith.constant 640 : index
    %get3A_1437 = vector.load %arg16[%get3A_1435, %get3A_1436] : memref<2048x768xf32, #tpu.memory_space<vmem>>, vector<2048x64xf32>
    %get3A_1438 = arith.constant 0 : index
    %get3A_1439 = arith.constant 640 : index
    %get3A_1440 = vector.load %arg17[%get3A_1438, %get3A_1439] : memref<2048x768xf32, #tpu.memory_space<vmem>>, vector<2048x64xf32>
    %get3A_1441 = arith.constant 0 : index
    %get3A_1442 = arith.constant 640 : index
    %get3A_1443 = vector.load %arg18[%get3A_1441, %get3A_1442] : memref<2048x768xf32, #tpu.memory_space<vmem>>, vector<2048x64xf32>
    %dot_general3A_1444 = arith.constant dense<0.000000e+00> : vector<64x64xf32>
    %dot_general3A_1445 = tpu.matmul %get3A_1440, %get3A_1443, %dot_general3A_1444 {dimension_numbers = #tpu.dot_dimension_numbers<[0], [0], [1], [1], [0, 1, 1, 1], [], []>, transpose_lhs_hint = false} : vector<2048x64xf32>, vector<2048x64xf32>, vector<64x64xf32> -> vector<64x64xf32>
    %reduce_sum3A_1446 = arith.constant dense<0.000000e+00> : vector<64xf32>
    %reduce_sum3A_1447 = vector.multi_reduction <add>, %get3A_1440, %reduce_sum3A_1446 [0] : vector<2048x64xf32> to vector<64xf32>
    %broadcast_in_dim3A_1448 = vector.shape_cast %reduce_sum3A_1447 : vector<64xf32> to vector<1x64xf32>
    %mul3A_1449 = vector.broadcast %broadcast_in_dim3A_1448 : vector<1x64xf32> to vector<2048x64xf32>
    %mul3A_1450 = arith.mulf %get3A_1437, %mul3A_1449 : vector<2048x64xf32>
    %reduce_sum3A_1451 = arith.constant dense<0.000000e+00> : vector<2048xf32>
    %reduce_sum3A_1452 = vector.multi_reduction <add>, %mul3A_1450, %reduce_sum3A_1451 [1] : vector<2048x64xf32> to vector<2048xf32>
    %broadcast_in_dim3A_1453 = vector.shape_cast %reduce_sum3A_1452 : vector<2048xf32> to vector<2048x1xf32>
    %dot_general3A_1454 = arith.constant dense<0.000000e+00> : vector<2048x64xf32>
    %dot_general3A_1455 = tpu.matmul %get3A_1437, %dot_general3A_1445, %dot_general3A_1454 {dimension_numbers = #tpu.dot_dimension_numbers<[1], [0], [0], [1], [0, 0, 1, 1], [], []>, transpose_lhs_hint = false} : vector<2048x64xf32>, vector<64x64xf32>, vector<2048x64xf32> -> vector<2048x64xf32>
    %add3A_1456 = arith.constant 9.99999997E-7 : f32
    %add3A_1457 = vector.broadcast %add3A_1456 : f32 to vector<2048x1xf32>
    %add3A_1458 = arith.addf %broadcast_in_dim3A_1453, %add3A_1457 : vector<2048x1xf32>
    %div3A_1459 = vector.broadcast %add3A_1458 : vector<2048x1xf32> to vector<2048x64xf32>
    %div3A_1460 = arith.divf %dot_general3A_1455, %div3A_1459 : vector<2048x64xf32>
    %swap3A_1461 = arith.constant 0 : index
    %swap3A_1462 = arith.constant 640 : index
    %swap3A_1463 = vector.load %arg15[%swap3A_1461, %swap3A_1462] : memref<2048x768xf32, #tpu.memory_space<vmem>>, vector<2048x64xf32>
    tpu.vector_store %arg15[%swap3A_1461, %swap3A_1462], %div3A_1460 {strides = array<i32>} : memref<2048x768xf32, #tpu.memory_space<vmem>>, vector<2048x64xf32>,
    %get3A_1464 = arith.constant 0 : index
    %get3A_1465 = arith.constant 704 : index
    %get3A_1466 = vector.load %arg16[%get3A_1464, %get3A_1465] : memref<2048x768xf32, #tpu.memory_space<vmem>>, vector<2048x64xf32>
    %get3A_1467 = arith.constant 0 : index
    %get3A_1468 = arith.constant 704 : index
    %get3A_1469 = vector.load %arg17[%get3A_1467, %get3A_1468] : memref<2048x768xf32, #tpu.memory_space<vmem>>, vector<2048x64xf32>
    %get3A_1470 = arith.constant 0 : index
    %get3A_1471 = arith.constant 704 : index
    %get3A_1472 = vector.load %arg18[%get3A_1470, %get3A_1471] : memref<2048x768xf32, #tpu.memory_space<vmem>>, vector<2048x64xf32>
    %dot_general3A_1473 = arith.constant dense<0.000000e+00> : vector<64x64xf32>
    %dot_general3A_1474 = tpu.matmul %get3A_1469, %get3A_1472, %dot_general3A_1473 {dimension_numbers = #tpu.dot_dimension_numbers<[0], [0], [1], [1], [0, 1, 1, 1], [], []>, transpose_lhs_hint = false} : vector<2048x64xf32>, vector<2048x64xf32>, vector<64x64xf32> -> vector<64x64xf32>
    %reduce_sum3A_1475 = arith.constant dense<0.000000e+00> : vector<64xf32>
    %reduce_sum3A_1476 = vector.multi_reduction <add>, %get3A_1469, %reduce_sum3A_1475 [0] : vector<2048x64xf32> to vector<64xf32>
    %broadcast_in_dim3A_1477 = vector.shape_cast %reduce_sum3A_1476 : vector<64xf32> to vector<1x64xf32>
    %mul3A_1478 = vector.broadcast %broadcast_in_dim3A_1477 : vector<1x64xf32> to vector<2048x64xf32>
    %mul3A_1479 = arith.mulf %get3A_1466, %mul3A_1478 : vector<2048x64xf32>
    %reduce_sum3A_1480 = arith.constant dense<0.000000e+00> : vector<2048xf32>
    %reduce_sum3A_1481 = vector.multi_reduction <add>, %mul3A_1479, %reduce_sum3A_1480 [1] : vector<2048x64xf32> to vector<2048xf32>
    %broadcast_in_dim3A_1482 = vector.shape_cast %reduce_sum3A_1481 : vector<2048xf32> to vector<2048x1xf32>
    %dot_general3A_1483 = arith.constant dense<0.000000e+00> : vector<2048x64xf32>
    %dot_general3A_1484 = tpu.matmul %get3A_1466, %dot_general3A_1474, %dot_general3A_1483 {dimension_numbers = #tpu.dot_dimension_numbers<[1], [0], [0], [1], [0, 0, 1, 1], [], []>, transpose_lhs_hint = false} : vector<2048x64xf32>, vector<64x64xf32>, vector<2048x64xf32> -> vector<2048x64xf32>
    %add3A_1485 = arith.constant 9.99999997E-7 : f32
    %add3A_1486 = vector.broadcast %add3A_1485 : f32 to vector<2048x1xf32>
    %add3A_1487 = arith.addf %broadcast_in_dim3A_1482, %add3A_1486 : vector<2048x1xf32>
    %div3A_1488 = vector.broadcast %add3A_1487 : vector<2048x1xf32> to vector<2048x64xf32>
    %div3A_1489 = arith.divf %dot_general3A_1484, %div3A_1488 : vector<2048x64xf32>
    %swap3A_1490 = arith.constant 0 : index
    %swap3A_1491 = arith.constant 704 : index
    %swap3A_1492 = vector.load %arg15[%swap3A_1490, %swap3A_1491] : memref<2048x768xf32, #tpu.memory_space<vmem>>, vector<2048x64xf32>
    tpu.vector_store %arg15[%swap3A_1490, %swap3A_1491], %div3A_1489 {strides = array<i32>} : memref<2048x768xf32, #tpu.memory_space<vmem>>, vector<2048x64xf32>,
    return
  }
}

module attributes {stable_mosaic.version = 14 : i64} {
  func.func @_combine_body(%arg0: i32, %arg1: memref<256x768xf32, #tpu.memory_space<vmem>>, %arg2: memref<256x768xf32, #tpu.memory_space<vmem>>, %arg3: memref<256x1xf32, #tpu.memory_space<vmem>>, %arg4: memref<256x768xf32, #tpu.memory_space<vmem>>) attributes {dimension_semantics = [#tpu.dimension_semantics<arbitrary>], iteration_bounds = array<i64: 8>, scalar_prefetch = 0 : i64, scratch_operands = 0 : i64, tpu.core_type = #tpu.core_type<tc>, window_params = [{transform_indices = @transform_0, window_bounds = array<i64: 256, 768>}, {transform_indices = @transform_1, window_bounds = array<i64: 256, 768>}, {transform_indices = @transform_2, window_bounds = array<i64: 256, 1>}, {transform_indices = @transform_3, window_bounds = array<i64: 256, 768>}]} {
    %get3A = arith.constant 0 : index
    %get3A_0 = arith.constant 0 : index
    %get3A_1 = vector.load %arg1[%get3A, %get3A_0] : memref<256x768xf32, #tpu.memory_space<vmem>>, vector<256x768xf32>
    %get3A_2 = arith.constant 0 : index
    %get3A_3 = arith.constant 0 : index
    %get3A_4 = vector.load %arg2[%get3A_2, %get3A_3] : memref<256x768xf32, #tpu.memory_space<vmem>>, vector<256x768xf32>
    %get3A_5 = arith.constant 0 : index
    %get3A_6 = arith.constant 0 : index
    %get3A_7 = vector.load %arg3[%get3A_5, %get3A_6] : memref<256x1xf32, #tpu.memory_space<vmem>>, vector<256x1xf32>
    %mul3A = vector.broadcast %get3A_7 : vector<256x1xf32> to vector<256x768xf32>
    %mul3A_8 = arith.mulf %get3A_4, %mul3A : vector<256x768xf32>
    %add3A = arith.addf %get3A_1, %mul3A_8 : vector<256x768xf32>
    %swap3A = arith.constant 0 : index
    %swap3A_9 = arith.constant 0 : index
    %swap3A_10 = vector.load %arg4[%swap3A, %swap3A_9] : memref<256x768xf32, #tpu.memory_space<vmem>>, vector<256x768xf32>
    tpu.vector_store %arg4[%swap3A, %swap3A_9], %add3A {strides = array<i32>} : memref<256x768xf32, #tpu.memory_space<vmem>>, vector<256x768xf32>,
    return
  }
  func.func @transform_0(%arg0: i32) -> (i32, i32) {
    %c0_i32 = arith.constant 0 : i32
    %c0_i32_0 = arith.constant 0 : i32
    return %arg0, %c0_i32 : i32, i32
  }
  func.func @transform_1(%arg0: i32) -> (i32, i32) {
    %c0_i32 = arith.constant 0 : i32
    %c0_i32_0 = arith.constant 0 : i32
    return %arg0, %c0_i32 : i32, i32
  }
  func.func @transform_2(%arg0: i32) -> (i32, i32) {
    %c0_i32 = arith.constant 0 : i32
    %c0_i32_0 = arith.constant 0 : i32
    return %arg0, %c0_i32 : i32, i32
  }
  func.func @transform_3(%arg0: i32) -> (i32, i32) {
    %c0_i32 = arith.constant 0 : i32
    %c0_i32_0 = arith.constant 0 : i32
    return %arg0, %c0_i32 : i32, i32
  }
}

</mosaic_0001>

<sc_bundles>
// kernel: kernel.11.cloned.1.call-start
scs
__scs_entry_jumppad:
0x0: {  	(pc) =	sbr.rel $0x88, $3  }
0x1: {  	(tag) =	ssettag $0x0;
	lr =	simm.s32 $0x1  }
0x2: {  	[smem:$0x3F86] =	sst lr;
	_ =	strace $0xD0000000  }
0x3: {  	_ = 	snop  }
0x4: {  	_ = 	snop  }
0x5: {  	_ = 	snop  }
0x6: {  	_ = 	snop  }
0x7: {  	_ = 	snop  }
__scs_overlays_trampoline_lowered:
0x8: {  	[smem:$0x3F95] =	sst s0  }
0x9: {  	[smem:$0x3F96] =	sst s1  }
0xa: {  	[smem:$0x3F97] =	sst s2  }
0xb: {  	[smem:$0x3F98] =	sst s3  }
0xc: {  	[smem:$0x3F99] =	sst s4  }
0xd: {  	[smem:$0x3F9A] =	sst s5  }
0xe: {  	[smem:$0x3F9B] =	sst s6  }
0xf: {  	[smem:$0x3F9C] =	sst s7  }
0x10: {  	[smem:$0x3F9D] =	sst s8  }
0x11: {  	[smem:$0x3F9E] =	sst s9;
	s0 =	simm.s32 @!p0 $0x0  }
0x12: {  	s1 =	sld [smem:$0x3F84];
	s0 =	simm.s32 @p0 $0x1  }
0x13: {  	[smem:$0x3F9F] =	sst s0;
	s0 =	simm.s32 @!p1 $0x0  }
0x14: {  	s2 =	sld [smem:$0x3F83];
	s0 =	simm.s32 @p1 $0x1  }
0x15: {  	[smem:$0x3FA0] =	sst s0;
	s0 =	simm.s32 @!p2 $0x0  }
0x16: {  	s3 =	sld [smem:$0x3FDB];
	s0 =	simm.s32 @p2 $0x1  }
0x17: {  	s4 =	simm.s32 $0x1BF5;
	[smem:$0x3FA2] =	sst s0  }
0x18: {  	s0 =	sld [smem:$0x3F85];
	_ =	swait.ge [sflag:s4], $0x0  }
0x19: {  	s7 =	sld [smem:$0x3F86]  }
0x1a: {  	s8 =	sadd.s32 $0xFFFFE003, lr  }
0x1b: {  	s9 =	sadd.s32 $0xFFFFFEF7, lr;
	s5 =	simm.s32 $0xFFFFFFFF;
	p2 =	slt.u32 s8, $0xFFFFF086  }
0x1c: {  	p1 =	slt.u32 s9, $0xF7A;
	s5 =	simm.s32 @!p2 $0x0  }
0x1d: {  	s5 =	simm.s32 @p1 $0x1;
	p0 =	seq.s32 s7, s2  }
0x1e: {  	s7 =	smul.u32 @!p0 $0xF7A, s2;
	p2 =	seq.s32 @!p0 s5, $0x0  }
0x1f: {  	s9 =	smul.u32 $0xF7A, s1;
	s8 =	simm.s32 @!p0 $0x1BF5;
	p2 =	por !p2, p0  }
0x20: {  	[sflag:s8] =	ssyncset.s32 @!p0 $0xFFFFF086;
	s6 =	sadd.s32 @!p0 s3, s7;
	s7 =	simm.s32 @!p0 $0x108  }
0x21: {  	s3 =	sadd.s32 s3, s9;
	s6 =	sadd.s32 @!p0 $0x88, s6;
	s7 =	simm.s32 @p2 $0x1082  }
0x22: {  	[simem:s7], [sflag:s8] =	dma.local @!p0 [hbm:s6], $0xF7A  }
0x23: {  	s9 =	sor.u32 $0xD0000000, s2;
	s6 =	simm.s32 $0x108;
	_ =	swait.ge @!p0 [sflag:s8], $0x0  }
0x24: {  	s3 =	sadd.s32 $0x88, s3;
	s6 =	simm.s32 @!p1 $0x1082;
	[sflag:s4] =	ssyncset.s32 $0xFFFFF086  }
0x25: {  	[simem:s6], [sflag:s4] =	dma.local [hbm:s3], $0xF7A  }
0x26: {  	[smem:$0x3F86] =	sst s1;
	(tag) =	ssettag s2;
	_ =	strace s9  }
0x27: {  	s1 =	sld [smem:$0x3F96]  }
0x28: {  	s2 =	sld [smem:$0x3F97]  }
0x29: {  	s4 =	sld [smem:$0x3F99]  }
0x2a: {  	p0 =	seq.s32 s5, $0x0;
	s5 =	sld [smem:$0x3F9A]  }
0x2b: {  	s6 =	sld [smem:$0x3F9B]  }
0x2c: {  	s7 =	sld [smem:$0x3F9C]  }
0x2d: {  	s3 =	simm.s32 $0x108;
	s8 =	sld [smem:$0x3F9D]  }
0x2e: {  	s3 =	simm.s32 @!p0 $0x1082;
	s9 =	sld [smem:$0x3F9E]  }
0x2f: {  	lr =	sadd.s32 s0, s3;
	s0 =	sld [smem:$0x3F95]  }
0x30: {  	s3 =	sld [smem:$0x3F98]  }
0x31: {  	[smem:$0x3FA1] =	sst s10  }
0x32: {  	s10 =	sld [smem:$0x3F9F];
	_ =	sdelay $0x3  }
0x33: {  	p0 =	seq.s32 s10, $0x1;
	s10 =	sld [smem:$0x3FA1];
	_ =	sdelay $0x3  }
0x34: {  	[smem:$0x3FA1] =	sst s10  }
0x35: {  	s10 =	sld [smem:$0x3FA0];
	_ =	sdelay $0x3  }
0x36: {  	p1 =	seq.s32 s10, $0x1;
	s10 =	sld [smem:$0x3FA1];
	_ =	sdelay $0x3  }
0x37: {  	[smem:$0x3FA1] =	sst s10  }
0x38: {  	s10 =	sld [smem:$0x3FA2]  }
0x39: {  	_ = 	snop;
	(pc) =	sbr.ind lr, $3  }
0x3a: {  	_ = 	snop  }
0x3b: {  	_ = 	snop  }
0x3c: {  	p2 =	seq.s32 s10, $0x1;
	s10 =	sld [smem:$0x3FA1]  }
0x3d: {  	_ =	shalt  }
0x3e: {  	_ =	shalt  }
0x3f: {  	_ =	shalt  }
0x40: {  	_ =	shalt  }
0x41: {  	_ =	shalt  }
0x42: {  	_ =	shalt  }
0x43: {  	_ =	shalt  }
0x44: {  	_ =	shalt  }
0x45: {  	_ =	shalt  }
0x46: {  	_ =	shalt  }
0x47: {  	_ =	shalt  }
0x48: {  	_ =	shalt  }
0x49: {  	_ =	shalt  }
0x4a: {  	_ =	shalt  }
0x4b: {  	_ =	shalt  }
0x4c: {  	_ =	shalt  }
0x4d: {  	_ =	shalt  }
0x4e: {  	_ =	shalt  }
0x4f: {  	_ =	shalt  }
0x50: {  	_ =	shalt  }
0x51: {  	_ =	shalt  }
0x52: {  	_ =	shalt  }
0x53: {  	_ =	shalt  }
0x54: {  	_ =	shalt  }
0x55: {  	_ =	shalt  }
0x56: {  	_ =	shalt  }
0x57: {  	_ =	shalt  }
0x58: {  	_ =	shalt  }
0x59: {  	_ =	shalt  }
0x5a: {  	_ =	shalt  }
0x5b: {  	_ =	shalt  }
0x5c: {  	_ =	shalt  }
0x5d: {  	_ =	shalt  }
0x5e: {  	_ =	shalt  }
0x5f: {  	_ =	shalt  }
0x60: {  	_ =	shalt  }
0x61: {  	_ =	shalt  }
0x62: {  	_ =	shalt  }
0x63: {  	_ =	shalt  }
0x64: {  	_ =	shalt  }
0x65: {  	_ =	shalt  }
0x66: {  	_ =	shalt  }
0x67: {  	_ =	shalt  }
0x68: {  	_ =	shalt  }
0x69: {  	_ =	shalt  }
0x6a: {  	_ =	shalt  }
0x6b: {  	_ =	shalt  }
0x6c: {  	_ =	shalt  }
0x6d: {  	_ =	shalt  }
0x6e: {  	_ =	shalt  }
0x6f: {  	_ =	shalt  }
0x70: {  	_ =	shalt  }
0x71: {  	_ =	shalt  }
0x72: {  	_ =	shalt  }
0x73: {  	_ =	shalt  }
0x74: {  	_ =	shalt  }
0x75: {  	_ =	shalt  }
0x76: {  	_ =	shalt  }
0x77: {  	_ =	shalt  }
0x78: {  	_ =	shalt  }
0x79: {  	_ =	shalt  }
0x7a: {  	_ =	shalt  }
0x7b: {  	_ =	shalt  }
0x7c: {  	_ =	shalt  }
0x7d: {  	_ =	shalt  }
0x7e: {  	_ =	shalt  }
0x7f: {  	_ =	shalt  }
0x80: {  	_ =	shalt  }
0x81: {  	_ =	shalt  }
0x82: {  	_ =	shalt  }
0x83: {  	_ =	shalt  }
0x84: {  	_ =	shalt  }
0x85: {  	_ =	shalt  }
0x86: {  	_ =	shalt  }
0x87: {  	_ =	shalt  }
.Lfunc_end0:
.L_simem_size_0:
called_computation.1_lowered:
.L_overlay_start_0:
0x88: {  	s2 =	sld [smem:$0x3FD9]  }
0x89: {  	s3 =	sld [smem:$0x3FFE];
	_ =	sdelay $0x1  }
0x8a: {  	s1 =	srdreg.scid  }
0x8b: {  	s0 =	sand.u32 $0x1, s1  }
0x8c: {  	s17 =	sshll.u32 s0, $0xA;
	s2 =	sadd.s32 s3, s2  }
0x8d: {  	s2 =	sadd.s32 s2, s17  }
0x8e: {  	[smem:$0x3FAD] =	sst s2  }
0x8f: {  	_ = 	snop  }
0x90: {  	s2 =	sld [smem:$0x3FD0];
	(tm) =	ssettm $0x1  }
0x91: {  	s18 =	sld [smem:$0x3FFB];
	_ =	sdelay $0x3  }
0x92: {  	_ =	strace s18  }
0x93: {  	s3 =	sld [smem:$0x3FFC];
	_ =	sdelay $0x3  }
0x94: {  	_ =	strace s3  }
0x95: {  	s3 =	sld [smem:$0x3FFD];
	_ =	sdelay $0x3  }
0x96: {  	_ =	strace s3  }
0x97: {  	_ =	strace $0x8FFFFFFF  }
0x98: {  	s19 =	sld [smem:$0x3FDB];
	_ =	sdelay $0x1  }
0x99: {  	s4 =	simm.s32 $_scs_section_size  }
0x9a: {  	s5 =	simm.s32 $_size__tile_overlayer_lowered;
	s6 =	simm.s32 $_tile_overlayer_lowered  }
0x9b: {  	s22 =	simm.s32 $0x1BFF;
	s21 =	sshll.u32 s6, $0x1;
	s3 =	sadd.s32 s4, s19  }
0x9c: {  	s7 =	simm.s32 $0x0;
	s20 =	sshll.u32 s5, $0x1;
	s5 =	sadd.s32 s21, s3  }
0x9d: {  	[timem:s7], [sflag:s22] =	dma.local [hbm:s5], s20  }
0x9e: {  	_ =	swait.ge [sflag:s22], s20  }
0x9f: {  	s4 =	ssub.s32 $0x0, s20;
	[sflag:s22] =	ssyncset.done $0x0  }
0xa0: {  	[sflag:s22] =	ssyncadd.s32 s4;
	_ =	sdelay $0x1  }
0xa1: {  	s23 =	simm.s32 $0x1B8B  }
0xa2: {  	_ =	swait.ge [sflag:s23], $0x1  }
0xa3: {  	[sflag:s23] =	ssyncset.done $0x0  }
0xa4: {  	s25 =	simm.s32 $0x1B8E;
	s24 =	sld [smem:$0x3FFE];
	[sflag:s23] =	ssyncadd.s32 $0xFFFFFFFF  }
0xa5: {  	s26 =	simm.s32 $execute0_lowered;
	[smem:$0x3FD2] =	sst s25  }
0xa6: {  	s5 =	sshll.u32 s26, $0x1;
	_ =	strace $0x80000049;
	[dreg:$0x1] =	wrdreg $0xFFFFFFFF  }
0xa7: {  	s28 =	simm.s32 $_size_execute0_lowered;
	s3 =	sadd.s32 s3, s5;
	[dreg:$0x0] =	wrdreg $0x0  }
0xa8: {  	s5 =	sshll.u32 s28, $0x1;
	[dreg:$0x2] =	wrdreg s3  }
0xa9: {  	[dreg:$0x3] =	wrdreg s5  }
0xaa: {  	[dreg:$0x4] =	wrdreg $0xC0  }
0xab: {  	_ =	task [dreg:s7], $0x5FFFF  }
0xac: {  	[dreg:$0x1] =	wrdreg $0xFFFFFFFF  }
0xad: {  	[dreg:$0x0] =	wrdreg $0x60  }
0xae: {  	[dreg:$0x2] =	wrdreg s24  }
0xaf: {  	[dreg:$0x3] =	wrdreg s2  }
0xb0: {  	[dreg:$0x4] =	wrdreg $0x9  }
0xb1: {  	_ =	task.clear_ibuf [dreg:s7], $0x5FFFF;
	_ =	strace $0x90000049  }
0xb2: {  	s29 =	simm.s32 $0x9;
	_ =	strace $0x8000004B  }
0xb3: {  	_ =	swait.ge [sflag:s29], $0x1  }
0xb4: {  	[sflag:s29] =	ssyncadd.s32 $0xFFFFFFFF  }
0xb5: {  	_ =	strace $0x9000004B  }
0xb6: {  	_ =	sfence  }
0xb7: {  	s30 =	sld [smem:$0x0];
	_ =	sdelay $0x2  }
0xb8: {  	s31 =	sshll.u32 s1, $0xD;
	s1 =	sshrl.u32 s1, $0x2  }
0xb9: {  	s3 =	sand.u32 $0x4000, s31;
	s1 =	sadd.s32 s1, s30  }
0xba: {  	s0 =	sor.u32 s3, s0;
	s1 =	sshll.u32 s1, $0x11  }
0xbb: {  	s0 =	sor.u32 s1, s0  }
0xbc: {  	s0 =	sadd.s32 $0x8F2B, s0  }
0xbd: {  	[sflag:s0] =	ssyncadd.remote.s32 $0x1  }
0xbe: {  	_ =	sfence.sel $0xFFFF  }
0xbf: {  	[dreg:$0x0] =	wrdreg $0xFFFFFFFF;
	(pc) =	sbr.abs _section_cstart, $3  }
0xc0: {  	[dreg:$0x1] =	wrdreg $0xFFFFFFFF  }
0xc1: {  	_ =	task.clear_ibuf [dreg:s7], $0x2FFFF;
	_ =	strace $0x9FFFFFFF  }
0xc2: {  	(tm) =	ssettm $0x7FFFFFFF  }
0xc3: {  	_ =	shalt  }
tec
execute0_lowered:
.L_overlay_start_1:
0x0: {  	(tag) =	ssettag $0x1  }
0x1: {  	s0 =	rddreg [dreg:$0x0]  }
0x2: {  	s5 =	rddreg [dreg:$0x1];
	s3 =	srdreg.scid  }
0x3: {  	s2 =	simm.s32 $0x0;
	s1 =	stileid.u32;
	s26 =	simm.s32 $0x880  }
0x4: {  	s10 =	simm.s32 $0x1880;
	s11 =	simm.s32 $0x2080;
	s12 =	simm.s32 $0x2880  }
0x5: {  	s13 =	simm.s32 $0x3080;
	s14 =	simm.s32 $0x3880;
	s15 =	simm.s32 $0x4080  }
0x6: {  	s16 =	simm.s32 $0x4880;
	s17 =	simm.s32 $0x5080;
	s18 =	simm.s32 $0x5880  }
0x7: {  	s19 =	simm.s32 $0x6080;
	s20 =	simm.s32 $0x6880;
	s21 =	simm.s32 $0x7080  }
0x8: {  	s22 =	simm.s32 $0x7880;
	s28 =	simm.s32 $0xA080;
	s29 =	simm.s32 $0xA880  }
0x9: {  	s30 =	simm.s32 $0xB080;
	s31 =	simm.s32 $0xB880;
	s3 =	sand.u32 $0x1, s3  }
0xa: {  	[smem:$0x7FF] =	sst s2;
	s4 =	sshll.u32 s1, $0x4;
	s6 =	sshll.u32 s3, $0x3  }
0xb: {  	_ =	strace $0x8000004A;
	s23 =	ssub.s32 $0x2, s3;
	s3 =	sadd.s32 $0x2000, s0  }
0xc: {  	[dreg:$0x5] =	wrdreg s26;
	s26 =	simm.s32 $0x9880;
	s4 =	sor.u32 s6, s4  }
0xd: {  	s8 =	sshrl.u32 s23, $0x1;
	s7 =	sadd.s32 s4, s0;
	s9 =	smul.u32 $0x300, s4  }
0xe: {  	s6 =	ssub.s32 s23, s8;
	s4 =	sadd.s32 $0x2100, s0;
	s8 =	simm.s32 $0x80  }
0xf: {  	s23 =	simm.s32 $0x8080;
	s24 =	sadd.s32 $0x5C200, s7;
	s6 =	smax.u32 s6, $0x1  }
0x10: {  	v2 =	vlaneseq.u32;
	s7 =	simm.s32 $0x2;
	[dreg:$0x3] =	wrdreg s24;
	s25 =	sadd.s32 s5, s9  }
0x11: {  	vm0 =	vmmov $0xffff;
	v1 =	vshrl.u32 v2, $0x3;
	s5 =	sadd.s32 $0x2200, s0;
	s9 =	simm.s32 $0x1080;
	s24 =	simm.s32 $0x8880  }
0x12: {  	v0 =	vand.u32 $0x7, v2;
	v2 =	vor.u32 $0x8, v2;
	v1 =	vmul.u32 $0x8, v1;
	s0 =	simm.s32 $0x1;
	[dreg:$0x4] =	wrdreg s25;
	s25 =	simm.s32 $0x9080  }
.LBB2_1:
0x13: {  	s1 =	rddreg [dreg:$0x3]  }
0x14: {  	[tilespmem:s2], [sflag:$0x2] =	stream.linear.gather [hbm4b:s1+s2], $0x40, $0x38;
	[tilespmem:$0xC080] =	vst v63  }
0x15: {  	_ =	swait.ge [sflag:s7], $0x40  }
0x16: {  	[sflag:s7] =	ssyncset.done $0x0  }
0x17: {  	[sflag:s7] =	ssyncadd.s32 $0xFFFFFFC0  }
0x18: {  	v3 =	vld [tilespmem:$0x0];
	_ =	sdelay $0x4  }
0x19: {  	v4 =	vshrl.u32 v3, $0x3  }
0x1a: {  	v4 =	vmul.u32 $0x30, v4  }
0x1b: {  	v3 =	vand.u32 $0x7, v3  }
0x1c: {  	v3 =	vor.u32 v3, v4  }
0x1d: {  	v4 =	vperm.xlane v3, v0;
	_ =	sdelay $0x1  }
0x1e: {  	v4 =	vadd.s32 v1, v4;
	_ =	sdelay $0x3  }
0x1f: {  	v3 =	vperm.xlane v3, v2  }
0x20: {  	[tilespmem:s8], [sflag:$0x1] =	stream.indirect_vreg.gather [hbm4b:s3+s2], $0x80, v4, vm0, $0xb8;
	[tilespmem:$0xC080] =	vst v63  }
0x21: {  	s1 =	rddreg [dreg:$0x5];
	v3 =	vadd.s32 v1, v3  }
0x22: {  	[tilespmem:s1], [sflag:$0x1] =	stream.indirect_vreg.gather [hbm4b:s4+s2], $0x80, v4, vm0, $0xb8;
	[tilespmem:$0xC080] =	vst v63  }
0x23: {  	_ = 	snop  }
0x24: {  	[tilespmem:s9], [sflag:$0x1] =	stream.indirect_vreg.gather [hbm4b:s5+s2], $0x80, v4, vm0, $0xb8;
	[tilespmem:$0xC080] =	vst v63  }
0x25: {  	_ = 	snop  }
0x26: {  	[tilespmem:s10], [sflag:$0x1] =	stream.indirect_vreg.gather [hbm4b:s3+s2], $0x80, v3, vm0, $0xb8;
	[tilespmem:$0xC080] =	vst v63  }
0x27: {  	_ = 	snop  }
0x28: {  	[tilespmem:s11], [sflag:$0x1] =	stream.indirect_vreg.gather [hbm4b:s4+s2], $0x80, v3, vm0, $0xb8;
	[tilespmem:$0xC080] =	vst v63  }
0x29: {  	_ = 	snop  }
0x2a: {  	[tilespmem:s12], [sflag:$0x1] =	stream.indirect_vreg.gather [hbm4b:s5+s2], $0x80, v3, vm0, $0xb8;
	[tilespmem:$0xC080] =	vst v63  }
0x2b: {  	v3 =	vld [tilespmem:$0x10];
	_ =	sdelay $0x4  }
0x2c: {  	v61 =	vshrl.u32 v3, $0x3  }
0x2d: {  	v4 =	vmul.u32 $0x30, v61  }
0x2e: {  	v3 =	vand.u32 $0x7, v3  }
0x2f: {  	v3 =	vor.u32 v3, v4  }
0x30: {  	v4 =	vperm.xlane v3, v0;
	_ =	sdelay $0x1  }
0x31: {  	v4 =	vadd.s32 v1, v4;
	_ =	sdelay $0x3  }
0x32: {  	v3 =	vperm.xlane v3, v2  }
0x33: {  	[tilespmem:s13], [sflag:$0x1] =	stream.indirect_vreg.gather [hbm4b:s3+s2], $0x80, v4, vm0, $0xb8;
	[tilespmem:$0xC080] =	vst v63  }
0x34: {  	v3 =	vadd.s32 v1, v3  }
0x35: {  	[tilespmem:s14], [sflag:$0x1] =	stream.indirect_vreg.gather [hbm4b:s4+s2], $0x80, v4, vm0, $0xb8;
	[tilespmem:$0xC080] =	vst v63  }
0x36: {  	_ = 	snop  }
0x37: {  	[tilespmem:s15], [sflag:$0x1] =	stream.indirect_vreg.gather [hbm4b:s5+s2], $0x80, v4, vm0, $0xb8;
	[tilespmem:$0xC080] =	vst v63  }
0x38: {  	_ = 	snop  }
0x39: {  	[tilespmem:s16], [sflag:$0x1] =	stream.indirect_vreg.gather [hbm4b:s3+s2], $0x80, v3, vm0, $0xb8;
	[tilespmem:$0xC080] =	vst v63  }
0x3a: {  	_ = 	snop  }
0x3b: {  	[tilespmem:s17], [sflag:$0x1] =	stream.indirect_vreg.gather [hbm4b:s4+s2], $0x80, v3, vm0, $0xb8;
	[tilespmem:$0xC080] =	vst v63  }
0x3c: {  	_ = 	snop  }
0x3d: {  	[tilespmem:s18], [sflag:$0x1] =	stream.indirect_vreg.gather [hbm4b:s5+s2], $0x80, v3, vm0, $0xb8;
	[tilespmem:$0xC080] =	vst v63  }
0x3e: {  	v3 =	vld [tilespmem:$0x20];
	_ =	sdelay $0x4  }
0x3f: {  	v62 =	vshrl.u32 v3, $0x3  }
0x40: {  	v4 =	vmul.u32 $0x30, v62  }
0x41: {  	v3 =	vand.u32 $0x7, v3  }
0x42: {  	v3 =	vor.u32 v3, v4  }
0x43: {  	v4 =	vperm.xlane v3, v0;
	_ =	sdelay $0x1  }
0x44: {  	v4 =	vadd.s32 v1, v4;
	_ =	sdelay $0x3  }
0x45: {  	v3 =	vperm.xlane v3, v2  }
0x46: {  	[tilespmem:s19], [sflag:$0x1] =	stream.indirect_vreg.gather [hbm4b:s3+s2], $0x80, v4, vm0, $0xb8;
	[tilespmem:$0xC080] =	vst v63  }
0x47: {  	v3 =	vadd.s32 v1, v3  }
0x48: {  	[tilespmem:s20], [sflag:$0x1] =	stream.indirect_vreg.gather [hbm4b:s4+s2], $0x80, v4, vm0, $0xb8;
	[tilespmem:$0xC080] =	vst v63  }
0x49: {  	_ = 	snop  }
0x4a: {  	[tilespmem:s21], [sflag:$0x1] =	stream.indirect_vreg.gather [hbm4b:s5+s2], $0x80, v4, vm0, $0xb8;
	[tilespmem:$0xC080] =	vst v63  }
0x4b: {  	_ = 	snop  }
0x4c: {  	[tilespmem:s22], [sflag:$0x1] =	stream.indirect_vreg.gather [hbm4b:s3+s2], $0x80, v3, vm0, $0xb8;
	[tilespmem:$0xC080] =	vst v63  }
0x4d: {  	_ = 	snop  }
0x4e: {  	[tilespmem:s23], [sflag:$0x1] =	stream.indirect_vreg.gather [hbm4b:s4+s2], $0x80, v3, vm0, $0xb8;
	[tilespmem:$0xC080] =	vst v63  }
0x4f: {  	_ = 	snop  }
0x50: {  	[tilespmem:s24], [sflag:$0x1] =	stream.indirect_vreg.gather [hbm4b:s5+s2], $0x80, v3, vm0, $0xb8;
	[tilespmem:$0xC080] =	vst v63  }
0x51: {  	v3 =	vld [tilespmem:$0x30];
	_ =	sdelay $0x4  }
0x52: {  	v63 =	vshrl.u32 v3, $0x3  }
0x53: {  	v4 =	vmul.u32 $0x30, v63  }
0x54: {  	v3 =	vand.u32 $0x7, v3  }
0x55: {  	v3 =	vor.u32 v3, v4  }
0x56: {  	v4 =	vperm.xlane v3, v0;
	_ =	sdelay $0x1  }
0x57: {  	v4 =	vadd.s32 v1, v4;
	_ =	sdelay $0x3  }
0x58: {  	v3 =	vperm.xlane v3, v2  }
0x59: {  	[tilespmem:s25], [sflag:$0x1] =	stream.indirect_vreg.gather [hbm4b:s3+s2], $0x80, v4, vm0, $0xb8;
	[tilespmem:$0xC080] =	vst v63  }
0x5a: {  	v3 =	vadd.s32 v1, v3  }
0x5b: {  	[tilespmem:s26], [sflag:$0x1] =	stream.indirect_vreg.gather [hbm4b:s4+s2], $0x80, v4, vm0, $0xb8;
	[tilespmem:$0xC080] =	vst v63  }
0x5c: {  	_ = 	snop  }
0x5d: {  	[tilespmem:s28], [sflag:$0x1] =	stream.indirect_vreg.gather [hbm4b:s5+s2], $0x80, v4, vm0, $0xb8;
	[tilespmem:$0xC080] =	vst v63  }
0x5e: {  	_ = 	snop  }
0x5f: {  	[tilespmem:s29], [sflag:$0x1] =	stream.indirect_vreg.gather [hbm4b:s3+s2], $0x80, v3, vm0, $0xb8;
	[tilespmem:$0xC080] =	vst v63  }
0x60: {  	_ = 	snop  }
0x61: {  	[tilespmem:s30], [sflag:$0x1] =	stream.indirect_vreg.gather [hbm4b:s4+s2], $0x80, v3, vm0, $0xb8;
	[tilespmem:$0xC080] =	vst v63  }
0x62: {  	_ = 	snop  }
0x63: {  	[tilespmem:s31], [sflag:$0x1] =	stream.indirect_vreg.gather [hbm4b:s5+s2], $0x80, v3, vm0, $0xb8;
	[tilespmem:$0xC080] =	vst v63  }
0x64: {  	_ =	swait.ge [sflag:s0], $0xC000  }
0x65: {  	p0 =	sne.s32 s6, $0x1;
	[sflag:s0] =	ssyncset.done $0x0  }
.Ltmp0:
0x66: {  	s1 =	rddreg [dreg:$0x4];
	[sflag:s0] =	ssyncadd.s32 $0xFFFF4000;
	(pc) =	sbr.rel @p0 .LBB2_1-.Ltmp0, $4  }
0x67: {  	[hbm4b:s1+s2] =	stream.linear.scatter [tilespmem:s8], [sflag:$0x2], $0xC000, $0x38;
	[tilespmem:$0xC080] =	vst v63  }
0x68: {  	_ =	swait.ge [sflag:s7], $0xC000  }
0x69: {  	[sflag:s7] =	ssyncset.done $0x0  }
0x6a: {  	s6 =	sadd.s32 $0xFFFFFFFF, s6;
	[sflag:s7] =	ssyncadd.s32 $0xFFFF4000  }
0x6b: {  	_ =	sfence.sel $0x180000  }
0x6c: {  	[bflag:$0x0] =	sbarrier.arrive $0xFFFF  }
0x6d: {  	_ =	strace $0x9000004A  }
0x6e: {  	s0 =	stileid.u32;
	[bflag:$0x2] =	sbarrier.arrive $0xFFFF  }
0x6f: {  	p0 =	sne.s32 s0, $0x0;
	s0 =	rddreg [dreg:$0x2]  }
0x70: {  	s0 =	sadd.s32 @!p0 $0x100000, s0  }
0x71: {  	[sflag:s0] =	ssyncadd.tile.s32 @!p0 $0x1;
	_ =	shalt  }
.Lfunc_end2:
_tile_overlayer_lowered:
.L_overlay_start_2:
0x72: {  	(tag) =	ssettag $0x2  }
0x73: {  	s0 =	rddreg [dreg:$0x0];
	s2 =	stileid.u32  }
0x74: {  	s1 =	rddreg [dreg:$0x1];
	p0 =	sne.s32 s2, $0x0  }
0x75: {  	s3 =	rddreg [dreg:$0x2];
	[bflag:$0x3] =	sbarrier.arrive $0xFFFF;
	s2 =	simm.s32 @!p0 $0x1C02  }
0x76: {  	[timem:s3], [sflag:s2] =	dma.local @!p0 [hbm:s0], s1  }
0x77: {  	s0 =	simm.s32 @!p0 $0x2  }
0x78: {  	_ =	swait.ge @!p0 [sflag:s0], s1  }
0x79: {  	s1 =	ssub.s32 @!p0 $0x0, s1;
	[sflag:s0] =	ssyncset.done @!p0 $0x0  }
0x7a: {  	[sflag:s0] =	ssyncadd.s32 @!p0 s1  }
0x7b: {  	[bflag:$0x3] =	sbarrier.arrive $0xFFFF  }
0x7c: {  	_ =	shalt  }

// kernel: kernel.8.cloned.1.call-start
scs
__scs_entry_jumppad:
0x0: {  	(pc) =	sbr.rel $0x88, $3  }
0x1: {  	(tag) =	ssettag $0x0;
	lr =	simm.s32 $0x1  }
0x2: {  	[smem:$0x3F86] =	sst lr;
	_ =	strace $0xD0000000  }
0x3: {  	_ = 	snop  }
0x4: {  	_ = 	snop  }
0x5: {  	_ = 	snop  }
0x6: {  	_ = 	snop  }
0x7: {  	_ = 	snop  }
__scs_overlays_trampoline_lowered:
0x8: {  	[smem:$0x3F95] =	sst s0  }
0x9: {  	[smem:$0x3F96] =	sst s1  }
0xa: {  	[smem:$0x3F97] =	sst s2  }
0xb: {  	[smem:$0x3F98] =	sst s3  }
0xc: {  	[smem:$0x3F99] =	sst s4  }
0xd: {  	[smem:$0x3F9A] =	sst s5  }
0xe: {  	[smem:$0x3F9B] =	sst s6  }
0xf: {  	[smem:$0x3F9C] =	sst s7  }
0x10: {  	[smem:$0x3F9D] =	sst s8  }
0x11: {  	[smem:$0x3F9E] =	sst s9;
	s0 =	simm.s32 @!p0 $0x0  }
0x12: {  	s1 =	sld [smem:$0x3F84];
	s0 =	simm.s32 @p0 $0x1  }
0x13: {  	[smem:$0x3F9F] =	sst s0;
	s0 =	simm.s32 @!p1 $0x0  }
0x14: {  	s2 =	sld [smem:$0x3F83];
	s0 =	simm.s32 @p1 $0x1  }
0x15: {  	[smem:$0x3FA0] =	sst s0;
	s0 =	simm.s32 @!p2 $0x0  }
0x16: {  	s3 =	sld [smem:$0x3FDB];
	s0 =	simm.s32 @p2 $0x1  }
0x17: {  	s4 =	simm.s32 $0x1BF5;
	[smem:$0x3FA2] =	sst s0  }
0x18: {  	s0 =	sld [smem:$0x3F85];
	_ =	swait.ge [sflag:s4], $0x0  }
0x19: {  	s7 =	sld [smem:$0x3F86]  }
0x1a: {  	s8 =	sadd.s32 $0xFFFFE003, lr  }
0x1b: {  	s9 =	sadd.s32 $0xFFFFFEF7, lr;
	s5 =	simm.s32 $0xFFFFFFFF;
	p2 =	slt.u32 s8, $0xFFFFF086  }
0x1c: {  	p1 =	slt.u32 s9, $0xF7A;
	s5 =	simm.s32 @!p2 $0x0  }
0x1d: {  	s5 =	simm.s32 @p1 $0x1;
	p0 =	seq.s32 s7, s2  }
0x1e: {  	s7 =	smul.u32 @!p0 $0xF7A, s2;
	p2 =	seq.s32 @!p0 s5, $0x0  }
0x1f: {  	s9 =	smul.u32 $0xF7A, s1;
	s8 =	simm.s32 @!p0 $0x1BF5;
	p2 =	por !p2, p0  }
0x20: {  	[sflag:s8] =	ssyncset.s32 @!p0 $0xFFFFF086;
	s6 =	sadd.s32 @!p0 s3, s7;
	s7 =	simm.s32 @!p0 $0x108  }
0x21: {  	s3 =	sadd.s32 s3, s9;
	s6 =	sadd.s32 @!p0 $0x88, s6;
	s7 =	simm.s32 @p2 $0x1082  }
0x22: {  	[simem:s7], [sflag:s8] =	dma.local @!p0 [hbm:s6], $0xF7A  }
0x23: {  	s9 =	sor.u32 $0xD0000000, s2;
	s6 =	simm.s32 $0x108;
	_ =	swait.ge @!p0 [sflag:s8], $0x0  }
0x24: {  	s3 =	sadd.s32 $0x88, s3;
	s6 =	simm.s32 @!p1 $0x1082;
	[sflag:s4] =	ssyncset.s32 $0xFFFFF086  }
0x25: {  	[simem:s6], [sflag:s4] =	dma.local [hbm:s3], $0xF7A  }
0x26: {  	[smem:$0x3F86] =	sst s1;
	(tag) =	ssettag s2;
	_ =	strace s9  }
0x27: {  	s1 =	sld [smem:$0x3F96]  }
0x28: {  	s2 =	sld [smem:$0x3F97]  }
0x29: {  	s4 =	sld [smem:$0x3F99]  }
0x2a: {  	p0 =	seq.s32 s5, $0x0;
	s5 =	sld [smem:$0x3F9A]  }
0x2b: {  	s6 =	sld [smem:$0x3F9B]  }
0x2c: {  	s7 =	sld [smem:$0x3F9C]  }
0x2d: {  	s3 =	simm.s32 $0x108;
	s8 =	sld [smem:$0x3F9D]  }
0x2e: {  	s3 =	simm.s32 @!p0 $0x1082;
	s9 =	sld [smem:$0x3F9E]  }
0x2f: {  	lr =	sadd.s32 s0, s3;
	s0 =	sld [smem:$0x3F95]  }
0x30: {  	s3 =	sld [smem:$0x3F98]  }
0x31: {  	[smem:$0x3FA1] =	sst s10  }
0x32: {  	s10 =	sld [smem:$0x3F9F];
	_ =	sdelay $0x3  }
0x33: {  	p0 =	seq.s32 s10, $0x1;
	s10 =	sld [smem:$0x3FA1];
	_ =	sdelay $0x3  }
0x34: {  	[smem:$0x3FA1] =	sst s10  }
0x35: {  	s10 =	sld [smem:$0x3FA0];
	_ =	sdelay $0x3  }
0x36: {  	p1 =	seq.s32 s10, $0x1;
	s10 =	sld [smem:$0x3FA1];
	_ =	sdelay $0x3  }
0x37: {  	[smem:$0x3FA1] =	sst s10  }
0x38: {  	s10 =	sld [smem:$0x3FA2]  }
0x39: {  	_ = 	snop;
	(pc) =	sbr.ind lr, $3  }
0x3a: {  	_ = 	snop  }
0x3b: {  	_ = 	snop  }
0x3c: {  	p2 =	seq.s32 s10, $0x1;
	s10 =	sld [smem:$0x3FA1]  }
0x3d: {  	_ =	shalt  }
0x3e: {  	_ =	shalt  }
0x3f: {  	_ =	shalt  }
0x40: {  	_ =	shalt  }
0x41: {  	_ =	shalt  }
0x42: {  	_ =	shalt  }
0x43: {  	_ =	shalt  }
0x44: {  	_ =	shalt  }
0x45: {  	_ =	shalt  }
0x46: {  	_ =	shalt  }
0x47: {  	_ =	shalt  }
0x48: {  	_ =	shalt  }
0x49: {  	_ =	shalt  }
0x4a: {  	_ =	shalt  }
0x4b: {  	_ =	shalt  }
0x4c: {  	_ =	shalt  }
0x4d: {  	_ =	shalt  }
0x4e: {  	_ =	shalt  }
0x4f: {  	_ =	shalt  }
0x50: {  	_ =	shalt  }
0x51: {  	_ =	shalt  }
0x52: {  	_ =	shalt  }
0x53: {  	_ =	shalt  }
0x54: {  	_ =	shalt  }
0x55: {  	_ =	shalt  }
0x56: {  	_ =	shalt  }
0x57: {  	_ =	shalt  }
0x58: {  	_ =	shalt  }
0x59: {  	_ =	shalt  }
0x5a: {  	_ =	shalt  }
0x5b: {  	_ =	shalt  }
0x5c: {  	_ =	shalt  }
0x5d: {  	_ =	shalt  }
0x5e: {  	_ =	shalt  }
0x5f: {  	_ =	shalt  }
0x60: {  	_ =	shalt  }
0x61: {  	_ =	shalt  }
0x62: {  	_ =	shalt  }
0x63: {  	_ =	shalt  }
0x64: {  	_ =	shalt  }
0x65: {  	_ =	shalt  }
0x66: {  	_ =	shalt  }
0x67: {  	_ =	shalt  }
0x68: {  	_ =	shalt  }
0x69: {  	_ =	shalt  }
0x6a: {  	_ =	shalt  }
0x6b: {  	_ =	shalt  }
0x6c: {  	_ =	shalt  }
0x6d: {  	_ =	shalt  }
0x6e: {  	_ =	shalt  }
0x6f: {  	_ =	shalt  }
0x70: {  	_ =	shalt  }
0x71: {  	_ =	shalt  }
0x72: {  	_ =	shalt  }
0x73: {  	_ =	shalt  }
0x74: {  	_ =	shalt  }
0x75: {  	_ =	shalt  }
0x76: {  	_ =	shalt  }
0x77: {  	_ =	shalt  }
0x78: {  	_ =	shalt  }
0x79: {  	_ =	shalt  }
0x7a: {  	_ =	shalt  }
0x7b: {  	_ =	shalt  }
0x7c: {  	_ =	shalt  }
0x7d: {  	_ =	shalt  }
0x7e: {  	_ =	shalt  }
0x7f: {  	_ =	shalt  }
0x80: {  	_ =	shalt  }
0x81: {  	_ =	shalt  }
0x82: {  	_ =	shalt  }
0x83: {  	_ =	shalt  }
0x84: {  	_ =	shalt  }
0x85: {  	_ =	shalt  }
0x86: {  	_ =	shalt  }
0x87: {  	_ =	shalt  }
.Lfunc_end0:
.L_simem_size_0:
called_computation_lowered:
.L_overlay_start_0:
0x88: {  	s2 =	sld [smem:$0x3FD9]  }
0x89: {  	s3 =	sld [smem:$0x3FFE];
	_ =	sdelay $0x1  }
0x8a: {  	s1 =	srdreg.scid  }
0x8b: {  	s0 =	sand.u32 $0x1, s1  }
0x8c: {  	s17 =	sshll.u32 s0, $0xA;
	s2 =	sadd.s32 s3, s2  }
0x8d: {  	s2 =	sadd.s32 s2, s17  }
0x8e: {  	[smem:$0x3FAD] =	sst s2  }
0x8f: {  	_ = 	snop  }
0x90: {  	s2 =	sld [smem:$0x3FD0];
	(tm) =	ssettm $0x1  }
0x91: {  	s18 =	sld [smem:$0x3FFB];
	_ =	sdelay $0x3  }
0x92: {  	_ =	strace s18  }
0x93: {  	s3 =	sld [smem:$0x3FFC];
	_ =	sdelay $0x3  }
0x94: {  	_ =	strace s3  }
0x95: {  	s3 =	sld [smem:$0x3FFD];
	_ =	sdelay $0x3  }
0x96: {  	_ =	strace s3  }
0x97: {  	_ =	strace $0x8FFFFFFF  }
0x98: {  	s19 =	sld [smem:$0x3FDB];
	_ =	sdelay $0x1  }
0x99: {  	s4 =	simm.s32 $_scs_section_size  }
0x9a: {  	s5 =	simm.s32 $_size__tile_overlayer_lowered;
	s6 =	simm.s32 $_tile_overlayer_lowered  }
0x9b: {  	s22 =	simm.s32 $0x1BFF;
	s21 =	sshll.u32 s6, $0x1;
	s3 =	sadd.s32 s4, s19  }
0x9c: {  	s7 =	simm.s32 $0x0;
	s20 =	sshll.u32 s5, $0x1;
	s5 =	sadd.s32 s21, s3  }
0x9d: {  	[timem:s7], [sflag:s22] =	dma.local [hbm:s5], s20  }
0x9e: {  	_ =	swait.ge [sflag:s22], s20  }
0x9f: {  	s4 =	ssub.s32 $0x0, s20;
	[sflag:s22] =	ssyncset.done $0x0  }
0xa0: {  	[sflag:s22] =	ssyncadd.s32 s4;
	_ =	sdelay $0x1  }
0xa1: {  	s23 =	simm.s32 $0x1B8B  }
0xa2: {  	_ =	swait.ge [sflag:s23], $0x1  }
0xa3: {  	[sflag:s23] =	ssyncset.done $0x0  }
0xa4: {  	s25 =	simm.s32 $0x1B8E;
	s24 =	sld [smem:$0x3FFE];
	[sflag:s23] =	ssyncadd.s32 $0xFFFFFFFF  }
0xa5: {  	s26 =	simm.s32 $execute0_lowered;
	[smem:$0x3FD2] =	sst s25  }
0xa6: {  	s5 =	sshll.u32 s26, $0x1;
	_ =	strace $0x80000046;
	[dreg:$0x1] =	wrdreg $0xFFFFFFFF  }
0xa7: {  	s28 =	simm.s32 $_size_execute0_lowered;
	s3 =	sadd.s32 s3, s5;
	[dreg:$0x0] =	wrdreg $0x0  }
0xa8: {  	s5 =	sshll.u32 s28, $0x1;
	[dreg:$0x2] =	wrdreg s3  }
0xa9: {  	[dreg:$0x3] =	wrdreg s5  }
0xaa: {  	[dreg:$0x4] =	wrdreg $0xC0  }
0xab: {  	_ =	task [dreg:s7], $0x5FFFF  }
0xac: {  	[dreg:$0x1] =	wrdreg $0xFFFFFFFF  }
0xad: {  	[dreg:$0x0] =	wrdreg $0x60  }
0xae: {  	[dreg:$0x2] =	wrdreg s2  }
0xaf: {  	[dreg:$0x3] =	wrdreg s24  }
0xb0: {  	[dreg:$0x4] =	wrdreg $0x9  }
0xb1: {  	_ =	task.clear_ibuf [dreg:s7], $0x5FFFF;
	_ =	strace $0x90000046  }
0xb2: {  	s29 =	simm.s32 $0x9;
	_ =	strace $0x80000048  }
0xb3: {  	_ =	swait.ge [sflag:s29], $0x1  }
0xb4: {  	[sflag:s29] =	ssyncadd.s32 $0xFFFFFFFF  }
0xb5: {  	_ =	strace $0x90000048  }
0xb6: {  	_ =	sfence  }
0xb7: {  	s30 =	sld [smem:$0x0];
	_ =	sdelay $0x2  }
0xb8: {  	s31 =	sshll.u32 s1, $0xD;
	s1 =	sshrl.u32 s1, $0x2  }
0xb9: {  	s3 =	sand.u32 $0x4000, s31;
	s1 =	sadd.s32 s1, s30  }
0xba: {  	s0 =	sor.u32 s3, s0;
	s1 =	sshll.u32 s1, $0x11  }
0xbb: {  	s0 =	sor.u32 s1, s0  }
0xbc: {  	s0 =	sadd.s32 $0x8F2B, s0  }
0xbd: {  	[sflag:s0] =	ssyncadd.remote.s32 $0x1  }
0xbe: {  	_ =	sfence.sel $0xFFFF  }
0xbf: {  	[dreg:$0x0] =	wrdreg $0xFFFFFFFF;
	(pc) =	sbr.abs _section_cstart, $3  }
0xc0: {  	[dreg:$0x1] =	wrdreg $0xFFFFFFFF  }
0xc1: {  	_ =	task.clear_ibuf [dreg:s7], $0x2FFFF;
	_ =	strace $0x9FFFFFFF  }
0xc2: {  	(tm) =	ssettm $0x7FFFFFFF  }
0xc3: {  	_ =	shalt  }
tec
execute0_lowered:
.L_overlay_start_1:
0x0: {  	(tag) =	ssettag $0x1  }
0x1: {  	s1 =	srdreg.scid;
	s0 =	stileid.u32  }
0x2: {  	s2 =	rddreg [dreg:$0x0];
	s1 =	sand.u32 $0x1, s1;
	s3 =	sshll.u32 s0, $0x1  }
0x3: {  	s5 =	rddreg [dreg:$0x1];
	s4 =	sor.u32 s1, s3;
	s3 =	simm.s32 $0x0  }
0x4: {  	s7 =	simm.s32 $0x1880;
	[smem:$0x7FF] =	sst s3  }
0x5: {  	s8 =	simm.s32 $0x2080;
	_ =	strace $0x80000047;
	[dreg:$0x7] =	wrdreg s7  }
0x6: {  	s9 =	simm.s32 $0x2880;
	[dreg:$0x8] =	wrdreg s8  }
0x7: {  	s10 =	simm.s32 $0x3080;
	[dreg:$0x9] =	wrdreg s9  }
0x8: {  	s11 =	simm.s32 $0x3880;
	[dreg:$0xa] =	wrdreg s10  }
0x9: {  	s12 =	simm.s32 $0x4080;
	[dreg:$0xb] =	wrdreg s11  }
0xa: {  	s13 =	simm.s32 $0x4880;
	[dreg:$0xc] =	wrdreg s12  }
0xb: {  	s14 =	simm.s32 $0x5080;
	[dreg:$0xd] =	wrdreg s13  }
0xc: {  	s15 =	simm.s32 $0x5880;
	[dreg:$0xe] =	wrdreg s14  }
0xd: {  	s16 =	simm.s32 $0x6080;
	[dreg:$0xf] =	wrdreg s15  }
0xe: {  	s17 =	simm.s32 $0x6880;
	s18 =	simm.s32 $0x7080;
	[dreg:$0x10] =	wrdreg s16  }
0xf: {  	s19 =	simm.s32 $0x7880;
	s21 =	simm.s32 $0x8080;
	[dreg:$0x11] =	wrdreg s17  }
0x10: {  	s22 =	simm.s32 $0x8880;
	s23 =	simm.s32 $0x9080;
	[dreg:$0x12] =	wrdreg s18  }
0x11: {  	s24 =	simm.s32 $0xA080;
	s25 =	simm.s32 $0xA880;
	[dreg:$0x13] =	wrdreg s19  }
0x12: {  	s26 =	simm.s32 $0xB080;
	s28 =	simm.s32 $0x14880;
	[dreg:$0x14] =	wrdreg s21  }
0x13: {  	s29 =	simm.s32 $0x15080;
	s30 =	simm.s32 $0x15880;
	[dreg:$0x15] =	wrdreg s22  }
0x14: {  	s31 =	simm.s32 $0x16080;
	s1 =	ssub.s32 $0x2, s1;
	[dreg:$0x16] =	wrdreg s23  }
0x15: {  	s6 =	smul.u32 $0xF, s4;
	s20 =	sshrl.u32 s1, $0x1;
	[dreg:$0x18] =	wrdreg s24  }
0x16: {  	s4 =	smul.u32 $0x2D00, s4;
	s1 =	ssub.s32 s1, s20;
	[dreg:$0x19] =	wrdreg s25  }
0x17: {  	s7 =	simm.s32 $0x9880;
	s8 =	simm.s32 $0x80;
	[dreg:$0x1a] =	wrdreg s26  }
0x18: {  	s10 =	simm.s32 $0xC080;
	s11 =	simm.s32 $0xC880;
	s12 =	simm.s32 $0xD080  }
0x19: {  	s13 =	simm.s32 $0xD880;
	s14 =	simm.s32 $0xE080;
	s15 =	simm.s32 $0xE880  }
0x1a: {  	s16 =	simm.s32 $0xF080;
	s17 =	simm.s32 $0xF880;
	s18 =	simm.s32 $0x10080  }
0x1b: {  	s19 =	simm.s32 $0x10880;
	s20 =	simm.s32 $0x11080;
	s21 =	simm.s32 $0x11880  }
0x1c: {  	s22 =	simm.s32 $0x12080;
	s23 =	simm.s32 $0x12880;
	s6 =	sadd.s32 s6, s5  }
0x1d: {  	s4 =	sadd.s32 s4, s5;
	s5 =	simm.s32 $0x880;
	[dreg:$0x17] =	wrdreg s7  }
0x1e: {  	s24 =	simm.s32 $0x13080;
	s0 =	sadd.s32 $0x2000, s6;
	[dreg:$0x5] =	wrdreg s5  }
0x1f: {  	s25 =	simm.s32 $0x13880;
	s4 =	sadd.s32 $0x2200, s4;
	[dreg:$0x3] =	wrdreg s0  }
0x20: {  	v2 =	vlaneseq.u32;
	s26 =	simm.s32 $0x14080;
	s6 =	simm.s32 $0x1080;
	[dreg:$0x4] =	wrdreg s4  }
0x21: {  	vm0 =	vmmov $0xffff;
	v1 =	vshrl.u32 v2, $0x3;
	s7 =	simm.s32 $0x2;
	s5 =	sadd.s32 $0x200, s2;
	[dreg:$0x6] =	wrdreg s6  }
0x22: {  	v0 =	vand.u32 $0x7, v2;
	v2 =	vor.u32 $0x8, v2;
	v1 =	vmul.u32 $0x8, v1;
	s4 =	sadd.s32 $0x100, s2;
	s6 =	smax.u32 s1, $0x1;
	s1 =	simm.s32 $0x1  }
.LBB2_1:
0x23: {  	s0 =	rddreg [dreg:$0x3]  }
0x24: {  	[tilespmem:s3], [sflag:$0x2] =	stream.linear.gather [hbm4b:s0+s3], $0x78, $0x38;
	[tilespmem:$0x16880] =	vst v63  }
0x25: {  	_ =	swait.ge [sflag:s7], $0x78  }
0x26: {  	[sflag:s7] =	ssyncset.done $0x0  }
0x27: {  	[sflag:s7] =	ssyncadd.s32 $0xFFFFFF88  }
0x28: {  	v3 =	vld [tilespmem:$0x0];
	_ =	sdelay $0x4  }
0x29: {  	v4 =	vshrl.u32 v3, $0x3  }
0x2a: {  	v4 =	vmul.u32 $0x30, v4  }
0x2b: {  	v3 =	vand.u32 $0x7, v3  }
0x2c: {  	v3 =	vor.u32 v3, v4  }
0x2d: {  	v4 =	vperm.xlane v3, v0;
	_ =	sdelay $0x1  }
0x2e: {  	v4 =	vadd.s32 v1, v4;
	_ =	sdelay $0x3  }
0x2f: {  	v3 =	vperm.xlane v3, v2  }
0x30: {  	[tilespmem:s8], [sflag:$0x1] =	stream.indirect_vreg.gather [hbm4b:s2+s3], $0x80, v4, vm0, $0xb8;
	[tilespmem:$0x16880] =	vst v63  }
0x31: {  	s0 =	rddreg [dreg:$0x5];
	v3 =	vadd.s32 v1, v3  }
0x32: {  	[tilespmem:s0], [sflag:$0x1] =	stream.indirect_vreg.gather [hbm4b:s4+s3], $0x80, v4, vm0, $0xb8;
	[tilespmem:$0x16880] =	vst v63  }
0x33: {  	s9 =	rddreg [dreg:$0x6]  }
0x34: {  	[tilespmem:s9], [sflag:$0x1] =	stream.indirect_vreg.gather [hbm4b:s5+s3], $0x80, v4, vm0, $0xb8;
	[tilespmem:$0x16880] =	vst v63  }
0x35: {  	s0 =	rddreg [dreg:$0x7]  }
0x36: {  	[tilespmem:s0], [sflag:$0x1] =	stream.indirect_vreg.gather [hbm4b:s2+s3], $0x80, v3, vm0, $0xb8;
	[tilespmem:$0x16880] =	vst v63  }
0x37: {  	s9 =	rddreg [dreg:$0x8]  }
0x38: {  	[tilespmem:s9], [sflag:$0x1] =	stream.indirect_vreg.gather [hbm4b:s4+s3], $0x80, v3, vm0, $0xb8;
	[tilespmem:$0x16880] =	vst v63  }
0x39: {  	s0 =	rddreg [dreg:$0x9]  }
0x3a: {  	[tilespmem:s0], [sflag:$0x1] =	stream.indirect_vreg.gather [hbm4b:s5+s3], $0x80, v3, vm0, $0xb8;
	[tilespmem:$0x16880] =	vst v63  }
0x3b: {  	v3 =	vld [tilespmem:$0x10];
	_ =	sdelay $0x4  }
0x3c: {  	v57 =	vshrl.u32 v3, $0x3  }
0x3d: {  	v4 =	vmul.u32 $0x30, v57  }
0x3e: {  	v3 =	vand.u32 $0x7, v3  }
0x3f: {  	v3 =	vor.u32 v3, v4  }
0x40: {  	v4 =	vperm.xlane v3, v0;
	_ =	sdelay $0x1  }
0x41: {  	v4 =	vadd.s32 v1, v4;
	_ =	sdelay $0x3  }
0x42: {  	s0 =	rddreg [dreg:$0xa];
	v3 =	vperm.xlane v3, v2  }
0x43: {  	[tilespmem:s0], [sflag:$0x1] =	stream.indirect_vreg.gather [hbm4b:s2+s3], $0x80, v4, vm0, $0xb8;
	[tilespmem:$0x16880] =	vst v63  }
0x44: {  	s9 =	rddreg [dreg:$0xb];
	v3 =	vadd.s32 v1, v3  }
0x45: {  	[tilespmem:s9], [sflag:$0x1] =	stream.indirect_vreg.gather [hbm4b:s4+s3], $0x80, v4, vm0, $0xb8;
	[tilespmem:$0x16880] =	vst v63  }
0x46: {  	s0 =	rddreg [dreg:$0xc]  }
0x47: {  	[tilespmem:s0], [sflag:$0x1] =	stream.indirect_vreg.gather [hbm4b:s5+s3], $0x80, v4, vm0, $0xb8;
	[tilespmem:$0x16880] =	vst v63  }
0x48: {  	s9 =	rddreg [dreg:$0xd]  }
0x49: {  	[tilespmem:s9], [sflag:$0x1] =	stream.indirect_vreg.gather [hbm4b:s2+s3], $0x80, v3, vm0, $0xb8;
	[tilespmem:$0x16880] =	vst v63  }
0x4a: {  	s0 =	rddreg [dreg:$0xe]  }
0x4b: {  	[tilespmem:s0], [sflag:$0x1] =	stream.indirect_vreg.gather [hbm4b:s4+s3], $0x80, v3, vm0, $0xb8;
	[tilespmem:$0x16880] =	vst v63  }
0x4c: {  	s9 =	rddreg [dreg:$0xf]  }
0x4d: {  	[tilespmem:s9], [sflag:$0x1] =	stream.indirect_vreg.gather [hbm4b:s5+s3], $0x80, v3, vm0, $0xb8;
	[tilespmem:$0x16880] =	vst v63  }
0x4e: {  	v3 =	vld [tilespmem:$0x20];
	_ =	sdelay $0x4  }
0x4f: {  	v58 =	vshrl.u32 v3, $0x3  }
0x50: {  	v4 =	vmul.u32 $0x30, v58  }
0x51: {  	v3 =	vand.u32 $0x7, v3  }
0x52: {  	v3 =	vor.u32 v3, v4  }
0x53: {  	v4 =	vperm.xlane v3, v0;
	_ =	sdelay $0x1  }
0x54: {  	v4 =	vadd.s32 v1, v4;
	_ =	sdelay $0x3  }
0x55: {  	s0 =	rddreg [dreg:$0x10];
	v3 =	vperm.xlane v3, v2  }
0x56: {  	[tilespmem:s0], [sflag:$0x1] =	stream.indirect_vreg.gather [hbm4b:s2+s3], $0x80, v4, vm0, $0xb8;
	[tilespmem:$0x16880] =	vst v63  }
0x57: {  	s9 =	rddreg [dreg:$0x11];
	v3 =	vadd.s32 v1, v3  }
0x58: {  	[tilespmem:s9], [sflag:$0x1] =	stream.indirect_vreg.gather [hbm4b:s4+s3], $0x80, v4, vm0, $0xb8;
	[tilespmem:$0x16880] =	vst v63  }
0x59: {  	s0 =	rddreg [dreg:$0x12]  }
0x5a: {  	[tilespmem:s0], [sflag:$0x1] =	stream.indirect_vreg.gather [hbm4b:s5+s3], $0x80, v4, vm0, $0xb8;
	[tilespmem:$0x16880] =	vst v63  }
0x5b: {  	s9 =	rddreg [dreg:$0x13]  }
0x5c: {  	[tilespmem:s9], [sflag:$0x1] =	stream.indirect_vreg.gather [hbm4b:s2+s3], $0x80, v3, vm0, $0xb8;
	[tilespmem:$0x16880] =	vst v63  }
0x5d: {  	s0 =	rddreg [dreg:$0x14]  }
0x5e: {  	[tilespmem:s0], [sflag:$0x1] =	stream.indirect_vreg.gather [hbm4b:s4+s3], $0x80, v3, vm0, $0xb8;
	[tilespmem:$0x16880] =	vst v63  }
0x5f: {  	s9 =	rddreg [dreg:$0x15]  }
0x60: {  	[tilespmem:s9], [sflag:$0x1] =	stream.indirect_vreg.gather [hbm4b:s5+s3], $0x80, v3, vm0, $0xb8;
	[tilespmem:$0x16880] =	vst v63  }
0x61: {  	v3 =	vld [tilespmem:$0x30];
	_ =	sdelay $0x4  }
0x62: {  	v59 =	vshrl.u32 v3, $0x3  }
0x63: {  	v4 =	vmul.u32 $0x30, v59  }
0x64: {  	v3 =	vand.u32 $0x7, v3  }
0x65: {  	v3 =	vor.u32 v3, v4  }
0x66: {  	v4 =	vperm.xlane v3, v0;
	_ =	sdelay $0x1  }
0x67: {  	v4 =	vadd.s32 v1, v4;
	_ =	sdelay $0x3  }
0x68: {  	s0 =	rddreg [dreg:$0x16];
	v3 =	vperm.xlane v3, v2  }
0x69: {  	[tilespmem:s0], [sflag:$0x1] =	stream.indirect_vreg.gather [hbm4b:s2+s3], $0x80, v4, vm0, $0xb8;
	[tilespmem:$0x16880] =	vst v63  }
0x6a: {  	s9 =	rddreg [dreg:$0x17];
	v3 =	vadd.s32 v1, v3  }
0x6b: {  	[tilespmem:s9], [sflag:$0x1] =	stream.indirect_vreg.gather [hbm4b:s4+s3], $0x80, v4, vm0, $0xb8;
	[tilespmem:$0x16880] =	vst v63  }
0x6c: {  	s0 =	rddreg [dreg:$0x18]  }
0x6d: {  	[tilespmem:s0], [sflag:$0x1] =	stream.indirect_vreg.gather [hbm4b:s5+s3], $0x80, v4, vm0, $0xb8;
	[tilespmem:$0x16880] =	vst v63  }
0x6e: {  	s9 =	rddreg [dreg:$0x19]  }
0x6f: {  	[tilespmem:s9], [sflag:$0x1] =	stream.indirect_vreg.gather [hbm4b:s2+s3], $0x80, v3, vm0, $0xb8;
	[tilespmem:$0x16880] =	vst v63  }
0x70: {  	s0 =	rddreg [dreg:$0x1a]  }
0x71: {  	[tilespmem:s0], [sflag:$0x1] =	stream.indirect_vreg.gather [hbm4b:s4+s3], $0x80, v3, vm0, $0xb8;
	[tilespmem:$0x16880] =	vst v63  }
0x72: {  	s9 =	simm.s32 $0xB880  }
0x73: {  	[tilespmem:s9], [sflag:$0x1] =	stream.indirect_vreg.gather [hbm4b:s5+s3], $0x80, v3, vm0, $0xb8;
	[tilespmem:$0x16880] =	vst v63  }
0x74: {  	v3 =	vld [tilespmem:$0x40];
	_ =	sdelay $0x4  }
0x75: {  	v60 =	vshrl.u32 v3, $0x3  }
0x76: {  	v4 =	vmul.u32 $0x30, v60  }
0x77: {  	v3 =	vand.u32 $0x7, v3  }
0x78: {  	v3 =	vor.u32 v3, v4  }
0x79: {  	v4 =	vperm.xlane v3, v0;
	_ =	sdelay $0x1  }
0x7a: {  	v4 =	vadd.s32 v1, v4;
	_ =	sdelay $0x3  }
0x7b: {  	v3 =	vperm.xlane v3, v2  }
0x7c: {  	[tilespmem:s10], [sflag:$0x1] =	stream.indirect_vreg.gather [hbm4b:s2+s3], $0x80, v4, vm0, $0xb8;
	[tilespmem:$0x16880] =	vst v63  }
0x7d: {  	v3 =	vadd.s32 v1, v3  }
0x7e: {  	[tilespmem:s11], [sflag:$0x1] =	stream.indirect_vreg.gather [hbm4b:s4+s3], $0x80, v4, vm0, $0xb8;
	[tilespmem:$0x16880] =	vst v63  }
0x7f: {  	_ = 	snop  }
0x80: {  	[tilespmem:s12], [sflag:$0x1] =	stream.indirect_vreg.gather [hbm4b:s5+s3], $0x80, v4, vm0, $0xb8;
	[tilespmem:$0x16880] =	vst v63  }
0x81: {  	_ = 	snop  }
0x82: {  	[tilespmem:s13], [sflag:$0x1] =	stream.indirect_vreg.gather [hbm4b:s2+s3], $0x80, v3, vm0, $0xb8;
	[tilespmem:$0x16880] =	vst v63  }
0x83: {  	_ = 	snop  }
0x84: {  	[tilespmem:s14], [sflag:$0x1] =	stream.indirect_vreg.gather [hbm4b:s4+s3], $0x80, v3, vm0, $0xb8;
	[tilespmem:$0x16880] =	vst v63  }
0x85: {  	_ = 	snop  }
0x86: {  	[tilespmem:s15], [sflag:$0x1] =	stream.indirect_vreg.gather [hbm4b:s5+s3], $0x80, v3, vm0, $0xb8;
	[tilespmem:$0x16880] =	vst v63  }
0x87: {  	v3 =	vld [tilespmem:$0x50];
	_ =	sdelay $0x4  }
0x88: {  	v61 =	vshrl.u32 v3, $0x3  }
0x89: {  	v4 =	vmul.u32 $0x30, v61  }
0x8a: {  	v3 =	vand.u32 $0x7, v3  }
0x8b: {  	v3 =	vor.u32 v3, v4  }
0x8c: {  	v4 =	vperm.xlane v3, v0;
	_ =	sdelay $0x1  }
0x8d: {  	v4 =	vadd.s32 v1, v4;
	_ =	sdelay $0x3  }
0x8e: {  	v3 =	vperm.xlane v3, v2  }
0x8f: {  	[tilespmem:s16], [sflag:$0x1] =	stream.indirect_vreg.gather [hbm4b:s2+s3], $0x80, v4, vm0, $0xb8;
	[tilespmem:$0x16880] =	vst v63  }
0x90: {  	v3 =	vadd.s32 v1, v3  }
0x91: {  	[tilespmem:s17], [sflag:$0x1] =	stream.indirect_vreg.gather [hbm4b:s4+s3], $0x80, v4, vm0, $0xb8;
	[tilespmem:$0x16880] =	vst v63  }
0x92: {  	_ = 	snop  }
0x93: {  	[tilespmem:s18], [sflag:$0x1] =	stream.indirect_vreg.gather [hbm4b:s5+s3], $0x80, v4, vm0, $0xb8;
	[tilespmem:$0x16880] =	vst v63  }
0x94: {  	_ = 	snop  }
0x95: {  	[tilespmem:s19], [sflag:$0x1] =	stream.indirect_vreg.gather [hbm4b:s2+s3], $0x80, v3, vm0, $0xb8;
	[tilespmem:$0x16880] =	vst v63  }
0x96: {  	_ = 	snop  }
0x97: {  	[tilespmem:s20], [sflag:$0x1] =	stream.indirect_vreg.gather [hbm4b:s4+s3], $0x80, v3, vm0, $0xb8;
	[tilespmem:$0x16880] =	vst v63  }
0x98: {  	_ = 	snop  }
0x99: {  	[tilespmem:s21], [sflag:$0x1] =	stream.indirect_vreg.gather [hbm4b:s5+s3], $0x80, v3, vm0, $0xb8;
	[tilespmem:$0x16880] =	vst v63  }
0x9a: {  	v3 =	vld [tilespmem:$0x60];
	_ =	sdelay $0x4  }
0x9b: {  	v62 =	vshrl.u32 v3, $0x3  }
0x9c: {  	v4 =	vmul.u32 $0x30, v62  }
0x9d: {  	v3 =	vand.u32 $0x7, v3  }
0x9e: {  	v3 =	vor.u32 v3, v4  }
0x9f: {  	v4 =	vperm.xlane v3, v0;
	_ =	sdelay $0x1  }
0xa0: {  	v4 =	vadd.s32 v1, v4;
	_ =	sdelay $0x3  }
0xa1: {  	v3 =	vperm.xlane v3, v2  }
0xa2: {  	[tilespmem:s22], [sflag:$0x1] =	stream.indirect_vreg.gather [hbm4b:s2+s3], $0x80, v4, vm0, $0xb8;
	[tilespmem:$0x16880] =	vst v63  }
0xa3: {  	v3 =	vadd.s32 v1, v3  }
0xa4: {  	[tilespmem:s23], [sflag:$0x1] =	stream.indirect_vreg.gather [hbm4b:s4+s3], $0x80, v4, vm0, $0xb8;
	[tilespmem:$0x16880] =	vst v63  }
0xa5: {  	_ = 	snop  }
0xa6: {  	[tilespmem:s24], [sflag:$0x1] =	stream.indirect_vreg.gather [hbm4b:s5+s3], $0x80, v4, vm0, $0xb8;
	[tilespmem:$0x16880] =	vst v63  }
0xa7: {  	_ = 	snop  }
0xa8: {  	[tilespmem:s25], [sflag:$0x1] =	stream.indirect_vreg.gather [hbm4b:s2+s3], $0x80, v3, vm0, $0xb8;
	[tilespmem:$0x16880] =	vst v63  }
0xa9: {  	_ = 	snop  }
0xaa: {  	[tilespmem:s26], [sflag:$0x1] =	stream.indirect_vreg.gather [hbm4b:s4+s3], $0x80, v3, vm0, $0xb8;
	[tilespmem:$0x16880] =	vst v63  }
0xab: {  	_ = 	snop  }
0xac: {  	[tilespmem:s28], [sflag:$0x1] =	stream.indirect_vreg.gather [hbm4b:s5+s3], $0x80, v3, vm0, $0xb8;
	[tilespmem:$0x16880] =	vst v63  }
0xad: {  	v3 =	vld.msk [tilespmem:$0x70], $0xff;
	_ =	sdelay $0x4  }
0xae: {  	v63 =	vshrl.u32 v3, $0x3  }
0xaf: {  	v4 =	vmul.u32 $0x30, v63  }
0xb0: {  	v3 =	vand.u32 $0x7, v3  }
0xb1: {  	v3 =	vor.u32 v3, v4  }
0xb2: {  	v3 =	vperm.xlane v3, v0;
	_ =	sdelay $0x1  }
0xb3: {  	v3 =	vadd.s32 v1, v3;
	_ =	sdelay $0x4  }
0xb4: {  	[tilespmem:s29], [sflag:$0x1] =	stream.indirect_vreg.gather [hbm4b:s2+s3], $0x80, v3, vm0, $0xb8;
	[tilespmem:$0x16880] =	vst v63  }
0xb5: {  	_ = 	snop  }
0xb6: {  	[tilespmem:s30], [sflag:$0x1] =	stream.indirect_vreg.gather [hbm4b:s4+s3], $0x80, v3, vm0, $0xb8;
	[tilespmem:$0x16880] =	vst v63  }
0xb7: {  	_ = 	snop  }
0xb8: {  	[tilespmem:s31], [sflag:$0x1] =	stream.indirect_vreg.gather [hbm4b:s5+s3], $0x80, v3, vm0, $0xb8;
	[tilespmem:$0x16880] =	vst v63  }
0xb9: {  	_ =	swait.ge [sflag:s1], $0x16800  }
0xba: {  	p0 =	sne.s32 s6, $0x1;
	[sflag:s1] =	ssyncset.done $0x0  }
.Ltmp0:
0xbb: {  	s9 =	rddreg [dreg:$0x4];
	[sflag:s1] =	ssyncadd.s32 $0xFFFE9800;
	(pc) =	sbr.rel @p0 .LBB2_1-.Ltmp0, $4  }
0xbc: {  	[hbm4b:s9+s3] =	stream.linear.scatter [tilespmem:s8], [sflag:$0x2], $0x16800, $0x38;
	[tilespmem:$0x16880] =	vst v63  }
0xbd: {  	_ =	swait.ge [sflag:s7], $0x16800  }
0xbe: {  	[sflag:s7] =	ssyncset.done $0x0  }
0xbf: {  	s6 =	sadd.s32 $0xFFFFFFFF, s6;
	[sflag:s7] =	ssyncadd.s32 $0xFFFE9800  }
0xc0: {  	_ =	sfence.sel $0x180000  }
0xc1: {  	[bflag:$0x0] =	sbarrier.arrive $0xFFFF  }
0xc2: {  	_ =	strace $0x90000047  }
0xc3: {  	s0 =	stileid.u32;
	[bflag:$0x2] =	sbarrier.arrive $0xFFFF  }
0xc4: {  	p0 =	sne.s32 s0, $0x0;
	s0 =	rddreg [dreg:$0x2]  }
0xc5: {  	s0 =	sadd.s32 @!p0 $0x100000, s0  }
0xc6: {  	[sflag:s0] =	ssyncadd.tile.s32 @!p0 $0x1;
	_ =	shalt  }
.Lfunc_end2:
_tile_overlayer_lowered:
.L_overlay_start_2:
0xc7: {  	(tag) =	ssettag $0x2  }
0xc8: {  	s0 =	rddreg [dreg:$0x0];
	s2 =	stileid.u32  }
0xc9: {  	s1 =	rddreg [dreg:$0x1];
	p0 =	sne.s32 s2, $0x0  }
0xca: {  	s3 =	rddreg [dreg:$0x2];
	[bflag:$0x3] =	sbarrier.arrive $0xFFFF;
	s2 =	simm.s32 @!p0 $0x1C02  }
0xcb: {  	[timem:s3], [sflag:s2] =	dma.local @!p0 [hbm:s0], s1  }
0xcc: {  	s0 =	simm.s32 @!p0 $0x2  }
0xcd: {  	_ =	swait.ge @!p0 [sflag:s0], s1  }
0xce: {  	s1 =	ssub.s32 @!p0 $0x0, s1;
	[sflag:s0] =	ssyncset.done @!p0 $0x0  }
0xcf: {  	[sflag:s0] =	ssyncadd.s32 @!p0 s1  }
0xd0: {  	[bflag:$0x3] =	sbarrier.arrive $0xFFFF  }
0xd1: {  	_ =	shalt  }

</sc_bundles>
